<compile_context>
chip_gen: v7x
topology: tpu7x:2x2x1
jax: 0.10.2.dev20260603
libtpu: 0.0.44.dev20260713+nightly
codegen_flags: <defaults>
</compile_context>

<pallas_src>
import functools

import jax
import jax.numpy as jnp
from jax import lax
from jax.experimental import pallas as pl
from jax.experimental.pallas import tpu as pltpu
from jax.experimental.pallas import tpu_sc as plsc

HIDDEN = 3072
SEQ = 4096
NUM_TOKENS = 2 * SEQ
NC = 2
NS = 16
NW = NC * NS
PER_W = NUM_TOKENS // NW
CHUNK = 16
SIZES = [8] + [16] * 15 + [8]
OFFS = [sum(SIZES[:k]) for k in range(len(SIZES))]
NBUF = 2

_mesh = plsc.VectorSubcoreMesh(core_axis_name="c", subcore_axis_name="s")


@functools.partial(
    pl.kernel,
    mesh=_mesh,
    out_type=jax.ShapeDtypeStruct((2, SEQ, HIDDEN), jnp.float32),
    scratch_types=[
        pltpu.VMEM((PER_W,), jnp.int32),
        pltpu.VMEM((NBUF, CHUNK, HIDDEN), jnp.float32),
        pltpu.SemaphoreType.DMA,
        pltpu.SemaphoreType.DMA,
        pltpu.SemaphoreType.DMA,
        pltpu.SemaphoreType.DMA,
    ],
)
def _embed_lookup(table_hbm, ids_hbm, out_hbm, idx_v, rows_v, si0, si1, so0, so1):
    in_sem = (si0, si1)
    out_sem = (so0, so1)
    wid = lax.axis_index("s") * NC + lax.axis_index("c")
    tiles_per_row = SEQ // PER_W
    brow = wid // tiles_per_row
    bcol = (wid % tiles_per_row) * PER_W
    pltpu.sync_copy(ids_hbm.at[brow, pl.ds(bcol, PER_W)], idx_v)

    def gather(j, b):
        return pltpu.async_copy(
            table_hbm.at[idx_v.at[pl.ds(OFFS[j], SIZES[j])]],
            rows_v.at[b, pl.ds(0, SIZES[j])],
            in_sem[b],
        )

    def put(j, b):
        return pltpu.async_copy(
            rows_v.at[b, pl.ds(0, SIZES[j])],
            out_hbm.at[brow, pl.ds(bcol + OFFS[j], SIZES[j])],
            out_sem[b],
        )

    nchunk = len(SIZES)
    gcp = [gather(0, 0), gather(1, 1)]
    pcp = [None, None]
    for j in range(nchunk):
        b = j % NBUF
        gcp[b].wait()
        pcp[b] = put(j, b)
        if j + NBUF < nchunk:
            pcp[b].wait()
            gcp[b] = gather(j + NBUF, b)
    pcp[0].wait()
    pcp[1].wait()


def kernel(embed_weight, input_ids):
    return _embed_lookup(embed_weight, input_ids.astype(jnp.int32))

# --- scband reference (transcript-rebuilt; emitter-appended) ---
"""Pipeline reference for scband-embed-model-20787641712802 (READ-ONLY COPY).

The authoritative reference and input builder live on the scoring server;
editing this copy changes nothing except your own understanding.
"""

import jax, jax.numpy as jnp
import numpy as np

VOCAB_SIZE = 32064
HIDDEN_SIZE = 3072
PAD_IDX = 0
BATCH = 2
SEQ_LEN = 4096


def setup_inputs(seed: int = 0) -> dict:
    key = jax.random.key(seed)
    k_ids, k_w = jax.random.split(key)
    input_ids = jax.random.randint(k_ids, (BATCH, SEQ_LEN), 0, VOCAB_SIZE, dtype=jnp.int64 if jax.config.jax_enable_x64 else jnp.int32)
    embed_weight = jax.random.normal(k_w, (VOCAB_SIZE, HIDDEN_SIZE), dtype=jnp.float32)
    # nn.Embedding with padding_idx initializes that row to zero
    embed_weight = embed_weight.at[PAD_IDX].set(0.0)
    return {"embed_weight": embed_weight, "input_ids": input_ids}


def reference(embed_weight, input_ids):
    # self.embed_tokens(input_ids): embedding gather
    inputs_embeds = jnp.take(embed_weight, input_ids, axis=0)
    # self.embed_dropout with embd_pdrop=0.0 (and eval mode) is identity
    return inputs_embeds

if __name__ == "__main__":
    import jax
    _d = setup_inputs()
    print(jax.jit(kernel)(*tuple(_d.values())))

</pallas_src>

<mosaic_0001>
#map = affine_map<(d0, d1) -> (0, 0)>
#map1 = affine_map<(d0, d1) -> (0, 0, 0)>
module attributes {stable_mosaic.version = 14 : i64} {
  func.func @_embed_lookup(%arg0: i32, %arg1: i32, %arg2: memref<32064x3072xf32, #tpu.memory_space<hbm>>, %arg3: memref<2x4096xi32, #tpu.memory_space<hbm>>, %arg4: memref<2x4096x3072xf32, #tpu.memory_space<hbm>>, %arg5: memref<256xi32, #tpu.memory_space<vmem>>, %arg6: memref<2x16x3072xf32, #tpu.memory_space<vmem>>, %arg7: memref<!tpu.dma_semaphore, #tpu.memory_space<semaphore_mem>>, %arg8: memref<!tpu.dma_semaphore, #tpu.memory_space<semaphore_mem>>, %arg9: memref<!tpu.dma_semaphore, #tpu.memory_space<semaphore_mem>>, %arg10: memref<!tpu.dma_semaphore, #tpu.memory_space<semaphore_mem>>) attributes {dimension_semantics = [#tpu.dimension_semantics<core_parallel>, #tpu.dimension_semantics<subcore_parallel>], iteration_bounds = array<i64: 2, 16>, scalar_prefetch = 0 : i64, scratch_operands = 6 : i64, tpu.core_type = #tpu.core_type<sc_vector_subcore>, window_params = [{transform_indices = #map}, {transform_indices = #map}, {transform_indices = #map1}]} {
    %mul3A = arith.constant 2 : i32
    %mul3A_0 = arith.muli %arg1, %mul3A : i32
    %add3A = arith.addi %mul3A_0, %arg0 : i32
    %jit3A = arith.constant 16 : i32
    %div3A = arith.divsi %add3A, %jit3A : i32
    %sign3A = arith.constant 0 : i32
    %sign3A_1 = arith.cmpi sgt, %add3A, %sign3A : i32
    %sign3A_2 = arith.extui %sign3A_1 : i1 to i32
    %sign3A_3 = arith.constant 0 : i32
    %sign3A_4 = arith.cmpi slt, %add3A, %sign3A_3 : i32
    %sign3A_5 = arith.extui %sign3A_4 : i1 to i32
    %sign3A_6 = arith.subi %sign3A_2, %sign3A_5 : i32
    %sign3A_7 = arith.constant 0 : i32
    %sign3A_8 = arith.cmpi sgt, %jit3A, %sign3A_7 : i32
    %sign3A_9 = arith.extui %sign3A_8 : i1 to i32
    %sign3A_10 = arith.constant 0 : i32
    %sign3A_11 = arith.cmpi slt, %jit3A, %sign3A_10 : i32
    %sign3A_12 = arith.extui %sign3A_11 : i1 to i32
    %sign3A_13 = arith.subi %sign3A_9, %sign3A_12 : i32
    %ne3A = arith.cmpi ne, %sign3A_6, %sign3A_13 : i32
    %rem3A = arith.remsi %add3A, %jit3A : i32
    %ne3A_14 = arith.constant 0 : i32
    %ne3A_15 = arith.cmpi ne, %rem3A, %ne3A_14 : i32
    %and3A = arith.andi %ne3A, %ne3A_15 : i1
    %sub3A = arith.constant 1 : i32
    %sub3A_16 = arith.subi %div3A, %sub3A : i32
    %select_n3A = arith.select %and3A, %sub3A_16, %div3A : i32
    %jit3A_17 = arith.constant 16 : i32
    %eq3A = arith.constant 0 : i32
    %eq3A_18 = arith.cmpi eq, %jit3A_17, %eq3A : i32
    %jit3A_19 = arith.constant 1 : i32
    %select_n3A_20 = arith.select %eq3A_18, %jit3A_19, %jit3A_17 : i32
    %rem3A_21 = arith.remsi %add3A, %select_n3A_20 : i32
    %ne3A_22 = arith.constant 0 : i32
    %ne3A_23 = arith.cmpi ne, %rem3A_21, %ne3A_22 : i32
    %lt3A = arith.constant 0 : i32
    %lt3A_24 = arith.cmpi slt, %rem3A_21, %lt3A : i32
    %lt3A_25 = arith.constant 0 : i32
    %lt3A_26 = arith.cmpi slt, %select_n3A_20, %lt3A_25 : i32
    %ne3A_27 = arith.xori %lt3A_24, %lt3A_26 : i1
    %and3A_28 = arith.andi %ne3A_27, %ne3A_23 : i1
    %add3A_29 = arith.addi %rem3A_21, %select_n3A_20 : i32
    %select_n3A_30 = arith.select %and3A_28, %add3A_29, %rem3A_21 : i32
    %mul3A_31 = arith.constant 256 : i32
    %mul3A_32 = arith.muli %select_n3A_30, %mul3A_31 : i32
    "tpu.region"() ({
      %run_scoped3A = tpu.sem_alloc : memref<!tpu.dma_semaphore, #tpu.memory_space<semaphore_mem>>
      %dma_start3A_915 = tpu.memref_slice %arg3[%select_n3A, %mul3A_32] : memref<2x4096xi32, #tpu.memory_space<hbm>> -> memref<1x256xi32, #tpu.memory_space<hbm>>
      %dma_start3A_916 = tpu.memref_squeeze %dma_start3A_915 : memref<1x256xi32, #tpu.memory_space<hbm>> -> memref<256xi32, #tpu.memory_space<hbm>>
      %dma_start3A_917 = tpu.memref_slice %arg3[%select_n3A, %mul3A_32] : memref<2x4096xi32, #tpu.memory_space<hbm>> -> memref<1x256xi32, #tpu.memory_space<hbm>>
      %dma_start3A_918 = tpu.memref_squeeze %dma_start3A_917 : memref<1x256xi32, #tpu.memory_space<hbm>> -> memref<256xi32, #tpu.memory_space<hbm>>
      tpu.enqueue_dma source(%dma_start3A_918 : memref<256xi32, #tpu.memory_space<hbm>>) target(%arg5 : memref<256xi32, #tpu.memory_space<vmem>>) target_semaphore(%run_scoped3A : memref<!tpu.dma_semaphore, #tpu.memory_space<semaphore_mem>>)
      %dma_wait3A_919 = tpu.memref_slice %arg3[%select_n3A, %mul3A_32] : memref<2x4096xi32, #tpu.memory_space<hbm>> -> memref<1x256xi32, #tpu.memory_space<hbm>>
      %dma_wait3A_920 = tpu.memref_squeeze %dma_wait3A_919 : memref<1x256xi32, #tpu.memory_space<hbm>> -> memref<256xi32, #tpu.memory_space<hbm>>
      %dma_wait3A_921 = tpu.memref_slice %arg3[%select_n3A, %mul3A_32] : memref<2x4096xi32, #tpu.memory_space<hbm>> -> memref<1x256xi32, #tpu.memory_space<hbm>>
      %dma_wait3A_922 = tpu.memref_squeeze %dma_wait3A_921 : memref<1x256xi32, #tpu.memory_space<hbm>> -> memref<256xi32, #tpu.memory_space<hbm>>
      tpu.wait_dma2 semaphore(%run_scoped3A : memref<!tpu.dma_semaphore, #tpu.memory_space<semaphore_mem>>) src(%dma_wait3A_922 : memref<256xi32, #tpu.memory_space<hbm>>) dst(%arg5 : memref<256xi32, #tpu.memory_space<vmem>>)
      tpu.yield
    }) : () -> ()
    %dma_start3A = arith.constant 0 : i32
    %dma_start3A_33 = arith.constant 0 : i32
    %dma_start3A_34 = arith.constant 0 : i32
    %dma_start3A_35 = tpu.memref_slice %arg6[%dma_start3A, %dma_start3A_33, %dma_start3A_34] : memref<2x16x3072xf32, #tpu.memory_space<vmem>> -> memref<1x8x3072xf32, #tpu.memory_space<vmem>>
    %dma_start3A_36 = tpu.memref_squeeze %dma_start3A_35 : memref<1x8x3072xf32, #tpu.memory_space<vmem>> -> memref<8x3072xf32, #tpu.memory_space<vmem>>
    %dma_start3A_37 = arith.constant 0 : i32
    %dma_start3A_38 = tpu.memref_slice %arg5[%dma_start3A_37] : memref<256xi32, #tpu.memory_space<vmem>> -> memref<8xi32, #tpu.memory_space<vmem>>
    %dma_start3A_39 = arith.constant 0 : i32
    %dma_start3A_40 = arith.constant 0 : i32
    %dma_start3A_41 = tpu.memref_slice %arg2[%dma_start3A_39, %dma_start3A_40] : memref<32064x3072xf32, #tpu.memory_space<hbm>> -> memref<32064x3072xf32, #tpu.memory_space<hbm>>
    tpu.enqueue_indirect_dma source(%dma_start3A_41 : memref<32064x3072xf32, #tpu.memory_space<hbm>>) target(%dma_start3A_36 : memref<8x3072xf32, #tpu.memory_space<vmem>>) offsets(%dma_start3A_38 : memref<8xi32, #tpu.memory_space<vmem>>) semaphore(%arg7 : memref<!tpu.dma_semaphore, #tpu.memory_space<semaphore_mem>>)
    %dma_start3A_42 = arith.constant 1 : i32
    %dma_start3A_43 = arith.constant 0 : i32
    %dma_start3A_44 = arith.constant 0 : i32
    %dma_start3A_45 = tpu.memref_slice %arg6[%dma_start3A_42, %dma_start3A_43, %dma_start3A_44] : memref<2x16x3072xf32, #tpu.memory_space<vmem>> -> memref<1x16x3072xf32, #tpu.memory_space<vmem>>
    %dma_start3A_46 = tpu.memref_squeeze %dma_start3A_45 : memref<1x16x3072xf32, #tpu.memory_space<vmem>> -> memref<16x3072xf32, #tpu.memory_space<vmem>>
    %dma_start3A_47 = arith.constant 8 : i32
    %dma_start3A_48 = tpu.memref_slice %arg5[%dma_start3A_47] : memref<256xi32, #tpu.memory_space<vmem>> -> memref<16xi32, #tpu.memory_space<vmem>>
    %dma_start3A_49 = arith.constant 0 : i32
    %dma_start3A_50 = arith.constant 0 : i32
    %dma_start3A_51 = tpu.memref_slice %arg2[%dma_start3A_49, %dma_start3A_50] : memref<32064x3072xf32, #tpu.memory_space<hbm>> -> memref<32064x3072xf32, #tpu.memory_space<hbm>>
    tpu.enqueue_indirect_dma source(%dma_start3A_51 : memref<32064x3072xf32, #tpu.memory_space<hbm>>) target(%dma_start3A_46 : memref<16x3072xf32, #tpu.memory_space<vmem>>) offsets(%dma_start3A_48 : memref<16xi32, #tpu.memory_space<vmem>>) semaphore(%arg8 : memref<!tpu.dma_semaphore, #tpu.memory_space<semaphore_mem>>)
    %dma_wait3A = arith.constant 0 : i32
    %dma_wait3A_52 = arith.constant 0 : i32
    %dma_wait3A_53 = arith.constant 0 : i32
    %dma_wait3A_54 = tpu.memref_slice %arg6[%dma_wait3A, %dma_wait3A_52, %dma_wait3A_53] : memref<2x16x3072xf32, #tpu.memory_space<vmem>> -> memref<1x8x3072xf32, #tpu.memory_space<vmem>>
    %dma_wait3A_55 = tpu.memref_squeeze %dma_wait3A_54 : memref<1x8x3072xf32, #tpu.memory_space<vmem>> -> memref<8x3072xf32, #tpu.memory_space<vmem>>
    %dma_wait3A_56 = arith.constant 0 : i32
    %dma_wait3A_57 = tpu.memref_slice %arg5[%dma_wait3A_56] : memref<256xi32, #tpu.memory_space<vmem>> -> memref<8xi32, #tpu.memory_space<vmem>>
    %dma_wait3A_58 = arith.constant 0 : i32
    %dma_wait3A_59 = arith.constant 0 : i32
    %dma_wait3A_60 = tpu.memref_slice %arg2[%dma_wait3A_58, %dma_wait3A_59] : memref<32064x3072xf32, #tpu.memory_space<hbm>> -> memref<32064x3072xf32, #tpu.memory_space<hbm>>
    tpu.wait_indirect_dma semaphore(%arg7 : memref<!tpu.dma_semaphore, #tpu.memory_space<semaphore_mem>>) src(%dma_wait3A_60 : memref<32064x3072xf32, #tpu.memory_space<hbm>>) dst(%dma_wait3A_55 : memref<8x3072xf32, #tpu.memory_space<vmem>>)
    %add3A_61 = arith.constant 0 : i32
    %add3A_62 = arith.addi %mul3A_32, %add3A_61 : i32
    %dma_start3A_63 = arith.constant 0 : i32
    %dma_start3A_64 = arith.constant 0 : i32
    %dma_start3A_65 = arith.constant 0 : i32
    %dma_start3A_66 = tpu.memref_slice %arg6[%dma_start3A_63, %dma_start3A_64, %dma_start3A_65] : memref<2x16x3072xf32, #tpu.memory_space<vmem>> -> memref<1x8x3072xf32, #tpu.memory_space<vmem>>
    %dma_start3A_67 = tpu.memref_squeeze %dma_start3A_66 : memref<1x8x3072xf32, #tpu.memory_space<vmem>> -> memref<8x3072xf32, #tpu.memory_space<vmem>>
    %dma_start3A_68 = arith.constant 0 : i32
    %dma_start3A_69 = tpu.memref_slice %arg4[%select_n3A, %add3A_62, %dma_start3A_68] : memref<2x4096x3072xf32, #tpu.memory_space<hbm>> -> memref<1x8x3072xf32, #tpu.memory_space<hbm>>
    %dma_start3A_70 = tpu.memref_squeeze %dma_start3A_69 : memref<1x8x3072xf32, #tpu.memory_space<hbm>> -> memref<8x3072xf32, #tpu.memory_space<hbm>>
    %dma_start3A_71 = arith.constant 0 : i32
    %dma_start3A_72 = tpu.memref_slice %arg4[%select_n3A, %add3A_62, %dma_start3A_71] : memref<2x4096x3072xf32, #tpu.memory_space<hbm>> -> memref<1x8x3072xf32, #tpu.memory_space<hbm>>
    %dma_start3A_73 = tpu.memref_squeeze %dma_start3A_72 : memref<1x8x3072xf32, #tpu.memory_space<hbm>> -> memref<8x3072xf32, #tpu.memory_space<hbm>>
    %dma_start3A_74 = arith.constant 0 : i32
    %dma_start3A_75 = arith.constant 0 : i32
    %dma_start3A_76 = tpu.memref_slice %arg6[%dma_start3A_63, %dma_start3A_74, %dma_start3A_75] : memref<2x16x3072xf32, #tpu.memory_space<vmem>> -> memref<1x8x3072xf32, #tpu.memory_space<vmem>>
    %dma_start3A_77 = tpu.memref_squeeze %dma_start3A_76 : memref<1x8x3072xf32, #tpu.memory_space<vmem>> -> memref<8x3072xf32, #tpu.memory_space<vmem>>
    tpu.enqueue_dma source(%dma_start3A_77 : memref<8x3072xf32, #tpu.memory_space<vmem>>) target(%dma_start3A_73 : memref<8x3072xf32, #tpu.memory_space<hbm>>) target_semaphore(%arg9 : memref<!tpu.dma_semaphore, #tpu.memory_space<semaphore_mem>>)
    %dma_wait3A_78 = arith.constant 0 : i32
    %dma_wait3A_79 = arith.constant 0 : i32
    %dma_wait3A_80 = arith.constant 0 : i32
    %dma_wait3A_81 = tpu.memref_slice %arg6[%dma_wait3A_78, %dma_wait3A_79, %dma_wait3A_80] : memref<2x16x3072xf32, #tpu.memory_space<vmem>> -> memref<1x8x3072xf32, #tpu.memory_space<vmem>>
    %dma_wait3A_82 = tpu.memref_squeeze %dma_wait3A_81 : memref<1x8x3072xf32, #tpu.memory_space<vmem>> -> memref<8x3072xf32, #tpu.memory_space<vmem>>
    %dma_wait3A_83 = arith.constant 0 : i32
    %dma_wait3A_84 = tpu.memref_slice %arg4[%select_n3A, %add3A_62, %dma_wait3A_83] : memref<2x4096x3072xf32, #tpu.memory_space<hbm>> -> memref<1x8x3072xf32, #tpu.memory_space<hbm>>
    %dma_wait3A_85 = tpu.memref_squeeze %dma_wait3A_84 : memref<1x8x3072xf32, #tpu.memory_space<hbm>> -> memref<8x3072xf32, #tpu.memory_space<hbm>>
    %dma_wait3A_86 = arith.constant 0 : i32
    %dma_wait3A_87 = tpu.memref_slice %arg4[%select_n3A, %add3A_62, %dma_wait3A_86] : memref<2x4096x3072xf32, #tpu.memory_space<hbm>> -> memref<1x8x3072xf32, #tpu.memory_space<hbm>>
    %dma_wait3A_88 = tpu.memref_squeeze %dma_wait3A_87 : memref<1x8x3072xf32, #tpu.memory_space<hbm>> -> memref<8x3072xf32, #tpu.memory_space<hbm>>
    %dma_wait3A_89 = arith.constant 0 : i32
    %dma_wait3A_90 = arith.constant 0 : i32
    %dma_wait3A_91 = tpu.memref_slice %arg6[%dma_wait3A_78, %dma_wait3A_89, %dma_wait3A_90] : memref<2x16x3072xf32, #tpu.memory_space<vmem>> -> memref<1x8x3072xf32, #tpu.memory_space<vmem>>
    %dma_wait3A_92 = tpu.memref_squeeze %dma_wait3A_91 : memref<1x8x3072xf32, #tpu.memory_space<vmem>> -> memref<8x3072xf32, #tpu.memory_space<vmem>>
    tpu.wait_dma2 semaphore(%arg9 : memref<!tpu.dma_semaphore, #tpu.memory_space<semaphore_mem>>) src(%dma_wait3A_92 : memref<8x3072xf32, #tpu.memory_space<vmem>>) dst(%dma_wait3A_88 : memref<8x3072xf32, #tpu.memory_space<hbm>>)
    %dma_start3A_93 = arith.constant 0 : i32
    %dma_start3A_94 = arith.constant 0 : i32
    %dma_start3A_95 = arith.constant 0 : i32
    %dma_start3A_96 = tpu.memref_slice %arg6[%dma_start3A_93, %dma_start3A_94, %dma_start3A_95] : memref<2x16x3072xf32, #tpu.memory_space<vmem>> -> memref<1x16x3072xf32, #tpu.memory_space<vmem>>
    %dma_start3A_97 = tpu.memref_squeeze %dma_start3A_96 : memref<1x16x3072xf32, #tpu.memory_space<vmem>> -> memref<16x3072xf32, #tpu.memory_space<vmem>>
    %dma_start3A_98 = arith.constant 24 : i32
    %dma_start3A_99 = tpu.memref_slice %arg5[%dma_start3A_98] : memref<256xi32, #tpu.memory_space<vmem>> -> memref<16xi32, #tpu.memory_space<vmem>>
    %dma_start3A_100 = arith.constant 0 : i32
    %dma_start3A_101 = arith.constant 0 : i32
    %dma_start3A_102 = tpu.memref_slice %arg2[%dma_start3A_100, %dma_start3A_101] : memref<32064x3072xf32, #tpu.memory_space<hbm>> -> memref<32064x3072xf32, #tpu.memory_space<hbm>>
    tpu.enqueue_indirect_dma source(%dma_start3A_102 : memref<32064x3072xf32, #tpu.memory_space<hbm>>) target(%dma_start3A_97 : memref<16x3072xf32, #tpu.memory_space<vmem>>) offsets(%dma_start3A_99 : memref<16xi32, #tpu.memory_space<vmem>>) semaphore(%arg7 : memref<!tpu.dma_semaphore, #tpu.memory_space<semaphore_mem>>)
    %dma_wait3A_103 = arith.constant 1 : i32
    %dma_wait3A_104 = arith.constant 0 : i32
    %dma_wait3A_105 = arith.constant 0 : i32
    %dma_wait3A_106 = tpu.memref_slice %arg6[%dma_wait3A_103, %dma_wait3A_104, %dma_wait3A_105] : memref<2x16x3072xf32, #tpu.memory_space<vmem>> -> memref<1x16x3072xf32, #tpu.memory_space<vmem>>
    %dma_wait3A_107 = tpu.memref_squeeze %dma_wait3A_106 : memref<1x16x3072xf32, #tpu.memory_space<vmem>> -> memref<16x3072xf32, #tpu.memory_space<vmem>>
    %dma_wait3A_108 = arith.constant 8 : i32
    %dma_wait3A_109 = tpu.memref_slice %arg5[%dma_wait3A_108] : memref<256xi32, #tpu.memory_space<vmem>> -> memref<16xi32, #tpu.memory_space<vmem>>
    %dma_wait3A_110 = arith.constant 0 : i32
    %dma_wait3A_111 = arith.constant 0 : i32
    %dma_wait3A_112 = tpu.memref_slice %arg2[%dma_wait3A_110, %dma_wait3A_111] : memref<32064x3072xf32, #tpu.memory_space<hbm>> -> memref<32064x3072xf32, #tpu.memory_space<hbm>>
    tpu.wait_indirect_dma semaphore(%arg8 : memref<!tpu.dma_semaphore, #tpu.memory_space<semaphore_mem>>) src(%dma_wait3A_112 : memref<32064x3072xf32, #tpu.memory_space<hbm>>) dst(%dma_wait3A_107 : memref<16x3072xf32, #tpu.memory_space<vmem>>)
    %add3A_113 = arith.constant 8 : i32
    %add3A_114 = arith.addi %mul3A_32, %add3A_113 : i32
    %dma_start3A_115 = arith.constant 1 : i32
    %dma_start3A_116 = arith.constant 0 : i32
    %dma_start3A_117 = arith.constant 0 : i32
    %dma_start3A_118 = tpu.memref_slice %arg6[%dma_start3A_115, %dma_start3A_116, %dma_start3A_117] : memref<2x16x3072xf32, #tpu.memory_space<vmem>> -> memref<1x16x3072xf32, #tpu.memory_space<vmem>>
    %dma_start3A_119 = tpu.memref_squeeze %dma_start3A_118 : memref<1x16x3072xf32, #tpu.memory_space<vmem>> -> memref<16x3072xf32, #tpu.memory_space<vmem>>
    %dma_start3A_120 = arith.constant 0 : i32
    %dma_start3A_121 = tpu.memref_slice %arg4[%select_n3A, %add3A_114, %dma_start3A_120] : memref<2x4096x3072xf32, #tpu.memory_space<hbm>> -> memref<1x16x3072xf32, #tpu.memory_space<hbm>>
    %dma_start3A_122 = tpu.memref_squeeze %dma_start3A_121 : memref<1x16x3072xf32, #tpu.memory_space<hbm>> -> memref<16x3072xf32, #tpu.memory_space<hbm>>
    %dma_start3A_123 = arith.constant 0 : i32
    %dma_start3A_124 = tpu.memref_slice %arg4[%select_n3A, %add3A_114, %dma_start3A_123] : memref<2x4096x3072xf32, #tpu.memory_space<hbm>> -> memref<1x16x3072xf32, #tpu.memory_space<hbm>>
    %dma_start3A_125 = tpu.memref_squeeze %dma_start3A_124 : memref<1x16x3072xf32, #tpu.memory_space<hbm>> -> memref<16x3072xf32, #tpu.memory_space<hbm>>
    %dma_start3A_126 = arith.constant 0 : i32
    %dma_start3A_127 = arith.constant 0 : i32
    %dma_start3A_128 = tpu.memref_slice %arg6[%dma_start3A_115, %dma_start3A_126, %dma_start3A_127] : memref<2x16x3072xf32, #tpu.memory_space<vmem>> -> memref<1x16x3072xf32, #tpu.memory_space<vmem>>
    %dma_start3A_129 = tpu.memref_squeeze %dma_start3A_128 : memref<1x16x3072xf32, #tpu.memory_space<vmem>> -> memref<16x3072xf32, #tpu.memory_space<vmem>>
    tpu.enqueue_dma source(%dma_start3A_129 : memref<16x3072xf32, #tpu.memory_space<vmem>>) target(%dma_start3A_125 : memref<16x3072xf32, #tpu.memory_space<hbm>>) target_semaphore(%arg10 : memref<!tpu.dma_semaphore, #tpu.memory_space<semaphore_mem>>)
    %dma_wait3A_130 = arith.constant 1 : i32
    %dma_wait3A_131 = arith.constant 0 : i32
    %dma_wait3A_132 = arith.constant 0 : i32
    %dma_wait3A_133 = tpu.memref_slice %arg6[%dma_wait3A_130, %dma_wait3A_131, %dma_wait3A_132] : memref<2x16x3072xf32, #tpu.memory_space<vmem>> -> memref<1x16x3072xf32, #tpu.memory_space<vmem>>
    %dma_wait3A_134 = tpu.memref_squeeze %dma_wait3A_133 : memref<1x16x3072xf32, #tpu.memory_space<vmem>> -> memref<16x3072xf32, #tpu.memory_space<vmem>>
    %dma_wait3A_135 = arith.constant 0 : i32
    %dma_wait3A_136 = tpu.memref_slice %arg4[%select_n3A, %add3A_114, %dma_wait3A_135] : memref<2x4096x3072xf32, #tpu.memory_space<hbm>> -> memref<1x16x3072xf32, #tpu.memory_space<hbm>>
    %dma_wait3A_137 = tpu.memref_squeeze %dma_wait3A_136 : memref<1x16x3072xf32, #tpu.memory_space<hbm>> -> memref<16x3072xf32, #tpu.memory_space<hbm>>
    %dma_wait3A_138 = arith.constant 0 : i32
    %dma_wait3A_139 = tpu.memref_slice %arg4[%select_n3A, %add3A_114, %dma_wait3A_138] : memref<2x4096x3072xf32, #tpu.memory_space<hbm>> -> memref<1x16x3072xf32, #tpu.memory_space<hbm>>
    %dma_wait3A_140 = tpu.memref_squeeze %dma_wait3A_139 : memref<1x16x3072xf32, #tpu.memory_space<hbm>> -> memref<16x3072xf32, #tpu.memory_space<hbm>>
    %dma_wait3A_141 = arith.constant 0 : i32
    %dma_wait3A_142 = arith.constant 0 : i32
    %dma_wait3A_143 = tpu.memref_slice %arg6[%dma_wait3A_130, %dma_wait3A_141, %dma_wait3A_142] : memref<2x16x3072xf32, #tpu.memory_space<vmem>> -> memref<1x16x3072xf32, #tpu.memory_space<vmem>>
    %dma_wait3A_144 = tpu.memref_squeeze %dma_wait3A_143 : memref<1x16x3072xf32, #tpu.memory_space<vmem>> -> memref<16x3072xf32, #tpu.memory_space<vmem>>
    tpu.wait_dma2 semaphore(%arg10 : memref<!tpu.dma_semaphore, #tpu.memory_space<semaphore_mem>>) src(%dma_wait3A_144 : memref<16x3072xf32, #tpu.memory_space<vmem>>) dst(%dma_wait3A_140 : memref<16x3072xf32, #tpu.memory_space<hbm>>)
    %dma_start3A_145 = arith.constant 1 : i32
    %dma_start3A_146 = arith.constant 0 : i32
    %dma_start3A_147 = arith.constant 0 : i32
    %dma_start3A_148 = tpu.memref_slice %arg6[%dma_start3A_145, %dma_start3A_146, %dma_start3A_147] : memref<2x16x3072xf32, #tpu.memory_space<vmem>> -> memref<1x16x3072xf32, #tpu.memory_space<vmem>>
    %dma_start3A_149 = tpu.memref_squeeze %dma_start3A_148 : memref<1x16x3072xf32, #tpu.memory_space<vmem>> -> memref<16x3072xf32, #tpu.memory_space<vmem>>
    %dma_start3A_150 = arith.constant 40 : i32
    %dma_start3A_151 = tpu.memref_slice %arg5[%dma_start3A_150] : memref<256xi32, #tpu.memory_space<vmem>> -> memref<16xi32, #tpu.memory_space<vmem>>
    %dma_start3A_152 = arith.constant 0 : i32
    %dma_start3A_153 = arith.constant 0 : i32
    %dma_start3A_154 = tpu.memref_slice %arg2[%dma_start3A_152, %dma_start3A_153] : memref<32064x3072xf32, #tpu.memory_space<hbm>> -> memref<32064x3072xf32, #tpu.memory_space<hbm>>
    tpu.enqueue_indirect_dma source(%dma_start3A_154 : memref<32064x3072xf32, #tpu.memory_space<hbm>>) target(%dma_start3A_149 : memref<16x3072xf32, #tpu.memory_space<vmem>>) offsets(%dma_start3A_151 : memref<16xi32, #tpu.memory_space<vmem>>) semaphore(%arg8 : memref<!tpu.dma_semaphore, #tpu.memory_space<semaphore_mem>>)
    %dma_wait3A_155 = arith.constant 0 : i32
    %dma_wait3A_156 = arith.constant 0 : i32
    %dma_wait3A_157 = arith.constant 0 : i32
    %dma_wait3A_158 = tpu.memref_slice %arg6[%dma_wait3A_155, %dma_wait3A_156, %dma_wait3A_157] : memref<2x16x3072xf32, #tpu.memory_space<vmem>> -> memref<1x16x3072xf32, #tpu.memory_space<vmem>>
    %dma_wait3A_159 = tpu.memref_squeeze %dma_wait3A_158 : memref<1x16x3072xf32, #tpu.memory_space<vmem>> -> memref<16x3072xf32, #tpu.memory_space<vmem>>
    %dma_wait3A_160 = arith.constant 24 : i32
    %dma_wait3A_161 = tpu.memref_slice %arg5[%dma_wait3A_160] : memref<256xi32, #tpu.memory_space<vmem>> -> memref<16xi32, #tpu.memory_space<vmem>>
    %dma_wait3A_162 = arith.constant 0 : i32
    %dma_wait3A_163 = arith.constant 0 : i32
    %dma_wait3A_164 = tpu.memref_slice %arg2[%dma_wait3A_162, %dma_wait3A_163] : memref<32064x3072xf32, #tpu.memory_space<hbm>> -> memref<32064x3072xf32, #tpu.memory_space<hbm>>
    tpu.wait_indirect_dma semaphore(%arg7 : memref<!tpu.dma_semaphore, #tpu.memory_space<semaphore_mem>>) src(%dma_wait3A_164 : memref<32064x3072xf32, #tpu.memory_space<hbm>>) dst(%dma_wait3A_159 : memref<16x3072xf32, #tpu.memory_space<vmem>>)
    %add3A_165 = arith.constant 24 : i32
    %add3A_166 = arith.addi %mul3A_32, %add3A_165 : i32
    %dma_start3A_167 = arith.constant 0 : i32
    %dma_start3A_168 = arith.constant 0 : i32
    %dma_start3A_169 = arith.constant 0 : i32
    %dma_start3A_170 = tpu.memref_slice %arg6[%dma_start3A_167, %dma_start3A_168, %dma_start3A_169] : memref<2x16x3072xf32, #tpu.memory_space<vmem>> -> memref<1x16x3072xf32, #tpu.memory_space<vmem>>
    %dma_start3A_171 = tpu.memref_squeeze %dma_start3A_170 : memref<1x16x3072xf32, #tpu.memory_space<vmem>> -> memref<16x3072xf32, #tpu.memory_space<vmem>>
    %dma_start3A_172 = arith.constant 0 : i32
    %dma_start3A_173 = tpu.memref_slice %arg4[%select_n3A, %add3A_166, %dma_start3A_172] : memref<2x4096x3072xf32, #tpu.memory_space<hbm>> -> memref<1x16x3072xf32, #tpu.memory_space<hbm>>
    %dma_start3A_174 = tpu.memref_squeeze %dma_start3A_173 : memref<1x16x3072xf32, #tpu.memory_space<hbm>> -> memref<16x3072xf32, #tpu.memory_space<hbm>>
    %dma_start3A_175 = arith.constant 0 : i32
    %dma_start3A_176 = tpu.memref_slice %arg4[%select_n3A, %add3A_166, %dma_start3A_175] : memref<2x4096x3072xf32, #tpu.memory_space<hbm>> -> memref<1x16x3072xf32, #tpu.memory_space<hbm>>
    %dma_start3A_177 = tpu.memref_squeeze %dma_start3A_176 : memref<1x16x3072xf32, #tpu.memory_space<hbm>> -> memref<16x3072xf32, #tpu.memory_space<hbm>>
    %dma_start3A_178 = arith.constant 0 : i32
    %dma_start3A_179 = arith.constant 0 : i32
    %dma_start3A_180 = tpu.memref_slice %arg6[%dma_start3A_167, %dma_start3A_178, %dma_start3A_179] : memref<2x16x3072xf32, #tpu.memory_space<vmem>> -> memref<1x16x3072xf32, #tpu.memory_space<vmem>>
    %dma_start3A_181 = tpu.memref_squeeze %dma_start3A_180 : memref<1x16x3072xf32, #tpu.memory_space<vmem>> -> memref<16x3072xf32, #tpu.memory_space<vmem>>
    tpu.enqueue_dma source(%dma_start3A_181 : memref<16x3072xf32, #tpu.memory_space<vmem>>) target(%dma_start3A_177 : memref<16x3072xf32, #tpu.memory_space<hbm>>) target_semaphore(%arg9 : memref<!tpu.dma_semaphore, #tpu.memory_space<semaphore_mem>>)
    %dma_wait3A_182 = arith.constant 0 : i32
    %dma_wait3A_183 = arith.constant 0 : i32
    %dma_wait3A_184 = arith.constant 0 : i32
    %dma_wait3A_185 = tpu.memref_slice %arg6[%dma_wait3A_182, %dma_wait3A_183, %dma_wait3A_184] : memref<2x16x3072xf32, #tpu.memory_space<vmem>> -> memref<1x16x3072xf32, #tpu.memory_space<vmem>>
    %dma_wait3A_186 = tpu.memref_squeeze %dma_wait3A_185 : memref<1x16x3072xf32, #tpu.memory_space<vmem>> -> memref<16x3072xf32, #tpu.memory_space<vmem>>
    %dma_wait3A_187 = arith.constant 0 : i32
    %dma_wait3A_188 = tpu.memref_slice %arg4[%select_n3A, %add3A_166, %dma_wait3A_187] : memref<2x4096x3072xf32, #tpu.memory_space<hbm>> -> memref<1x16x3072xf32, #tpu.memory_space<hbm>>
    %dma_wait3A_189 = tpu.memref_squeeze %dma_wait3A_188 : memref<1x16x3072xf32, #tpu.memory_space<hbm>> -> memref<16x3072xf32, #tpu.memory_space<hbm>>
    %dma_wait3A_190 = arith.constant 0 : i32
    %dma_wait3A_191 = tpu.memref_slice %arg4[%select_n3A, %add3A_166, %dma_wait3A_190] : memref<2x4096x3072xf32, #tpu.memory_space<hbm>> -> memref<1x16x3072xf32, #tpu.memory_space<hbm>>
    %dma_wait3A_192 = tpu.memref_squeeze %dma_wait3A_191 : memref<1x16x3072xf32, #tpu.memory_space<hbm>> -> memref<16x3072xf32, #tpu.memory_space<hbm>>
    %dma_wait3A_193 = arith.constant 0 : i32
    %dma_wait3A_194 = arith.constant 0 : i32
    %dma_wait3A_195 = tpu.memref_slice %arg6[%dma_wait3A_182, %dma_wait3A_193, %dma_wait3A_194] : memref<2x16x3072xf32, #tpu.memory_space<vmem>> -> memref<1x16x3072xf32, #tpu.memory_space<vmem>>
    %dma_wait3A_196 = tpu.memref_squeeze %dma_wait3A_195 : memref<1x16x3072xf32, #tpu.memory_space<vmem>> -> memref<16x3072xf32, #tpu.memory_space<vmem>>
    tpu.wait_dma2 semaphore(%arg9 : memref<!tpu.dma_semaphore, #tpu.memory_space<semaphore_mem>>) src(%dma_wait3A_196 : memref<16x3072xf32, #tpu.memory_space<vmem>>) dst(%dma_wait3A_192 : memref<16x3072xf32, #tpu.memory_space<hbm>>)
    %dma_start3A_197 = arith.constant 0 : i32
    %dma_start3A_198 = arith.constant 0 : i32
    %dma_start3A_199 = arith.constant 0 : i32
    %dma_start3A_200 = tpu.memref_slice %arg6[%dma_start3A_197, %dma_start3A_198, %dma_start3A_199] : memref<2x16x3072xf32, #tpu.memory_space<vmem>> -> memref<1x16x3072xf32, #tpu.memory_space<vmem>>
    %dma_start3A_201 = tpu.memref_squeeze %dma_start3A_200 : memref<1x16x3072xf32, #tpu.memory_space<vmem>> -> memref<16x3072xf32, #tpu.memory_space<vmem>>
    %dma_start3A_202 = arith.constant 56 : i32
    %dma_start3A_203 = tpu.memref_slice %arg5[%dma_start3A_202] : memref<256xi32, #tpu.memory_space<vmem>> -> memref<16xi32, #tpu.memory_space<vmem>>
    %dma_start3A_204 = arith.constant 0 : i32
    %dma_start3A_205 = arith.constant 0 : i32
    %dma_start3A_206 = tpu.memref_slice %arg2[%dma_start3A_204, %dma_start3A_205] : memref<32064x3072xf32, #tpu.memory_space<hbm>> -> memref<32064x3072xf32, #tpu.memory_space<hbm>>
    tpu.enqueue_indirect_dma source(%dma_start3A_206 : memref<32064x3072xf32, #tpu.memory_space<hbm>>) target(%dma_start3A_201 : memref<16x3072xf32, #tpu.memory_space<vmem>>) offsets(%dma_start3A_203 : memref<16xi32, #tpu.memory_space<vmem>>) semaphore(%arg7 : memref<!tpu.dma_semaphore, #tpu.memory_space<semaphore_mem>>)
    %dma_wait3A_207 = arith.constant 1 : i32
    %dma_wait3A_208 = arith.constant 0 : i32
    %dma_wait3A_209 = arith.constant 0 : i32
    %dma_wait3A_210 = tpu.memref_slice %arg6[%dma_wait3A_207, %dma_wait3A_208, %dma_wait3A_209] : memref<2x16x3072xf32, #tpu.memory_space<vmem>> -> memref<1x16x3072xf32, #tpu.memory_space<vmem>>
    %dma_wait3A_211 = tpu.memref_squeeze %dma_wait3A_210 : memref<1x16x3072xf32, #tpu.memory_space<vmem>> -> memref<16x3072xf32, #tpu.memory_space<vmem>>
    %dma_wait3A_212 = arith.constant 40 : i32
    %dma_wait3A_213 = tpu.memref_slice %arg5[%dma_wait3A_212] : memref<256xi32, #tpu.memory_space<vmem>> -> memref<16xi32, #tpu.memory_space<vmem>>
    %dma_wait3A_214 = arith.constant 0 : i32
    %dma_wait3A_215 = arith.constant 0 : i32
    %dma_wait3A_216 = tpu.memref_slice %arg2[%dma_wait3A_214, %dma_wait3A_215] : memref<32064x3072xf32, #tpu.memory_space<hbm>> -> memref<32064x3072xf32, #tpu.memory_space<hbm>>
    tpu.wait_indirect_dma semaphore(%arg8 : memref<!tpu.dma_semaphore, #tpu.memory_space<semaphore_mem>>) src(%dma_wait3A_216 : memref<32064x3072xf32, #tpu.memory_space<hbm>>) dst(%dma_wait3A_211 : memref<16x3072xf32, #tpu.memory_space<vmem>>)
    %add3A_217 = arith.constant 40 : i32
    %add3A_218 = arith.addi %mul3A_32, %add3A_217 : i32
    %dma_start3A_219 = arith.constant 1 : i32
    %dma_start3A_220 = arith.constant 0 : i32
    %dma_start3A_221 = arith.constant 0 : i32
    %dma_start3A_222 = tpu.memref_slice %arg6[%dma_start3A_219, %dma_start3A_220, %dma_start3A_221] : memref<2x16x3072xf32, #tpu.memory_space<vmem>> -> memref<1x16x3072xf32, #tpu.memory_space<vmem>>
    %dma_start3A_223 = tpu.memref_squeeze %dma_start3A_222 : memref<1x16x3072xf32, #tpu.memory_space<vmem>> -> memref<16x3072xf32, #tpu.memory_space<vmem>>
    %dma_start3A_224 = arith.constant 0 : i32
    %dma_start3A_225 = tpu.memref_slice %arg4[%select_n3A, %add3A_218, %dma_start3A_224] : memref<2x4096x3072xf32, #tpu.memory_space<hbm>> -> memref<1x16x3072xf32, #tpu.memory_space<hbm>>
    %dma_start3A_226 = tpu.memref_squeeze %dma_start3A_225 : memref<1x16x3072xf32, #tpu.memory_space<hbm>> -> memref<16x3072xf32, #tpu.memory_space<hbm>>
    %dma_start3A_227 = arith.constant 0 : i32
    %dma_start3A_228 = tpu.memref_slice %arg4[%select_n3A, %add3A_218, %dma_start3A_227] : memref<2x4096x3072xf32, #tpu.memory_space<hbm>> -> memref<1x16x3072xf32, #tpu.memory_space<hbm>>
    %dma_start3A_229 = tpu.memref_squeeze %dma_start3A_228 : memref<1x16x3072xf32, #tpu.memory_space<hbm>> -> memref<16x3072xf32, #tpu.memory_space<hbm>>
    %dma_start3A_230 = arith.constant 0 : i32
    %dma_start3A_231 = arith.constant 0 : i32
    %dma_start3A_232 = tpu.memref_slice %arg6[%dma_start3A_219, %dma_start3A_230, %dma_start3A_231] : memref<2x16x3072xf32, #tpu.memory_space<vmem>> -> memref<1x16x3072xf32, #tpu.memory_space<vmem>>
    %dma_start3A_233 = tpu.memref_squeeze %dma_start3A_232 : memref<1x16x3072xf32, #tpu.memory_space<vmem>> -> memref<16x3072xf32, #tpu.memory_space<vmem>>
    tpu.enqueue_dma source(%dma_start3A_233 : memref<16x3072xf32, #tpu.memory_space<vmem>>) target(%dma_start3A_229 : memref<16x3072xf32, #tpu.memory_space<hbm>>) target_semaphore(%arg10 : memref<!tpu.dma_semaphore, #tpu.memory_space<semaphore_mem>>)
    %dma_wait3A_234 = arith.constant 1 : i32
    %dma_wait3A_235 = arith.constant 0 : i32
    %dma_wait3A_236 = arith.constant 0 : i32
    %dma_wait3A_237 = tpu.memref_slice %arg6[%dma_wait3A_234, %dma_wait3A_235, %dma_wait3A_236] : memref<2x16x3072xf32, #tpu.memory_space<vmem>> -> memref<1x16x3072xf32, #tpu.memory_space<vmem>>
    %dma_wait3A_238 = tpu.memref_squeeze %dma_wait3A_237 : memref<1x16x3072xf32, #tpu.memory_space<vmem>> -> memref<16x3072xf32, #tpu.memory_space<vmem>>
    %dma_wait3A_239 = arith.constant 0 : i32
    %dma_wait3A_240 = tpu.memref_slice %arg4[%select_n3A, %add3A_218, %dma_wait3A_239] : memref<2x4096x3072xf32, #tpu.memory_space<hbm>> -> memref<1x16x3072xf32, #tpu.memory_space<hbm>>
    %dma_wait3A_241 = tpu.memref_squeeze %dma_wait3A_240 : memref<1x16x3072xf32, #tpu.memory_space<hbm>> -> memref<16x3072xf32, #tpu.memory_space<hbm>>
    %dma_wait3A_242 = arith.constant 0 : i32
    %dma_wait3A_243 = tpu.memref_slice %arg4[%select_n3A, %add3A_218, %dma_wait3A_242] : memref<2x4096x3072xf32, #tpu.memory_space<hbm>> -> memref<1x16x3072xf32, #tpu.memory_space<hbm>>
    %dma_wait3A_244 = tpu.memref_squeeze %dma_wait3A_243 : memref<1x16x3072xf32, #tpu.memory_space<hbm>> -> memref<16x3072xf32, #tpu.memory_space<hbm>>
    %dma_wait3A_245 = arith.constant 0 : i32
    %dma_wait3A_246 = arith.constant 0 : i32
    %dma_wait3A_247 = tpu.memref_slice %arg6[%dma_wait3A_234, %dma_wait3A_245, %dma_wait3A_246] : memref<2x16x3072xf32, #tpu.memory_space<vmem>> -> memref<1x16x3072xf32, #tpu.memory_space<vmem>>
    %dma_wait3A_248 = tpu.memref_squeeze %dma_wait3A_247 : memref<1x16x3072xf32, #tpu.memory_space<vmem>> -> memref<16x3072xf32, #tpu.memory_space<vmem>>
    tpu.wait_dma2 semaphore(%arg10 : memref<!tpu.dma_semaphore, #tpu.memory_space<semaphore_mem>>) src(%dma_wait3A_248 : memref<16x3072xf32, #tpu.memory_space<vmem>>) dst(%dma_wait3A_244 : memref<16x3072xf32, #tpu.memory_space<hbm>>)
    %dma_start3A_249 = arith.constant 1 : i32
    %dma_start3A_250 = arith.constant 0 : i32
    %dma_start3A_251 = arith.constant 0 : i32
    %dma_start3A_252 = tpu.memref_slice %arg6[%dma_start3A_249, %dma_start3A_250, %dma_start3A_251] : memref<2x16x3072xf32, #tpu.memory_space<vmem>> -> memref<1x16x3072xf32, #tpu.memory_space<vmem>>
    %dma_start3A_253 = tpu.memref_squeeze %dma_start3A_252 : memref<1x16x3072xf32, #tpu.memory_space<vmem>> -> memref<16x3072xf32, #tpu.memory_space<vmem>>
    %dma_start3A_254 = arith.constant 72 : i32
    %dma_start3A_255 = tpu.memref_slice %arg5[%dma_start3A_254] : memref<256xi32, #tpu.memory_space<vmem>> -> memref<16xi32, #tpu.memory_space<vmem>>
    %dma_start3A_256 = arith.constant 0 : i32
    %dma_start3A_257 = arith.constant 0 : i32
    %dma_start3A_258 = tpu.memref_slice %arg2[%dma_start3A_256, %dma_start3A_257] : memref<32064x3072xf32, #tpu.memory_space<hbm>> -> memref<32064x3072xf32, #tpu.memory_space<hbm>>
    tpu.enqueue_indirect_dma source(%dma_start3A_258 : memref<32064x3072xf32, #tpu.memory_space<hbm>>) target(%dma_start3A_253 : memref<16x3072xf32, #tpu.memory_space<vmem>>) offsets(%dma_start3A_255 : memref<16xi32, #tpu.memory_space<vmem>>) semaphore(%arg8 : memref<!tpu.dma_semaphore, #tpu.memory_space<semaphore_mem>>)
    %dma_wait3A_259 = arith.constant 0 : i32
    %dma_wait3A_260 = arith.constant 0 : i32
    %dma_wait3A_261 = arith.constant 0 : i32
    %dma_wait3A_262 = tpu.memref_slice %arg6[%dma_wait3A_259, %dma_wait3A_260, %dma_wait3A_261] : memref<2x16x3072xf32, #tpu.memory_space<vmem>> -> memref<1x16x3072xf32, #tpu.memory_space<vmem>>
    %dma_wait3A_263 = tpu.memref_squeeze %dma_wait3A_262 : memref<1x16x3072xf32, #tpu.memory_space<vmem>> -> memref<16x3072xf32, #tpu.memory_space<vmem>>
    %dma_wait3A_264 = arith.constant 56 : i32
    %dma_wait3A_265 = tpu.memref_slice %arg5[%dma_wait3A_264] : memref<256xi32, #tpu.memory_space<vmem>> -> memref<16xi32, #tpu.memory_space<vmem>>
    %dma_wait3A_266 = arith.constant 0 : i32
    %dma_wait3A_267 = arith.constant 0 : i32
    %dma_wait3A_268 = tpu.memref_slice %arg2[%dma_wait3A_266, %dma_wait3A_267] : memref<32064x3072xf32, #tpu.memory_space<hbm>> -> memref<32064x3072xf32, #tpu.memory_space<hbm>>
    tpu.wait_indirect_dma semaphore(%arg7 : memref<!tpu.dma_semaphore, #tpu.memory_space<semaphore_mem>>) src(%dma_wait3A_268 : memref<32064x3072xf32, #tpu.memory_space<hbm>>) dst(%dma_wait3A_263 : memref<16x3072xf32, #tpu.memory_space<vmem>>)
    %add3A_269 = arith.constant 56 : i32
    %add3A_270 = arith.addi %mul3A_32, %add3A_269 : i32
    %dma_start3A_271 = arith.constant 0 : i32
    %dma_start3A_272 = arith.constant 0 : i32
    %dma_start3A_273 = arith.constant 0 : i32
    %dma_start3A_274 = tpu.memref_slice %arg6[%dma_start3A_271, %dma_start3A_272, %dma_start3A_273] : memref<2x16x3072xf32, #tpu.memory_space<vmem>> -> memref<1x16x3072xf32, #tpu.memory_space<vmem>>
    %dma_start3A_275 = tpu.memref_squeeze %dma_start3A_274 : memref<1x16x3072xf32, #tpu.memory_space<vmem>> -> memref<16x3072xf32, #tpu.memory_space<vmem>>
    %dma_start3A_276 = arith.constant 0 : i32
    %dma_start3A_277 = tpu.memref_slice %arg4[%select_n3A, %add3A_270, %dma_start3A_276] : memref<2x4096x3072xf32, #tpu.memory_space<hbm>> -> memref<1x16x3072xf32, #tpu.memory_space<hbm>>
    %dma_start3A_278 = tpu.memref_squeeze %dma_start3A_277 : memref<1x16x3072xf32, #tpu.memory_space<hbm>> -> memref<16x3072xf32, #tpu.memory_space<hbm>>
    %dma_start3A_279 = arith.constant 0 : i32
    %dma_start3A_280 = tpu.memref_slice %arg4[%select_n3A, %add3A_270, %dma_start3A_279] : memref<2x4096x3072xf32, #tpu.memory_space<hbm>> -> memref<1x16x3072xf32, #tpu.memory_space<hbm>>
    %dma_start3A_281 = tpu.memref_squeeze %dma_start3A_280 : memref<1x16x3072xf32, #tpu.memory_space<hbm>> -> memref<16x3072xf32, #tpu.memory_space<hbm>>
    %dma_start3A_282 = arith.constant 0 : i32
    %dma_start3A_283 = arith.constant 0 : i32
    %dma_start3A_284 = tpu.memref_slice %arg6[%dma_start3A_271, %dma_start3A_282, %dma_start3A_283] : memref<2x16x3072xf32, #tpu.memory_space<vmem>> -> memref<1x16x3072xf32, #tpu.memory_space<vmem>>
    %dma_start3A_285 = tpu.memref_squeeze %dma_start3A_284 : memref<1x16x3072xf32, #tpu.memory_space<vmem>> -> memref<16x3072xf32, #tpu.memory_space<vmem>>
    tpu.enqueue_dma source(%dma_start3A_285 : memref<16x3072xf32, #tpu.memory_space<vmem>>) target(%dma_start3A_281 : memref<16x3072xf32, #tpu.memory_space<hbm>>) target_semaphore(%arg9 : memref<!tpu.dma_semaphore, #tpu.memory_space<semaphore_mem>>)
    %dma_wait3A_286 = arith.constant 0 : i32
    %dma_wait3A_287 = arith.constant 0 : i32
    %dma_wait3A_288 = arith.constant 0 : i32
    %dma_wait3A_289 = tpu.memref_slice %arg6[%dma_wait3A_286, %dma_wait3A_287, %dma_wait3A_288] : memref<2x16x3072xf32, #tpu.memory_space<vmem>> -> memref<1x16x3072xf32, #tpu.memory_space<vmem>>
    %dma_wait3A_290 = tpu.memref_squeeze %dma_wait3A_289 : memref<1x16x3072xf32, #tpu.memory_space<vmem>> -> memref<16x3072xf32, #tpu.memory_space<vmem>>
    %dma_wait3A_291 = arith.constant 0 : i32
    %dma_wait3A_292 = tpu.memref_slice %arg4[%select_n3A, %add3A_270, %dma_wait3A_291] : memref<2x4096x3072xf32, #tpu.memory_space<hbm>> -> memref<1x16x3072xf32, #tpu.memory_space<hbm>>
    %dma_wait3A_293 = tpu.memref_squeeze %dma_wait3A_292 : memref<1x16x3072xf32, #tpu.memory_space<hbm>> -> memref<16x3072xf32, #tpu.memory_space<hbm>>
    %dma_wait3A_294 = arith.constant 0 : i32
    %dma_wait3A_295 = tpu.memref_slice %arg4[%select_n3A, %add3A_270, %dma_wait3A_294] : memref<2x4096x3072xf32, #tpu.memory_space<hbm>> -> memref<1x16x3072xf32, #tpu.memory_space<hbm>>
    %dma_wait3A_296 = tpu.memref_squeeze %dma_wait3A_295 : memref<1x16x3072xf32, #tpu.memory_space<hbm>> -> memref<16x3072xf32, #tpu.memory_space<hbm>>
    %dma_wait3A_297 = arith.constant 0 : i32
    %dma_wait3A_298 = arith.constant 0 : i32
    %dma_wait3A_299 = tpu.memref_slice %arg6[%dma_wait3A_286, %dma_wait3A_297, %dma_wait3A_298] : memref<2x16x3072xf32, #tpu.memory_space<vmem>> -> memref<1x16x3072xf32, #tpu.memory_space<vmem>>
    %dma_wait3A_300 = tpu.memref_squeeze %dma_wait3A_299 : memref<1x16x3072xf32, #tpu.memory_space<vmem>> -> memref<16x3072xf32, #tpu.memory_space<vmem>>
    tpu.wait_dma2 semaphore(%arg9 : memref<!tpu.dma_semaphore, #tpu.memory_space<semaphore_mem>>) src(%dma_wait3A_300 : memref<16x3072xf32, #tpu.memory_space<vmem>>) dst(%dma_wait3A_296 : memref<16x3072xf32, #tpu.memory_space<hbm>>)
    %dma_start3A_301 = arith.constant 0 : i32
    %dma_start3A_302 = arith.constant 0 : i32
    %dma_start3A_303 = arith.constant 0 : i32
    %dma_start3A_304 = tpu.memref_slice %arg6[%dma_start3A_301, %dma_start3A_302, %dma_start3A_303] : memref<2x16x3072xf32, #tpu.memory_space<vmem>> -> memref<1x16x3072xf32, #tpu.memory_space<vmem>>
    %dma_start3A_305 = tpu.memref_squeeze %dma_start3A_304 : memref<1x16x3072xf32, #tpu.memory_space<vmem>> -> memref<16x3072xf32, #tpu.memory_space<vmem>>
    %dma_start3A_306 = arith.constant 88 : i32
    %dma_start3A_307 = tpu.memref_slice %arg5[%dma_start3A_306] : memref<256xi32, #tpu.memory_space<vmem>> -> memref<16xi32, #tpu.memory_space<vmem>>
    %dma_start3A_308 = arith.constant 0 : i32
    %dma_start3A_309 = arith.constant 0 : i32
    %dma_start3A_310 = tpu.memref_slice %arg2[%dma_start3A_308, %dma_start3A_309] : memref<32064x3072xf32, #tpu.memory_space<hbm>> -> memref<32064x3072xf32, #tpu.memory_space<hbm>>
    tpu.enqueue_indirect_dma source(%dma_start3A_310 : memref<32064x3072xf32, #tpu.memory_space<hbm>>) target(%dma_start3A_305 : memref<16x3072xf32, #tpu.memory_space<vmem>>) offsets(%dma_start3A_307 : memref<16xi32, #tpu.memory_space<vmem>>) semaphore(%arg7 : memref<!tpu.dma_semaphore, #tpu.memory_space<semaphore_mem>>)
    %dma_wait3A_311 = arith.constant 1 : i32
    %dma_wait3A_312 = arith.constant 0 : i32
    %dma_wait3A_313 = arith.constant 0 : i32
    %dma_wait3A_314 = tpu.memref_slice %arg6[%dma_wait3A_311, %dma_wait3A_312, %dma_wait3A_313] : memref<2x16x3072xf32, #tpu.memory_space<vmem>> -> memref<1x16x3072xf32, #tpu.memory_space<vmem>>
    %dma_wait3A_315 = tpu.memref_squeeze %dma_wait3A_314 : memref<1x16x3072xf32, #tpu.memory_space<vmem>> -> memref<16x3072xf32, #tpu.memory_space<vmem>>
    %dma_wait3A_316 = arith.constant 72 : i32
    %dma_wait3A_317 = tpu.memref_slice %arg5[%dma_wait3A_316] : memref<256xi32, #tpu.memory_space<vmem>> -> memref<16xi32, #tpu.memory_space<vmem>>
    %dma_wait3A_318 = arith.constant 0 : i32
    %dma_wait3A_319 = arith.constant 0 : i32
    %dma_wait3A_320 = tpu.memref_slice %arg2[%dma_wait3A_318, %dma_wait3A_319] : memref<32064x3072xf32, #tpu.memory_space<hbm>> -> memref<32064x3072xf32, #tpu.memory_space<hbm>>
    tpu.wait_indirect_dma semaphore(%arg8 : memref<!tpu.dma_semaphore, #tpu.memory_space<semaphore_mem>>) src(%dma_wait3A_320 : memref<32064x3072xf32, #tpu.memory_space<hbm>>) dst(%dma_wait3A_315 : memref<16x3072xf32, #tpu.memory_space<vmem>>)
    %add3A_321 = arith.constant 72 : i32
    %add3A_322 = arith.addi %mul3A_32, %add3A_321 : i32
    %dma_start3A_323 = arith.constant 1 : i32
    %dma_start3A_324 = arith.constant 0 : i32
    %dma_start3A_325 = arith.constant 0 : i32
    %dma_start3A_326 = tpu.memref_slice %arg6[%dma_start3A_323, %dma_start3A_324, %dma_start3A_325] : memref<2x16x3072xf32, #tpu.memory_space<vmem>> -> memref<1x16x3072xf32, #tpu.memory_space<vmem>>
    %dma_start3A_327 = tpu.memref_squeeze %dma_start3A_326 : memref<1x16x3072xf32, #tpu.memory_space<vmem>> -> memref<16x3072xf32, #tpu.memory_space<vmem>>
    %dma_start3A_328 = arith.constant 0 : i32
    %dma_start3A_329 = tpu.memref_slice %arg4[%select_n3A, %add3A_322, %dma_start3A_328] : memref<2x4096x3072xf32, #tpu.memory_space<hbm>> -> memref<1x16x3072xf32, #tpu.memory_space<hbm>>
    %dma_start3A_330 = tpu.memref_squeeze %dma_start3A_329 : memref<1x16x3072xf32, #tpu.memory_space<hbm>> -> memref<16x3072xf32, #tpu.memory_space<hbm>>
    %dma_start3A_331 = arith.constant 0 : i32
    %dma_start3A_332 = tpu.memref_slice %arg4[%select_n3A, %add3A_322, %dma_start3A_331] : memref<2x4096x3072xf32, #tpu.memory_space<hbm>> -> memref<1x16x3072xf32, #tpu.memory_space<hbm>>
    %dma_start3A_333 = tpu.memref_squeeze %dma_start3A_332 : memref<1x16x3072xf32, #tpu.memory_space<hbm>> -> memref<16x3072xf32, #tpu.memory_space<hbm>>
    %dma_start3A_334 = arith.constant 0 : i32
    %dma_start3A_335 = arith.constant 0 : i32
    %dma_start3A_336 = tpu.memref_slice %arg6[%dma_start3A_323, %dma_start3A_334, %dma_start3A_335] : memref<2x16x3072xf32, #tpu.memory_space<vmem>> -> memref<1x16x3072xf32, #tpu.memory_space<vmem>>
    %dma_start3A_337 = tpu.memref_squeeze %dma_start3A_336 : memref<1x16x3072xf32, #tpu.memory_space<vmem>> -> memref<16x3072xf32, #tpu.memory_space<vmem>>
    tpu.enqueue_dma source(%dma_start3A_337 : memref<16x3072xf32, #tpu.memory_space<vmem>>) target(%dma_start3A_333 : memref<16x3072xf32, #tpu.memory_space<hbm>>) target_semaphore(%arg10 : memref<!tpu.dma_semaphore, #tpu.memory_space<semaphore_mem>>)
    %dma_wait3A_338 = arith.constant 1 : i32
    %dma_wait3A_339 = arith.constant 0 : i32
    %dma_wait3A_340 = arith.constant 0 : i32
    %dma_wait3A_341 = tpu.memref_slice %arg6[%dma_wait3A_338, %dma_wait3A_339, %dma_wait3A_340] : memref<2x16x3072xf32, #tpu.memory_space<vmem>> -> memref<1x16x3072xf32, #tpu.memory_space<vmem>>
    %dma_wait3A_342 = tpu.memref_squeeze %dma_wait3A_341 : memref<1x16x3072xf32, #tpu.memory_space<vmem>> -> memref<16x3072xf32, #tpu.memory_space<vmem>>
    %dma_wait3A_343 = arith.constant 0 : i32
    %dma_wait3A_344 = tpu.memref_slice %arg4[%select_n3A, %add3A_322, %dma_wait3A_343] : memref<2x4096x3072xf32, #tpu.memory_space<hbm>> -> memref<1x16x3072xf32, #tpu.memory_space<hbm>>
    %dma_wait3A_345 = tpu.memref_squeeze %dma_wait3A_344 : memref<1x16x3072xf32, #tpu.memory_space<hbm>> -> memref<16x3072xf32, #tpu.memory_space<hbm>>
    %dma_wait3A_346 = arith.constant 0 : i32
    %dma_wait3A_347 = tpu.memref_slice %arg4[%select_n3A, %add3A_322, %dma_wait3A_346] : memref<2x4096x3072xf32, #tpu.memory_space<hbm>> -> memref<1x16x3072xf32, #tpu.memory_space<hbm>>
    %dma_wait3A_348 = tpu.memref_squeeze %dma_wait3A_347 : memref<1x16x3072xf32, #tpu.memory_space<hbm>> -> memref<16x3072xf32, #tpu.memory_space<hbm>>
    %dma_wait3A_349 = arith.constant 0 : i32
    %dma_wait3A_350 = arith.constant 0 : i32
    %dma_wait3A_351 = tpu.memref_slice %arg6[%dma_wait3A_338, %dma_wait3A_349, %dma_wait3A_350] : memref<2x16x3072xf32, #tpu.memory_space<vmem>> -> memref<1x16x3072xf32, #tpu.memory_space<vmem>>
    %dma_wait3A_352 = tpu.memref_squeeze %dma_wait3A_351 : memref<1x16x3072xf32, #tpu.memory_space<vmem>> -> memref<16x3072xf32, #tpu.memory_space<vmem>>
    tpu.wait_dma2 semaphore(%arg10 : memref<!tpu.dma_semaphore, #tpu.memory_space<semaphore_mem>>) src(%dma_wait3A_352 : memref<16x3072xf32, #tpu.memory_space<vmem>>) dst(%dma_wait3A_348 : memref<16x3072xf32, #tpu.memory_space<hbm>>)
    %dma_start3A_353 = arith.constant 1 : i32
    %dma_start3A_354 = arith.constant 0 : i32
    %dma_start3A_355 = arith.constant 0 : i32
    %dma_start3A_356 = tpu.memref_slice %arg6[%dma_start3A_353, %dma_start3A_354, %dma_start3A_355] : memref<2x16x3072xf32, #tpu.memory_space<vmem>> -> memref<1x16x3072xf32, #tpu.memory_space<vmem>>
    %dma_start3A_357 = tpu.memref_squeeze %dma_start3A_356 : memref<1x16x3072xf32, #tpu.memory_space<vmem>> -> memref<16x3072xf32, #tpu.memory_space<vmem>>
    %dma_start3A_358 = arith.constant 104 : i32
    %dma_start3A_359 = tpu.memref_slice %arg5[%dma_start3A_358] : memref<256xi32, #tpu.memory_space<vmem>> -> memref<16xi32, #tpu.memory_space<vmem>>
    %dma_start3A_360 = arith.constant 0 : i32
    %dma_start3A_361 = arith.constant 0 : i32
    %dma_start3A_362 = tpu.memref_slice %arg2[%dma_start3A_360, %dma_start3A_361] : memref<32064x3072xf32, #tpu.memory_space<hbm>> -> memref<32064x3072xf32, #tpu.memory_space<hbm>>
    tpu.enqueue_indirect_dma source(%dma_start3A_362 : memref<32064x3072xf32, #tpu.memory_space<hbm>>) target(%dma_start3A_357 : memref<16x3072xf32, #tpu.memory_space<vmem>>) offsets(%dma_start3A_359 : memref<16xi32, #tpu.memory_space<vmem>>) semaphore(%arg8 : memref<!tpu.dma_semaphore, #tpu.memory_space<semaphore_mem>>)
    %dma_wait3A_363 = arith.constant 0 : i32
    %dma_wait3A_364 = arith.constant 0 : i32
    %dma_wait3A_365 = arith.constant 0 : i32
    %dma_wait3A_366 = tpu.memref_slice %arg6[%dma_wait3A_363, %dma_wait3A_364, %dma_wait3A_365] : memref<2x16x3072xf32, #tpu.memory_space<vmem>> -> memref<1x16x3072xf32, #tpu.memory_space<vmem>>
    %dma_wait3A_367 = tpu.memref_squeeze %dma_wait3A_366 : memref<1x16x3072xf32, #tpu.memory_space<vmem>> -> memref<16x3072xf32, #tpu.memory_space<vmem>>
    %dma_wait3A_368 = arith.constant 88 : i32
    %dma_wait3A_369 = tpu.memref_slice %arg5[%dma_wait3A_368] : memref<256xi32, #tpu.memory_space<vmem>> -> memref<16xi32, #tpu.memory_space<vmem>>
    %dma_wait3A_370 = arith.constant 0 : i32
    %dma_wait3A_371 = arith.constant 0 : i32
    %dma_wait3A_372 = tpu.memref_slice %arg2[%dma_wait3A_370, %dma_wait3A_371] : memref<32064x3072xf32, #tpu.memory_space<hbm>> -> memref<32064x3072xf32, #tpu.memory_space<hbm>>
    tpu.wait_indirect_dma semaphore(%arg7 : memref<!tpu.dma_semaphore, #tpu.memory_space<semaphore_mem>>) src(%dma_wait3A_372 : memref<32064x3072xf32, #tpu.memory_space<hbm>>) dst(%dma_wait3A_367 : memref<16x3072xf32, #tpu.memory_space<vmem>>)
    %add3A_373 = arith.constant 88 : i32
    %add3A_374 = arith.addi %mul3A_32, %add3A_373 : i32
    %dma_start3A_375 = arith.constant 0 : i32
    %dma_start3A_376 = arith.constant 0 : i32
    %dma_start3A_377 = arith.constant 0 : i32
    %dma_start3A_378 = tpu.memref_slice %arg6[%dma_start3A_375, %dma_start3A_376, %dma_start3A_377] : memref<2x16x3072xf32, #tpu.memory_space<vmem>> -> memref<1x16x3072xf32, #tpu.memory_space<vmem>>
    %dma_start3A_379 = tpu.memref_squeeze %dma_start3A_378 : memref<1x16x3072xf32, #tpu.memory_space<vmem>> -> memref<16x3072xf32, #tpu.memory_space<vmem>>
    %dma_start3A_380 = arith.constant 0 : i32
    %dma_start3A_381 = tpu.memref_slice %arg4[%select_n3A, %add3A_374, %dma_start3A_380] : memref<2x4096x3072xf32, #tpu.memory_space<hbm>> -> memref<1x16x3072xf32, #tpu.memory_space<hbm>>
    %dma_start3A_382 = tpu.memref_squeeze %dma_start3A_381 : memref<1x16x3072xf32, #tpu.memory_space<hbm>> -> memref<16x3072xf32, #tpu.memory_space<hbm>>
    %dma_start3A_383 = arith.constant 0 : i32
    %dma_start3A_384 = tpu.memref_slice %arg4[%select_n3A, %add3A_374, %dma_start3A_383] : memref<2x4096x3072xf32, #tpu.memory_space<hbm>> -> memref<1x16x3072xf32, #tpu.memory_space<hbm>>
    %dma_start3A_385 = tpu.memref_squeeze %dma_start3A_384 : memref<1x16x3072xf32, #tpu.memory_space<hbm>> -> memref<16x3072xf32, #tpu.memory_space<hbm>>
    %dma_start3A_386 = arith.constant 0 : i32
    %dma_start3A_387 = arith.constant 0 : i32
    %dma_start3A_388 = tpu.memref_slice %arg6[%dma_start3A_375, %dma_start3A_386, %dma_start3A_387] : memref<2x16x3072xf32, #tpu.memory_space<vmem>> -> memref<1x16x3072xf32, #tpu.memory_space<vmem>>
    %dma_start3A_389 = tpu.memref_squeeze %dma_start3A_388 : memref<1x16x3072xf32, #tpu.memory_space<vmem>> -> memref<16x3072xf32, #tpu.memory_space<vmem>>
    tpu.enqueue_dma source(%dma_start3A_389 : memref<16x3072xf32, #tpu.memory_space<vmem>>) target(%dma_start3A_385 : memref<16x3072xf32, #tpu.memory_space<hbm>>) target_semaphore(%arg9 : memref<!tpu.dma_semaphore, #tpu.memory_space<semaphore_mem>>)
    %dma_wait3A_390 = arith.constant 0 : i32
    %dma_wait3A_391 = arith.constant 0 : i32
    %dma_wait3A_392 = arith.constant 0 : i32
    %dma_wait3A_393 = tpu.memref_slice %arg6[%dma_wait3A_390, %dma_wait3A_391, %dma_wait3A_392] : memref<2x16x3072xf32, #tpu.memory_space<vmem>> -> memref<1x16x3072xf32, #tpu.memory_space<vmem>>
    %dma_wait3A_394 = tpu.memref_squeeze %dma_wait3A_393 : memref<1x16x3072xf32, #tpu.memory_space<vmem>> -> memref<16x3072xf32, #tpu.memory_space<vmem>>
    %dma_wait3A_395 = arith.constant 0 : i32
    %dma_wait3A_396 = tpu.memref_slice %arg4[%select_n3A, %add3A_374, %dma_wait3A_395] : memref<2x4096x3072xf32, #tpu.memory_space<hbm>> -> memref<1x16x3072xf32, #tpu.memory_space<hbm>>
    %dma_wait3A_397 = tpu.memref_squeeze %dma_wait3A_396 : memref<1x16x3072xf32, #tpu.memory_space<hbm>> -> memref<16x3072xf32, #tpu.memory_space<hbm>>
    %dma_wait3A_398 = arith.constant 0 : i32
    %dma_wait3A_399 = tpu.memref_slice %arg4[%select_n3A, %add3A_374, %dma_wait3A_398] : memref<2x4096x3072xf32, #tpu.memory_space<hbm>> -> memref<1x16x3072xf32, #tpu.memory_space<hbm>>
    %dma_wait3A_400 = tpu.memref_squeeze %dma_wait3A_399 : memref<1x16x3072xf32, #tpu.memory_space<hbm>> -> memref<16x3072xf32, #tpu.memory_space<hbm>>
    %dma_wait3A_401 = arith.constant 0 : i32
    %dma_wait3A_402 = arith.constant 0 : i32
    %dma_wait3A_403 = tpu.memref_slice %arg6[%dma_wait3A_390, %dma_wait3A_401, %dma_wait3A_402] : memref<2x16x3072xf32, #tpu.memory_space<vmem>> -> memref<1x16x3072xf32, #tpu.memory_space<vmem>>
    %dma_wait3A_404 = tpu.memref_squeeze %dma_wait3A_403 : memref<1x16x3072xf32, #tpu.memory_space<vmem>> -> memref<16x3072xf32, #tpu.memory_space<vmem>>
    tpu.wait_dma2 semaphore(%arg9 : memref<!tpu.dma_semaphore, #tpu.memory_space<semaphore_mem>>) src(%dma_wait3A_404 : memref<16x3072xf32, #tpu.memory_space<vmem>>) dst(%dma_wait3A_400 : memref<16x3072xf32, #tpu.memory_space<hbm>>)
    %dma_start3A_405 = arith.constant 0 : i32
    %dma_start3A_406 = arith.constant 0 : i32
    %dma_start3A_407 = arith.constant 0 : i32
    %dma_start3A_408 = tpu.memref_slice %arg6[%dma_start3A_405, %dma_start3A_406, %dma_start3A_407] : memref<2x16x3072xf32, #tpu.memory_space<vmem>> -> memref<1x16x3072xf32, #tpu.memory_space<vmem>>
    %dma_start3A_409 = tpu.memref_squeeze %dma_start3A_408 : memref<1x16x3072xf32, #tpu.memory_space<vmem>> -> memref<16x3072xf32, #tpu.memory_space<vmem>>
    %dma_start3A_410 = arith.constant 120 : i32
    %dma_start3A_411 = tpu.memref_slice %arg5[%dma_start3A_410] : memref<256xi32, #tpu.memory_space<vmem>> -> memref<16xi32, #tpu.memory_space<vmem>>
    %dma_start3A_412 = arith.constant 0 : i32
    %dma_start3A_413 = arith.constant 0 : i32
    %dma_start3A_414 = tpu.memref_slice %arg2[%dma_start3A_412, %dma_start3A_413] : memref<32064x3072xf32, #tpu.memory_space<hbm>> -> memref<32064x3072xf32, #tpu.memory_space<hbm>>
    tpu.enqueue_indirect_dma source(%dma_start3A_414 : memref<32064x3072xf32, #tpu.memory_space<hbm>>) target(%dma_start3A_409 : memref<16x3072xf32, #tpu.memory_space<vmem>>) offsets(%dma_start3A_411 : memref<16xi32, #tpu.memory_space<vmem>>) semaphore(%arg7 : memref<!tpu.dma_semaphore, #tpu.memory_space<semaphore_mem>>)
    %dma_wait3A_415 = arith.constant 1 : i32
    %dma_wait3A_416 = arith.constant 0 : i32
    %dma_wait3A_417 = arith.constant 0 : i32
    %dma_wait3A_418 = tpu.memref_slice %arg6[%dma_wait3A_415, %dma_wait3A_416, %dma_wait3A_417] : memref<2x16x3072xf32, #tpu.memory_space<vmem>> -> memref<1x16x3072xf32, #tpu.memory_space<vmem>>
    %dma_wait3A_419 = tpu.memref_squeeze %dma_wait3A_418 : memref<1x16x3072xf32, #tpu.memory_space<vmem>> -> memref<16x3072xf32, #tpu.memory_space<vmem>>
    %dma_wait3A_420 = arith.constant 104 : i32
    %dma_wait3A_421 = tpu.memref_slice %arg5[%dma_wait3A_420] : memref<256xi32, #tpu.memory_space<vmem>> -> memref<16xi32, #tpu.memory_space<vmem>>
    %dma_wait3A_422 = arith.constant 0 : i32
    %dma_wait3A_423 = arith.constant 0 : i32
    %dma_wait3A_424 = tpu.memref_slice %arg2[%dma_wait3A_422, %dma_wait3A_423] : memref<32064x3072xf32, #tpu.memory_space<hbm>> -> memref<32064x3072xf32, #tpu.memory_space<hbm>>
    tpu.wait_indirect_dma semaphore(%arg8 : memref<!tpu.dma_semaphore, #tpu.memory_space<semaphore_mem>>) src(%dma_wait3A_424 : memref<32064x3072xf32, #tpu.memory_space<hbm>>) dst(%dma_wait3A_419 : memref<16x3072xf32, #tpu.memory_space<vmem>>)
    %add3A_425 = arith.constant 104 : i32
    %add3A_426 = arith.addi %mul3A_32, %add3A_425 : i32
    %dma_start3A_427 = arith.constant 1 : i32
    %dma_start3A_428 = arith.constant 0 : i32
    %dma_start3A_429 = arith.constant 0 : i32
    %dma_start3A_430 = tpu.memref_slice %arg6[%dma_start3A_427, %dma_start3A_428, %dma_start3A_429] : memref<2x16x3072xf32, #tpu.memory_space<vmem>> -> memref<1x16x3072xf32, #tpu.memory_space<vmem>>
    %dma_start3A_431 = tpu.memref_squeeze %dma_start3A_430 : memref<1x16x3072xf32, #tpu.memory_space<vmem>> -> memref<16x3072xf32, #tpu.memory_space<vmem>>
    %dma_start3A_432 = arith.constant 0 : i32
    %dma_start3A_433 = tpu.memref_slice %arg4[%select_n3A, %add3A_426, %dma_start3A_432] : memref<2x4096x3072xf32, #tpu.memory_space<hbm>> -> memref<1x16x3072xf32, #tpu.memory_space<hbm>>
    %dma_start3A_434 = tpu.memref_squeeze %dma_start3A_433 : memref<1x16x3072xf32, #tpu.memory_space<hbm>> -> memref<16x3072xf32, #tpu.memory_space<hbm>>
    %dma_start3A_435 = arith.constant 0 : i32
    %dma_start3A_436 = tpu.memref_slice %arg4[%select_n3A, %add3A_426, %dma_start3A_435] : memref<2x4096x3072xf32, #tpu.memory_space<hbm>> -> memref<1x16x3072xf32, #tpu.memory_space<hbm>>
    %dma_start3A_437 = tpu.memref_squeeze %dma_start3A_436 : memref<1x16x3072xf32, #tpu.memory_space<hbm>> -> memref<16x3072xf32, #tpu.memory_space<hbm>>
    %dma_start3A_438 = arith.constant 0 : i32
    %dma_start3A_439 = arith.constant 0 : i32
    %dma_start3A_440 = tpu.memref_slice %arg6[%dma_start3A_427, %dma_start3A_438, %dma_start3A_439] : memref<2x16x3072xf32, #tpu.memory_space<vmem>> -> memref<1x16x3072xf32, #tpu.memory_space<vmem>>
    %dma_start3A_441 = tpu.memref_squeeze %dma_start3A_440 : memref<1x16x3072xf32, #tpu.memory_space<vmem>> -> memref<16x3072xf32, #tpu.memory_space<vmem>>
    tpu.enqueue_dma source(%dma_start3A_441 : memref<16x3072xf32, #tpu.memory_space<vmem>>) target(%dma_start3A_437 : memref<16x3072xf32, #tpu.memory_space<hbm>>) target_semaphore(%arg10 : memref<!tpu.dma_semaphore, #tpu.memory_space<semaphore_mem>>)
    %dma_wait3A_442 = arith.constant 1 : i32
    %dma_wait3A_443 = arith.constant 0 : i32
    %dma_wait3A_444 = arith.constant 0 : i32
    %dma_wait3A_445 = tpu.memref_slice %arg6[%dma_wait3A_442, %dma_wait3A_443, %dma_wait3A_444] : memref<2x16x3072xf32, #tpu.memory_space<vmem>> -> memref<1x16x3072xf32, #tpu.memory_space<vmem>>
    %dma_wait3A_446 = tpu.memref_squeeze %dma_wait3A_445 : memref<1x16x3072xf32, #tpu.memory_space<vmem>> -> memref<16x3072xf32, #tpu.memory_space<vmem>>
    %dma_wait3A_447 = arith.constant 0 : i32
    %dma_wait3A_448 = tpu.memref_slice %arg4[%select_n3A, %add3A_426, %dma_wait3A_447] : memref<2x4096x3072xf32, #tpu.memory_space<hbm>> -> memref<1x16x3072xf32, #tpu.memory_space<hbm>>
    %dma_wait3A_449 = tpu.memref_squeeze %dma_wait3A_448 : memref<1x16x3072xf32, #tpu.memory_space<hbm>> -> memref<16x3072xf32, #tpu.memory_space<hbm>>
    %dma_wait3A_450 = arith.constant 0 : i32
    %dma_wait3A_451 = tpu.memref_slice %arg4[%select_n3A, %add3A_426, %dma_wait3A_450] : memref<2x4096x3072xf32, #tpu.memory_space<hbm>> -> memref<1x16x3072xf32, #tpu.memory_space<hbm>>
    %dma_wait3A_452 = tpu.memref_squeeze %dma_wait3A_451 : memref<1x16x3072xf32, #tpu.memory_space<hbm>> -> memref<16x3072xf32, #tpu.memory_space<hbm>>
    %dma_wait3A_453 = arith.constant 0 : i32
    %dma_wait3A_454 = arith.constant 0 : i32
    %dma_wait3A_455 = tpu.memref_slice %arg6[%dma_wait3A_442, %dma_wait3A_453, %dma_wait3A_454] : memref<2x16x3072xf32, #tpu.memory_space<vmem>> -> memref<1x16x3072xf32, #tpu.memory_space<vmem>>
    %dma_wait3A_456 = tpu.memref_squeeze %dma_wait3A_455 : memref<1x16x3072xf32, #tpu.memory_space<vmem>> -> memref<16x3072xf32, #tpu.memory_space<vmem>>
    tpu.wait_dma2 semaphore(%arg10 : memref<!tpu.dma_semaphore, #tpu.memory_space<semaphore_mem>>) src(%dma_wait3A_456 : memref<16x3072xf32, #tpu.memory_space<vmem>>) dst(%dma_wait3A_452 : memref<16x3072xf32, #tpu.memory_space<hbm>>)
    %dma_start3A_457 = arith.constant 1 : i32
    %dma_start3A_458 = arith.constant 0 : i32
    %dma_start3A_459 = arith.constant 0 : i32
    %dma_start3A_460 = tpu.memref_slice %arg6[%dma_start3A_457, %dma_start3A_458, %dma_start3A_459] : memref<2x16x3072xf32, #tpu.memory_space<vmem>> -> memref<1x16x3072xf32, #tpu.memory_space<vmem>>
    %dma_start3A_461 = tpu.memref_squeeze %dma_start3A_460 : memref<1x16x3072xf32, #tpu.memory_space<vmem>> -> memref<16x3072xf32, #tpu.memory_space<vmem>>
    %dma_start3A_462 = arith.constant 136 : i32
    %dma_start3A_463 = tpu.memref_slice %arg5[%dma_start3A_462] : memref<256xi32, #tpu.memory_space<vmem>> -> memref<16xi32, #tpu.memory_space<vmem>>
    %dma_start3A_464 = arith.constant 0 : i32
    %dma_start3A_465 = arith.constant 0 : i32
    %dma_start3A_466 = tpu.memref_slice %arg2[%dma_start3A_464, %dma_start3A_465] : memref<32064x3072xf32, #tpu.memory_space<hbm>> -> memref<32064x3072xf32, #tpu.memory_space<hbm>>
    tpu.enqueue_indirect_dma source(%dma_start3A_466 : memref<32064x3072xf32, #tpu.memory_space<hbm>>) target(%dma_start3A_461 : memref<16x3072xf32, #tpu.memory_space<vmem>>) offsets(%dma_start3A_463 : memref<16xi32, #tpu.memory_space<vmem>>) semaphore(%arg8 : memref<!tpu.dma_semaphore, #tpu.memory_space<semaphore_mem>>)
    %dma_wait3A_467 = arith.constant 0 : i32
    %dma_wait3A_468 = arith.constant 0 : i32
    %dma_wait3A_469 = arith.constant 0 : i32
    %dma_wait3A_470 = tpu.memref_slice %arg6[%dma_wait3A_467, %dma_wait3A_468, %dma_wait3A_469] : memref<2x16x3072xf32, #tpu.memory_space<vmem>> -> memref<1x16x3072xf32, #tpu.memory_space<vmem>>
    %dma_wait3A_471 = tpu.memref_squeeze %dma_wait3A_470 : memref<1x16x3072xf32, #tpu.memory_space<vmem>> -> memref<16x3072xf32, #tpu.memory_space<vmem>>
    %dma_wait3A_472 = arith.constant 120 : i32
    %dma_wait3A_473 = tpu.memref_slice %arg5[%dma_wait3A_472] : memref<256xi32, #tpu.memory_space<vmem>> -> memref<16xi32, #tpu.memory_space<vmem>>
    %dma_wait3A_474 = arith.constant 0 : i32
    %dma_wait3A_475 = arith.constant 0 : i32
    %dma_wait3A_476 = tpu.memref_slice %arg2[%dma_wait3A_474, %dma_wait3A_475] : memref<32064x3072xf32, #tpu.memory_space<hbm>> -> memref<32064x3072xf32, #tpu.memory_space<hbm>>
    tpu.wait_indirect_dma semaphore(%arg7 : memref<!tpu.dma_semaphore, #tpu.memory_space<semaphore_mem>>) src(%dma_wait3A_476 : memref<32064x3072xf32, #tpu.memory_space<hbm>>) dst(%dma_wait3A_471 : memref<16x3072xf32, #tpu.memory_space<vmem>>)
    %add3A_477 = arith.constant 120 : i32
    %add3A_478 = arith.addi %mul3A_32, %add3A_477 : i32
    %dma_start3A_479 = arith.constant 0 : i32
    %dma_start3A_480 = arith.constant 0 : i32
    %dma_start3A_481 = arith.constant 0 : i32
    %dma_start3A_482 = tpu.memref_slice %arg6[%dma_start3A_479, %dma_start3A_480, %dma_start3A_481] : memref<2x16x3072xf32, #tpu.memory_space<vmem>> -> memref<1x16x3072xf32, #tpu.memory_space<vmem>>
    %dma_start3A_483 = tpu.memref_squeeze %dma_start3A_482 : memref<1x16x3072xf32, #tpu.memory_space<vmem>> -> memref<16x3072xf32, #tpu.memory_space<vmem>>
    %dma_start3A_484 = arith.constant 0 : i32
    %dma_start3A_485 = tpu.memref_slice %arg4[%select_n3A, %add3A_478, %dma_start3A_484] : memref<2x4096x3072xf32, #tpu.memory_space<hbm>> -> memref<1x16x3072xf32, #tpu.memory_space<hbm>>
    %dma_start3A_486 = tpu.memref_squeeze %dma_start3A_485 : memref<1x16x3072xf32, #tpu.memory_space<hbm>> -> memref<16x3072xf32, #tpu.memory_space<hbm>>
    %dma_start3A_487 = arith.constant 0 : i32
    %dma_start3A_488 = tpu.memref_slice %arg4[%select_n3A, %add3A_478, %dma_start3A_487] : memref<2x4096x3072xf32, #tpu.memory_space<hbm>> -> memref<1x16x3072xf32, #tpu.memory_space<hbm>>
    %dma_start3A_489 = tpu.memref_squeeze %dma_start3A_488 : memref<1x16x3072xf32, #tpu.memory_space<hbm>> -> memref<16x3072xf32, #tpu.memory_space<hbm>>
    %dma_start3A_490 = arith.constant 0 : i32
    %dma_start3A_491 = arith.constant 0 : i32
    %dma_start3A_492 = tpu.memref_slice %arg6[%dma_start3A_479, %dma_start3A_490, %dma_start3A_491] : memref<2x16x3072xf32, #tpu.memory_space<vmem>> -> memref<1x16x3072xf32, #tpu.memory_space<vmem>>
    %dma_start3A_493 = tpu.memref_squeeze %dma_start3A_492 : memref<1x16x3072xf32, #tpu.memory_space<vmem>> -> memref<16x3072xf32, #tpu.memory_space<vmem>>
    tpu.enqueue_dma source(%dma_start3A_493 : memref<16x3072xf32, #tpu.memory_space<vmem>>) target(%dma_start3A_489 : memref<16x3072xf32, #tpu.memory_space<hbm>>) target_semaphore(%arg9 : memref<!tpu.dma_semaphore, #tpu.memory_space<semaphore_mem>>)
    %dma_wait3A_494 = arith.constant 0 : i32
    %dma_wait3A_495 = arith.constant 0 : i32
    %dma_wait3A_496 = arith.constant 0 : i32
    %dma_wait3A_497 = tpu.memref_slice %arg6[%dma_wait3A_494, %dma_wait3A_495, %dma_wait3A_496] : memref<2x16x3072xf32, #tpu.memory_space<vmem>> -> memref<1x16x3072xf32, #tpu.memory_space<vmem>>
    %dma_wait3A_498 = tpu.memref_squeeze %dma_wait3A_497 : memref<1x16x3072xf32, #tpu.memory_space<vmem>> -> memref<16x3072xf32, #tpu.memory_space<vmem>>
    %dma_wait3A_499 = arith.constant 0 : i32
    %dma_wait3A_500 = tpu.memref_slice %arg4[%select_n3A, %add3A_478, %dma_wait3A_499] : memref<2x4096x3072xf32, #tpu.memory_space<hbm>> -> memref<1x16x3072xf32, #tpu.memory_space<hbm>>
    %dma_wait3A_501 = tpu.memref_squeeze %dma_wait3A_500 : memref<1x16x3072xf32, #tpu.memory_space<hbm>> -> memref<16x3072xf32, #tpu.memory_space<hbm>>
    %dma_wait3A_502 = arith.constant 0 : i32
    %dma_wait3A_503 = tpu.memref_slice %arg4[%select_n3A, %add3A_478, %dma_wait3A_502] : memref<2x4096x3072xf32, #tpu.memory_space<hbm>> -> memref<1x16x3072xf32, #tpu.memory_space<hbm>>
    %dma_wait3A_504 = tpu.memref_squeeze %dma_wait3A_503 : memref<1x16x3072xf32, #tpu.memory_space<hbm>> -> memref<16x3072xf32, #tpu.memory_space<hbm>>
    %dma_wait3A_505 = arith.constant 0 : i32
    %dma_wait3A_506 = arith.constant 0 : i32
    %dma_wait3A_507 = tpu.memref_slice %arg6[%dma_wait3A_494, %dma_wait3A_505, %dma_wait3A_506] : memref<2x16x3072xf32, #tpu.memory_space<vmem>> -> memref<1x16x3072xf32, #tpu.memory_space<vmem>>
    %dma_wait3A_508 = tpu.memref_squeeze %dma_wait3A_507 : memref<1x16x3072xf32, #tpu.memory_space<vmem>> -> memref<16x3072xf32, #tpu.memory_space<vmem>>
    tpu.wait_dma2 semaphore(%arg9 : memref<!tpu.dma_semaphore, #tpu.memory_space<semaphore_mem>>) src(%dma_wait3A_508 : memref<16x3072xf32, #tpu.memory_space<vmem>>) dst(%dma_wait3A_504 : memref<16x3072xf32, #tpu.memory_space<hbm>>)
    %dma_start3A_509 = arith.constant 0 : i32
    %dma_start3A_510 = arith.constant 0 : i32
    %dma_start3A_511 = arith.constant 0 : i32
    %dma_start3A_512 = tpu.memref_slice %arg6[%dma_start3A_509, %dma_start3A_510, %dma_start3A_511] : memref<2x16x3072xf32, #tpu.memory_space<vmem>> -> memref<1x16x3072xf32, #tpu.memory_space<vmem>>
    %dma_start3A_513 = tpu.memref_squeeze %dma_start3A_512 : memref<1x16x3072xf32, #tpu.memory_space<vmem>> -> memref<16x3072xf32, #tpu.memory_space<vmem>>
    %dma_start3A_514 = arith.constant 152 : i32
    %dma_start3A_515 = tpu.memref_slice %arg5[%dma_start3A_514] : memref<256xi32, #tpu.memory_space<vmem>> -> memref<16xi32, #tpu.memory_space<vmem>>
    %dma_start3A_516 = arith.constant 0 : i32
    %dma_start3A_517 = arith.constant 0 : i32
    %dma_start3A_518 = tpu.memref_slice %arg2[%dma_start3A_516, %dma_start3A_517] : memref<32064x3072xf32, #tpu.memory_space<hbm>> -> memref<32064x3072xf32, #tpu.memory_space<hbm>>
    tpu.enqueue_indirect_dma source(%dma_start3A_518 : memref<32064x3072xf32, #tpu.memory_space<hbm>>) target(%dma_start3A_513 : memref<16x3072xf32, #tpu.memory_space<vmem>>) offsets(%dma_start3A_515 : memref<16xi32, #tpu.memory_space<vmem>>) semaphore(%arg7 : memref<!tpu.dma_semaphore, #tpu.memory_space<semaphore_mem>>)
    %dma_wait3A_519 = arith.constant 1 : i32
    %dma_wait3A_520 = arith.constant 0 : i32
    %dma_wait3A_521 = arith.constant 0 : i32
    %dma_wait3A_522 = tpu.memref_slice %arg6[%dma_wait3A_519, %dma_wait3A_520, %dma_wait3A_521] : memref<2x16x3072xf32, #tpu.memory_space<vmem>> -> memref<1x16x3072xf32, #tpu.memory_space<vmem>>
    %dma_wait3A_523 = tpu.memref_squeeze %dma_wait3A_522 : memref<1x16x3072xf32, #tpu.memory_space<vmem>> -> memref<16x3072xf32, #tpu.memory_space<vmem>>
    %dma_wait3A_524 = arith.constant 136 : i32
    %dma_wait3A_525 = tpu.memref_slice %arg5[%dma_wait3A_524] : memref<256xi32, #tpu.memory_space<vmem>> -> memref<16xi32, #tpu.memory_space<vmem>>
    %dma_wait3A_526 = arith.constant 0 : i32
    %dma_wait3A_527 = arith.constant 0 : i32
    %dma_wait3A_528 = tpu.memref_slice %arg2[%dma_wait3A_526, %dma_wait3A_527] : memref<32064x3072xf32, #tpu.memory_space<hbm>> -> memref<32064x3072xf32, #tpu.memory_space<hbm>>
    tpu.wait_indirect_dma semaphore(%arg8 : memref<!tpu.dma_semaphore, #tpu.memory_space<semaphore_mem>>) src(%dma_wait3A_528 : memref<32064x3072xf32, #tpu.memory_space<hbm>>) dst(%dma_wait3A_523 : memref<16x3072xf32, #tpu.memory_space<vmem>>)
    %add3A_529 = arith.constant 136 : i32
    %add3A_530 = arith.addi %mul3A_32, %add3A_529 : i32
    %dma_start3A_531 = arith.constant 1 : i32
    %dma_start3A_532 = arith.constant 0 : i32
    %dma_start3A_533 = arith.constant 0 : i32
    %dma_start3A_534 = tpu.memref_slice %arg6[%dma_start3A_531, %dma_start3A_532, %dma_start3A_533] : memref<2x16x3072xf32, #tpu.memory_space<vmem>> -> memref<1x16x3072xf32, #tpu.memory_space<vmem>>
    %dma_start3A_535 = tpu.memref_squeeze %dma_start3A_534 : memref<1x16x3072xf32, #tpu.memory_space<vmem>> -> memref<16x3072xf32, #tpu.memory_space<vmem>>
    %dma_start3A_536 = arith.constant 0 : i32
    %dma_start3A_537 = tpu.memref_slice %arg4[%select_n3A, %add3A_530, %dma_start3A_536] : memref<2x4096x3072xf32, #tpu.memory_space<hbm>> -> memref<1x16x3072xf32, #tpu.memory_space<hbm>>
    %dma_start3A_538 = tpu.memref_squeeze %dma_start3A_537 : memref<1x16x3072xf32, #tpu.memory_space<hbm>> -> memref<16x3072xf32, #tpu.memory_space<hbm>>
    %dma_start3A_539 = arith.constant 0 : i32
    %dma_start3A_540 = tpu.memref_slice %arg4[%select_n3A, %add3A_530, %dma_start3A_539] : memref<2x4096x3072xf32, #tpu.memory_space<hbm>> -> memref<1x16x3072xf32, #tpu.memory_space<hbm>>
    %dma_start3A_541 = tpu.memref_squeeze %dma_start3A_540 : memref<1x16x3072xf32, #tpu.memory_space<hbm>> -> memref<16x3072xf32, #tpu.memory_space<hbm>>
    %dma_start3A_542 = arith.constant 0 : i32
    %dma_start3A_543 = arith.constant 0 : i32
    %dma_start3A_544 = tpu.memref_slice %arg6[%dma_start3A_531, %dma_start3A_542, %dma_start3A_543] : memref<2x16x3072xf32, #tpu.memory_space<vmem>> -> memref<1x16x3072xf32, #tpu.memory_space<vmem>>
    %dma_start3A_545 = tpu.memref_squeeze %dma_start3A_544 : memref<1x16x3072xf32, #tpu.memory_space<vmem>> -> memref<16x3072xf32, #tpu.memory_space<vmem>>
    tpu.enqueue_dma source(%dma_start3A_545 : memref<16x3072xf32, #tpu.memory_space<vmem>>) target(%dma_start3A_541 : memref<16x3072xf32, #tpu.memory_space<hbm>>) target_semaphore(%arg10 : memref<!tpu.dma_semaphore, #tpu.memory_space<semaphore_mem>>)
    %dma_wait3A_546 = arith.constant 1 : i32
    %dma_wait3A_547 = arith.constant 0 : i32
    %dma_wait3A_548 = arith.constant 0 : i32
    %dma_wait3A_549 = tpu.memref_slice %arg6[%dma_wait3A_546, %dma_wait3A_547, %dma_wait3A_548] : memref<2x16x3072xf32, #tpu.memory_space<vmem>> -> memref<1x16x3072xf32, #tpu.memory_space<vmem>>
    %dma_wait3A_550 = tpu.memref_squeeze %dma_wait3A_549 : memref<1x16x3072xf32, #tpu.memory_space<vmem>> -> memref<16x3072xf32, #tpu.memory_space<vmem>>
    %dma_wait3A_551 = arith.constant 0 : i32
    %dma_wait3A_552 = tpu.memref_slice %arg4[%select_n3A, %add3A_530, %dma_wait3A_551] : memref<2x4096x3072xf32, #tpu.memory_space<hbm>> -> memref<1x16x3072xf32, #tpu.memory_space<hbm>>
    %dma_wait3A_553 = tpu.memref_squeeze %dma_wait3A_552 : memref<1x16x3072xf32, #tpu.memory_space<hbm>> -> memref<16x3072xf32, #tpu.memory_space<hbm>>
    %dma_wait3A_554 = arith.constant 0 : i32
    %dma_wait3A_555 = tpu.memref_slice %arg4[%select_n3A, %add3A_530, %dma_wait3A_554] : memref<2x4096x3072xf32, #tpu.memory_space<hbm>> -> memref<1x16x3072xf32, #tpu.memory_space<hbm>>
    %dma_wait3A_556 = tpu.memref_squeeze %dma_wait3A_555 : memref<1x16x3072xf32, #tpu.memory_space<hbm>> -> memref<16x3072xf32, #tpu.memory_space<hbm>>
    %dma_wait3A_557 = arith.constant 0 : i32
    %dma_wait3A_558 = arith.constant 0 : i32
    %dma_wait3A_559 = tpu.memref_slice %arg6[%dma_wait3A_546, %dma_wait3A_557, %dma_wait3A_558] : memref<2x16x3072xf32, #tpu.memory_space<vmem>> -> memref<1x16x3072xf32, #tpu.memory_space<vmem>>
    %dma_wait3A_560 = tpu.memref_squeeze %dma_wait3A_559 : memref<1x16x3072xf32, #tpu.memory_space<vmem>> -> memref<16x3072xf32, #tpu.memory_space<vmem>>
    tpu.wait_dma2 semaphore(%arg10 : memref<!tpu.dma_semaphore, #tpu.memory_space<semaphore_mem>>) src(%dma_wait3A_560 : memref<16x3072xf32, #tpu.memory_space<vmem>>) dst(%dma_wait3A_556 : memref<16x3072xf32, #tpu.memory_space<hbm>>)
    %dma_start3A_561 = arith.constant 1 : i32
    %dma_start3A_562 = arith.constant 0 : i32
    %dma_start3A_563 = arith.constant 0 : i32
    %dma_start3A_564 = tpu.memref_slice %arg6[%dma_start3A_561, %dma_start3A_562, %dma_start3A_563] : memref<2x16x3072xf32, #tpu.memory_space<vmem>> -> memref<1x16x3072xf32, #tpu.memory_space<vmem>>
    %dma_start3A_565 = tpu.memref_squeeze %dma_start3A_564 : memref<1x16x3072xf32, #tpu.memory_space<vmem>> -> memref<16x3072xf32, #tpu.memory_space<vmem>>
    %dma_start3A_566 = arith.constant 168 : i32
    %dma_start3A_567 = tpu.memref_slice %arg5[%dma_start3A_566] : memref<256xi32, #tpu.memory_space<vmem>> -> memref<16xi32, #tpu.memory_space<vmem>>
    %dma_start3A_568 = arith.constant 0 : i32
    %dma_start3A_569 = arith.constant 0 : i32
    %dma_start3A_570 = tpu.memref_slice %arg2[%dma_start3A_568, %dma_start3A_569] : memref<32064x3072xf32, #tpu.memory_space<hbm>> -> memref<32064x3072xf32, #tpu.memory_space<hbm>>
    tpu.enqueue_indirect_dma source(%dma_start3A_570 : memref<32064x3072xf32, #tpu.memory_space<hbm>>) target(%dma_start3A_565 : memref<16x3072xf32, #tpu.memory_space<vmem>>) offsets(%dma_start3A_567 : memref<16xi32, #tpu.memory_space<vmem>>) semaphore(%arg8 : memref<!tpu.dma_semaphore, #tpu.memory_space<semaphore_mem>>)
    %dma_wait3A_571 = arith.constant 0 : i32
    %dma_wait3A_572 = arith.constant 0 : i32
    %dma_wait3A_573 = arith.constant 0 : i32
    %dma_wait3A_574 = tpu.memref_slice %arg6[%dma_wait3A_571, %dma_wait3A_572, %dma_wait3A_573] : memref<2x16x3072xf32, #tpu.memory_space<vmem>> -> memref<1x16x3072xf32, #tpu.memory_space<vmem>>
    %dma_wait3A_575 = tpu.memref_squeeze %dma_wait3A_574 : memref<1x16x3072xf32, #tpu.memory_space<vmem>> -> memref<16x3072xf32, #tpu.memory_space<vmem>>
    %dma_wait3A_576 = arith.constant 152 : i32
    %dma_wait3A_577 = tpu.memref_slice %arg5[%dma_wait3A_576] : memref<256xi32, #tpu.memory_space<vmem>> -> memref<16xi32, #tpu.memory_space<vmem>>
    %dma_wait3A_578 = arith.constant 0 : i32
    %dma_wait3A_579 = arith.constant 0 : i32
    %dma_wait3A_580 = tpu.memref_slice %arg2[%dma_wait3A_578, %dma_wait3A_579] : memref<32064x3072xf32, #tpu.memory_space<hbm>> -> memref<32064x3072xf32, #tpu.memory_space<hbm>>
    tpu.wait_indirect_dma semaphore(%arg7 : memref<!tpu.dma_semaphore, #tpu.memory_space<semaphore_mem>>) src(%dma_wait3A_580 : memref<32064x3072xf32, #tpu.memory_space<hbm>>) dst(%dma_wait3A_575 : memref<16x3072xf32, #tpu.memory_space<vmem>>)
    %add3A_581 = arith.constant 152 : i32
    %add3A_582 = arith.addi %mul3A_32, %add3A_581 : i32
    %dma_start3A_583 = arith.constant 0 : i32
    %dma_start3A_584 = arith.constant 0 : i32
    %dma_start3A_585 = arith.constant 0 : i32
    %dma_start3A_586 = tpu.memref_slice %arg6[%dma_start3A_583, %dma_start3A_584, %dma_start3A_585] : memref<2x16x3072xf32, #tpu.memory_space<vmem>> -> memref<1x16x3072xf32, #tpu.memory_space<vmem>>
    %dma_start3A_587 = tpu.memref_squeeze %dma_start3A_586 : memref<1x16x3072xf32, #tpu.memory_space<vmem>> -> memref<16x3072xf32, #tpu.memory_space<vmem>>
    %dma_start3A_588 = arith.constant 0 : i32
    %dma_start3A_589 = tpu.memref_slice %arg4[%select_n3A, %add3A_582, %dma_start3A_588] : memref<2x4096x3072xf32, #tpu.memory_space<hbm>> -> memref<1x16x3072xf32, #tpu.memory_space<hbm>>
    %dma_start3A_590 = tpu.memref_squeeze %dma_start3A_589 : memref<1x16x3072xf32, #tpu.memory_space<hbm>> -> memref<16x3072xf32, #tpu.memory_space<hbm>>
    %dma_start3A_591 = arith.constant 0 : i32
    %dma_start3A_592 = tpu.memref_slice %arg4[%select_n3A, %add3A_582, %dma_start3A_591] : memref<2x4096x3072xf32, #tpu.memory_space<hbm>> -> memref<1x16x3072xf32, #tpu.memory_space<hbm>>
    %dma_start3A_593 = tpu.memref_squeeze %dma_start3A_592 : memref<1x16x3072xf32, #tpu.memory_space<hbm>> -> memref<16x3072xf32, #tpu.memory_space<hbm>>
    %dma_start3A_594 = arith.constant 0 : i32
    %dma_start3A_595 = arith.constant 0 : i32
    %dma_start3A_596 = tpu.memref_slice %arg6[%dma_start3A_583, %dma_start3A_594, %dma_start3A_595] : memref<2x16x3072xf32, #tpu.memory_space<vmem>> -> memref<1x16x3072xf32, #tpu.memory_space<vmem>>
    %dma_start3A_597 = tpu.memref_squeeze %dma_start3A_596 : memref<1x16x3072xf32, #tpu.memory_space<vmem>> -> memref<16x3072xf32, #tpu.memory_space<vmem>>
    tpu.enqueue_dma source(%dma_start3A_597 : memref<16x3072xf32, #tpu.memory_space<vmem>>) target(%dma_start3A_593 : memref<16x3072xf32, #tpu.memory_space<hbm>>) target_semaphore(%arg9 : memref<!tpu.dma_semaphore, #tpu.memory_space<semaphore_mem>>)
    %dma_wait3A_598 = arith.constant 0 : i32
    %dma_wait3A_599 = arith.constant 0 : i32
    %dma_wait3A_600 = arith.constant 0 : i32
    %dma_wait3A_601 = tpu.memref_slice %arg6[%dma_wait3A_598, %dma_wait3A_599, %dma_wait3A_600] : memref<2x16x3072xf32, #tpu.memory_space<vmem>> -> memref<1x16x3072xf32, #tpu.memory_space<vmem>>
    %dma_wait3A_602 = tpu.memref_squeeze %dma_wait3A_601 : memref<1x16x3072xf32, #tpu.memory_space<vmem>> -> memref<16x3072xf32, #tpu.memory_space<vmem>>
    %dma_wait3A_603 = arith.constant 0 : i32
    %dma_wait3A_604 = tpu.memref_slice %arg4[%select_n3A, %add3A_582, %dma_wait3A_603] : memref<2x4096x3072xf32, #tpu.memory_space<hbm>> -> memref<1x16x3072xf32, #tpu.memory_space<hbm>>
    %dma_wait3A_605 = tpu.memref_squeeze %dma_wait3A_604 : memref<1x16x3072xf32, #tpu.memory_space<hbm>> -> memref<16x3072xf32, #tpu.memory_space<hbm>>
    %dma_wait3A_606 = arith.constant 0 : i32
    %dma_wait3A_607 = tpu.memref_slice %arg4[%select_n3A, %add3A_582, %dma_wait3A_606] : memref<2x4096x3072xf32, #tpu.memory_space<hbm>> -> memref<1x16x3072xf32, #tpu.memory_space<hbm>>
    %dma_wait3A_608 = tpu.memref_squeeze %dma_wait3A_607 : memref<1x16x3072xf32, #tpu.memory_space<hbm>> -> memref<16x3072xf32, #tpu.memory_space<hbm>>
    %dma_wait3A_609 = arith.constant 0 : i32
    %dma_wait3A_610 = arith.constant 0 : i32
    %dma_wait3A_611 = tpu.memref_slice %arg6[%dma_wait3A_598, %dma_wait3A_609, %dma_wait3A_610] : memref<2x16x3072xf32, #tpu.memory_space<vmem>> -> memref<1x16x3072xf32, #tpu.memory_space<vmem>>
    %dma_wait3A_612 = tpu.memref_squeeze %dma_wait3A_611 : memref<1x16x3072xf32, #tpu.memory_space<vmem>> -> memref<16x3072xf32, #tpu.memory_space<vmem>>
    tpu.wait_dma2 semaphore(%arg9 : memref<!tpu.dma_semaphore, #tpu.memory_space<semaphore_mem>>) src(%dma_wait3A_612 : memref<16x3072xf32, #tpu.memory_space<vmem>>) dst(%dma_wait3A_608 : memref<16x3072xf32, #tpu.memory_space<hbm>>)
    %dma_start3A_613 = arith.constant 0 : i32
    %dma_start3A_614 = arith.constant 0 : i32
    %dma_start3A_615 = arith.constant 0 : i32
    %dma_start3A_616 = tpu.memref_slice %arg6[%dma_start3A_613, %dma_start3A_614, %dma_start3A_615] : memref<2x16x3072xf32, #tpu.memory_space<vmem>> -> memref<1x16x3072xf32, #tpu.memory_space<vmem>>
    %dma_start3A_617 = tpu.memref_squeeze %dma_start3A_616 : memref<1x16x3072xf32, #tpu.memory_space<vmem>> -> memref<16x3072xf32, #tpu.memory_space<vmem>>
    %dma_start3A_618 = arith.constant 184 : i32
    %dma_start3A_619 = tpu.memref_slice %arg5[%dma_start3A_618] : memref<256xi32, #tpu.memory_space<vmem>> -> memref<16xi32, #tpu.memory_space<vmem>>
    %dma_start3A_620 = arith.constant 0 : i32
    %dma_start3A_621 = arith.constant 0 : i32
    %dma_start3A_622 = tpu.memref_slice %arg2[%dma_start3A_620, %dma_start3A_621] : memref<32064x3072xf32, #tpu.memory_space<hbm>> -> memref<32064x3072xf32, #tpu.memory_space<hbm>>
    tpu.enqueue_indirect_dma source(%dma_start3A_622 : memref<32064x3072xf32, #tpu.memory_space<hbm>>) target(%dma_start3A_617 : memref<16x3072xf32, #tpu.memory_space<vmem>>) offsets(%dma_start3A_619 : memref<16xi32, #tpu.memory_space<vmem>>) semaphore(%arg7 : memref<!tpu.dma_semaphore, #tpu.memory_space<semaphore_mem>>)
    %dma_wait3A_623 = arith.constant 1 : i32
    %dma_wait3A_624 = arith.constant 0 : i32
    %dma_wait3A_625 = arith.constant 0 : i32
    %dma_wait3A_626 = tpu.memref_slice %arg6[%dma_wait3A_623, %dma_wait3A_624, %dma_wait3A_625] : memref<2x16x3072xf32, #tpu.memory_space<vmem>> -> memref<1x16x3072xf32, #tpu.memory_space<vmem>>
    %dma_wait3A_627 = tpu.memref_squeeze %dma_wait3A_626 : memref<1x16x3072xf32, #tpu.memory_space<vmem>> -> memref<16x3072xf32, #tpu.memory_space<vmem>>
    %dma_wait3A_628 = arith.constant 168 : i32
    %dma_wait3A_629 = tpu.memref_slice %arg5[%dma_wait3A_628] : memref<256xi32, #tpu.memory_space<vmem>> -> memref<16xi32, #tpu.memory_space<vmem>>
    %dma_wait3A_630 = arith.constant 0 : i32
    %dma_wait3A_631 = arith.constant 0 : i32
    %dma_wait3A_632 = tpu.memref_slice %arg2[%dma_wait3A_630, %dma_wait3A_631] : memref<32064x3072xf32, #tpu.memory_space<hbm>> -> memref<32064x3072xf32, #tpu.memory_space<hbm>>
    tpu.wait_indirect_dma semaphore(%arg8 : memref<!tpu.dma_semaphore, #tpu.memory_space<semaphore_mem>>) src(%dma_wait3A_632 : memref<32064x3072xf32, #tpu.memory_space<hbm>>) dst(%dma_wait3A_627 : memref<16x3072xf32, #tpu.memory_space<vmem>>)
    %add3A_633 = arith.constant 168 : i32
    %add3A_634 = arith.addi %mul3A_32, %add3A_633 : i32
    %dma_start3A_635 = arith.constant 1 : i32
    %dma_start3A_636 = arith.constant 0 : i32
    %dma_start3A_637 = arith.constant 0 : i32
    %dma_start3A_638 = tpu.memref_slice %arg6[%dma_start3A_635, %dma_start3A_636, %dma_start3A_637] : memref<2x16x3072xf32, #tpu.memory_space<vmem>> -> memref<1x16x3072xf32, #tpu.memory_space<vmem>>
    %dma_start3A_639 = tpu.memref_squeeze %dma_start3A_638 : memref<1x16x3072xf32, #tpu.memory_space<vmem>> -> memref<16x3072xf32, #tpu.memory_space<vmem>>
    %dma_start3A_640 = arith.constant 0 : i32
    %dma_start3A_641 = tpu.memref_slice %arg4[%select_n3A, %add3A_634, %dma_start3A_640] : memref<2x4096x3072xf32, #tpu.memory_space<hbm>> -> memref<1x16x3072xf32, #tpu.memory_space<hbm>>
    %dma_start3A_642 = tpu.memref_squeeze %dma_start3A_641 : memref<1x16x3072xf32, #tpu.memory_space<hbm>> -> memref<16x3072xf32, #tpu.memory_space<hbm>>
    %dma_start3A_643 = arith.constant 0 : i32
    %dma_start3A_644 = tpu.memref_slice %arg4[%select_n3A, %add3A_634, %dma_start3A_643] : memref<2x4096x3072xf32, #tpu.memory_space<hbm>> -> memref<1x16x3072xf32, #tpu.memory_space<hbm>>
    %dma_start3A_645 = tpu.memref_squeeze %dma_start3A_644 : memref<1x16x3072xf32, #tpu.memory_space<hbm>> -> memref<16x3072xf32, #tpu.memory_space<hbm>>
    %dma_start3A_646 = arith.constant 0 : i32
    %dma_start3A_647 = arith.constant 0 : i32
    %dma_start3A_648 = tpu.memref_slice %arg6[%dma_start3A_635, %dma_start3A_646, %dma_start3A_647] : memref<2x16x3072xf32, #tpu.memory_space<vmem>> -> memref<1x16x3072xf32, #tpu.memory_space<vmem>>
    %dma_start3A_649 = tpu.memref_squeeze %dma_start3A_648 : memref<1x16x3072xf32, #tpu.memory_space<vmem>> -> memref<16x3072xf32, #tpu.memory_space<vmem>>
    tpu.enqueue_dma source(%dma_start3A_649 : memref<16x3072xf32, #tpu.memory_space<vmem>>) target(%dma_start3A_645 : memref<16x3072xf32, #tpu.memory_space<hbm>>) target_semaphore(%arg10 : memref<!tpu.dma_semaphore, #tpu.memory_space<semaphore_mem>>)
    %dma_wait3A_650 = arith.constant 1 : i32
    %dma_wait3A_651 = arith.constant 0 : i32
    %dma_wait3A_652 = arith.constant 0 : i32
    %dma_wait3A_653 = tpu.memref_slice %arg6[%dma_wait3A_650, %dma_wait3A_651, %dma_wait3A_652] : memref<2x16x3072xf32, #tpu.memory_space<vmem>> -> memref<1x16x3072xf32, #tpu.memory_space<vmem>>
    %dma_wait3A_654 = tpu.memref_squeeze %dma_wait3A_653 : memref<1x16x3072xf32, #tpu.memory_space<vmem>> -> memref<16x3072xf32, #tpu.memory_space<vmem>>
    %dma_wait3A_655 = arith.constant 0 : i32
    %dma_wait3A_656 = tpu.memref_slice %arg4[%select_n3A, %add3A_634, %dma_wait3A_655] : memref<2x4096x3072xf32, #tpu.memory_space<hbm>> -> memref<1x16x3072xf32, #tpu.memory_space<hbm>>
    %dma_wait3A_657 = tpu.memref_squeeze %dma_wait3A_656 : memref<1x16x3072xf32, #tpu.memory_space<hbm>> -> memref<16x3072xf32, #tpu.memory_space<hbm>>
    %dma_wait3A_658 = arith.constant 0 : i32
    %dma_wait3A_659 = tpu.memref_slice %arg4[%select_n3A, %add3A_634, %dma_wait3A_658] : memref<2x4096x3072xf32, #tpu.memory_space<hbm>> -> memref<1x16x3072xf32, #tpu.memory_space<hbm>>
    %dma_wait3A_660 = tpu.memref_squeeze %dma_wait3A_659 : memref<1x16x3072xf32, #tpu.memory_space<hbm>> -> memref<16x3072xf32, #tpu.memory_space<hbm>>
    %dma_wait3A_661 = arith.constant 0 : i32
    %dma_wait3A_662 = arith.constant 0 : i32
    %dma_wait3A_663 = tpu.memref_slice %arg6[%dma_wait3A_650, %dma_wait3A_661, %dma_wait3A_662] : memref<2x16x3072xf32, #tpu.memory_space<vmem>> -> memref<1x16x3072xf32, #tpu.memory_space<vmem>>
    %dma_wait3A_664 = tpu.memref_squeeze %dma_wait3A_663 : memref<1x16x3072xf32, #tpu.memory_space<vmem>> -> memref<16x3072xf32, #tpu.memory_space<vmem>>
    tpu.wait_dma2 semaphore(%arg10 : memref<!tpu.dma_semaphore, #tpu.memory_space<semaphore_mem>>) src(%dma_wait3A_664 : memref<16x3072xf32, #tpu.memory_space<vmem>>) dst(%dma_wait3A_660 : memref<16x3072xf32, #tpu.memory_space<hbm>>)
    %dma_start3A_665 = arith.constant 1 : i32
    %dma_start3A_666 = arith.constant 0 : i32
    %dma_start3A_667 = arith.constant 0 : i32
    %dma_start3A_668 = tpu.memref_slice %arg6[%dma_start3A_665, %dma_start3A_666, %dma_start3A_667] : memref<2x16x3072xf32, #tpu.memory_space<vmem>> -> memref<1x16x3072xf32, #tpu.memory_space<vmem>>
    %dma_start3A_669 = tpu.memref_squeeze %dma_start3A_668 : memref<1x16x3072xf32, #tpu.memory_space<vmem>> -> memref<16x3072xf32, #tpu.memory_space<vmem>>
    %dma_start3A_670 = arith.constant 200 : i32
    %dma_start3A_671 = tpu.memref_slice %arg5[%dma_start3A_670] : memref<256xi32, #tpu.memory_space<vmem>> -> memref<16xi32, #tpu.memory_space<vmem>>
    %dma_start3A_672 = arith.constant 0 : i32
    %dma_start3A_673 = arith.constant 0 : i32
    %dma_start3A_674 = tpu.memref_slice %arg2[%dma_start3A_672, %dma_start3A_673] : memref<32064x3072xf32, #tpu.memory_space<hbm>> -> memref<32064x3072xf32, #tpu.memory_space<hbm>>
    tpu.enqueue_indirect_dma source(%dma_start3A_674 : memref<32064x3072xf32, #tpu.memory_space<hbm>>) target(%dma_start3A_669 : memref<16x3072xf32, #tpu.memory_space<vmem>>) offsets(%dma_start3A_671 : memref<16xi32, #tpu.memory_space<vmem>>) semaphore(%arg8 : memref<!tpu.dma_semaphore, #tpu.memory_space<semaphore_mem>>)
    %dma_wait3A_675 = arith.constant 0 : i32
    %dma_wait3A_676 = arith.constant 0 : i32
    %dma_wait3A_677 = arith.constant 0 : i32
    %dma_wait3A_678 = tpu.memref_slice %arg6[%dma_wait3A_675, %dma_wait3A_676, %dma_wait3A_677] : memref<2x16x3072xf32, #tpu.memory_space<vmem>> -> memref<1x16x3072xf32, #tpu.memory_space<vmem>>
    %dma_wait3A_679 = tpu.memref_squeeze %dma_wait3A_678 : memref<1x16x3072xf32, #tpu.memory_space<vmem>> -> memref<16x3072xf32, #tpu.memory_space<vmem>>
    %dma_wait3A_680 = arith.constant 184 : i32
    %dma_wait3A_681 = tpu.memref_slice %arg5[%dma_wait3A_680] : memref<256xi32, #tpu.memory_space<vmem>> -> memref<16xi32, #tpu.memory_space<vmem>>
    %dma_wait3A_682 = arith.constant 0 : i32
    %dma_wait3A_683 = arith.constant 0 : i32
    %dma_wait3A_684 = tpu.memref_slice %arg2[%dma_wait3A_682, %dma_wait3A_683] : memref<32064x3072xf32, #tpu.memory_space<hbm>> -> memref<32064x3072xf32, #tpu.memory_space<hbm>>
    tpu.wait_indirect_dma semaphore(%arg7 : memref<!tpu.dma_semaphore, #tpu.memory_space<semaphore_mem>>) src(%dma_wait3A_684 : memref<32064x3072xf32, #tpu.memory_space<hbm>>) dst(%dma_wait3A_679 : memref<16x3072xf32, #tpu.memory_space<vmem>>)
    %add3A_685 = arith.constant 184 : i32
    %add3A_686 = arith.addi %mul3A_32, %add3A_685 : i32
    %dma_start3A_687 = arith.constant 0 : i32
    %dma_start3A_688 = arith.constant 0 : i32
    %dma_start3A_689 = arith.constant 0 : i32
    %dma_start3A_690 = tpu.memref_slice %arg6[%dma_start3A_687, %dma_start3A_688, %dma_start3A_689] : memref<2x16x3072xf32, #tpu.memory_space<vmem>> -> memref<1x16x3072xf32, #tpu.memory_space<vmem>>
    %dma_start3A_691 = tpu.memref_squeeze %dma_start3A_690 : memref<1x16x3072xf32, #tpu.memory_space<vmem>> -> memref<16x3072xf32, #tpu.memory_space<vmem>>
    %dma_start3A_692 = arith.constant 0 : i32
    %dma_start3A_693 = tpu.memref_slice %arg4[%select_n3A, %add3A_686, %dma_start3A_692] : memref<2x4096x3072xf32, #tpu.memory_space<hbm>> -> memref<1x16x3072xf32, #tpu.memory_space<hbm>>
    %dma_start3A_694 = tpu.memref_squeeze %dma_start3A_693 : memref<1x16x3072xf32, #tpu.memory_space<hbm>> -> memref<16x3072xf32, #tpu.memory_space<hbm>>
    %dma_start3A_695 = arith.constant 0 : i32
    %dma_start3A_696 = tpu.memref_slice %arg4[%select_n3A, %add3A_686, %dma_start3A_695] : memref<2x4096x3072xf32, #tpu.memory_space<hbm>> -> memref<1x16x3072xf32, #tpu.memory_space<hbm>>
    %dma_start3A_697 = tpu.memref_squeeze %dma_start3A_696 : memref<1x16x3072xf32, #tpu.memory_space<hbm>> -> memref<16x3072xf32, #tpu.memory_space<hbm>>
    %dma_start3A_698 = arith.constant 0 : i32
    %dma_start3A_699 = arith.constant 0 : i32
    %dma_start3A_700 = tpu.memref_slice %arg6[%dma_start3A_687, %dma_start3A_698, %dma_start3A_699] : memref<2x16x3072xf32, #tpu.memory_space<vmem>> -> memref<1x16x3072xf32, #tpu.memory_space<vmem>>
    %dma_start3A_701 = tpu.memref_squeeze %dma_start3A_700 : memref<1x16x3072xf32, #tpu.memory_space<vmem>> -> memref<16x3072xf32, #tpu.memory_space<vmem>>
    tpu.enqueue_dma source(%dma_start3A_701 : memref<16x3072xf32, #tpu.memory_space<vmem>>) target(%dma_start3A_697 : memref<16x3072xf32, #tpu.memory_space<hbm>>) target_semaphore(%arg9 : memref<!tpu.dma_semaphore, #tpu.memory_space<semaphore_mem>>)
    %dma_wait3A_702 = arith.constant 0 : i32
    %dma_wait3A_703 = arith.constant 0 : i32
    %dma_wait3A_704 = arith.constant 0 : i32
    %dma_wait3A_705 = tpu.memref_slice %arg6[%dma_wait3A_702, %dma_wait3A_703, %dma_wait3A_704] : memref<2x16x3072xf32, #tpu.memory_space<vmem>> -> memref<1x16x3072xf32, #tpu.memory_space<vmem>>
    %dma_wait3A_706 = tpu.memref_squeeze %dma_wait3A_705 : memref<1x16x3072xf32, #tpu.memory_space<vmem>> -> memref<16x3072xf32, #tpu.memory_space<vmem>>
    %dma_wait3A_707 = arith.constant 0 : i32
    %dma_wait3A_708 = tpu.memref_slice %arg4[%select_n3A, %add3A_686, %dma_wait3A_707] : memref<2x4096x3072xf32, #tpu.memory_space<hbm>> -> memref<1x16x3072xf32, #tpu.memory_space<hbm>>
    %dma_wait3A_709 = tpu.memref_squeeze %dma_wait3A_708 : memref<1x16x3072xf32, #tpu.memory_space<hbm>> -> memref<16x3072xf32, #tpu.memory_space<hbm>>
    %dma_wait3A_710 = arith.constant 0 : i32
    %dma_wait3A_711 = tpu.memref_slice %arg4[%select_n3A, %add3A_686, %dma_wait3A_710] : memref<2x4096x3072xf32, #tpu.memory_space<hbm>> -> memref<1x16x3072xf32, #tpu.memory_space<hbm>>
    %dma_wait3A_712 = tpu.memref_squeeze %dma_wait3A_711 : memref<1x16x3072xf32, #tpu.memory_space<hbm>> -> memref<16x3072xf32, #tpu.memory_space<hbm>>
    %dma_wait3A_713 = arith.constant 0 : i32
    %dma_wait3A_714 = arith.constant 0 : i32
    %dma_wait3A_715 = tpu.memref_slice %arg6[%dma_wait3A_702, %dma_wait3A_713, %dma_wait3A_714] : memref<2x16x3072xf32, #tpu.memory_space<vmem>> -> memref<1x16x3072xf32, #tpu.memory_space<vmem>>
    %dma_wait3A_716 = tpu.memref_squeeze %dma_wait3A_715 : memref<1x16x3072xf32, #tpu.memory_space<vmem>> -> memref<16x3072xf32, #tpu.memory_space<vmem>>
    tpu.wait_dma2 semaphore(%arg9 : memref<!tpu.dma_semaphore, #tpu.memory_space<semaphore_mem>>) src(%dma_wait3A_716 : memref<16x3072xf32, #tpu.memory_space<vmem>>) dst(%dma_wait3A_712 : memref<16x3072xf32, #tpu.memory_space<hbm>>)
    %dma_start3A_717 = arith.constant 0 : i32
    %dma_start3A_718 = arith.constant 0 : i32
    %dma_start3A_719 = arith.constant 0 : i32
    %dma_start3A_720 = tpu.memref_slice %arg6[%dma_start3A_717, %dma_start3A_718, %dma_start3A_719] : memref<2x16x3072xf32, #tpu.memory_space<vmem>> -> memref<1x16x3072xf32, #tpu.memory_space<vmem>>
    %dma_start3A_721 = tpu.memref_squeeze %dma_start3A_720 : memref<1x16x3072xf32, #tpu.memory_space<vmem>> -> memref<16x3072xf32, #tpu.memory_space<vmem>>
    %dma_start3A_722 = arith.constant 216 : i32
    %dma_start3A_723 = tpu.memref_slice %arg5[%dma_start3A_722] : memref<256xi32, #tpu.memory_space<vmem>> -> memref<16xi32, #tpu.memory_space<vmem>>
    %dma_start3A_724 = arith.constant 0 : i32
    %dma_start3A_725 = arith.constant 0 : i32
    %dma_start3A_726 = tpu.memref_slice %arg2[%dma_start3A_724, %dma_start3A_725] : memref<32064x3072xf32, #tpu.memory_space<hbm>> -> memref<32064x3072xf32, #tpu.memory_space<hbm>>
    tpu.enqueue_indirect_dma source(%dma_start3A_726 : memref<32064x3072xf32, #tpu.memory_space<hbm>>) target(%dma_start3A_721 : memref<16x3072xf32, #tpu.memory_space<vmem>>) offsets(%dma_start3A_723 : memref<16xi32, #tpu.memory_space<vmem>>) semaphore(%arg7 : memref<!tpu.dma_semaphore, #tpu.memory_space<semaphore_mem>>)
    %dma_wait3A_727 = arith.constant 1 : i32
    %dma_wait3A_728 = arith.constant 0 : i32
    %dma_wait3A_729 = arith.constant 0 : i32
    %dma_wait3A_730 = tpu.memref_slice %arg6[%dma_wait3A_727, %dma_wait3A_728, %dma_wait3A_729] : memref<2x16x3072xf32, #tpu.memory_space<vmem>> -> memref<1x16x3072xf32, #tpu.memory_space<vmem>>
    %dma_wait3A_731 = tpu.memref_squeeze %dma_wait3A_730 : memref<1x16x3072xf32, #tpu.memory_space<vmem>> -> memref<16x3072xf32, #tpu.memory_space<vmem>>
    %dma_wait3A_732 = arith.constant 200 : i32
    %dma_wait3A_733 = tpu.memref_slice %arg5[%dma_wait3A_732] : memref<256xi32, #tpu.memory_space<vmem>> -> memref<16xi32, #tpu.memory_space<vmem>>
    %dma_wait3A_734 = arith.constant 0 : i32
    %dma_wait3A_735 = arith.constant 0 : i32
    %dma_wait3A_736 = tpu.memref_slice %arg2[%dma_wait3A_734, %dma_wait3A_735] : memref<32064x3072xf32, #tpu.memory_space<hbm>> -> memref<32064x3072xf32, #tpu.memory_space<hbm>>
    tpu.wait_indirect_dma semaphore(%arg8 : memref<!tpu.dma_semaphore, #tpu.memory_space<semaphore_mem>>) src(%dma_wait3A_736 : memref<32064x3072xf32, #tpu.memory_space<hbm>>) dst(%dma_wait3A_731 : memref<16x3072xf32, #tpu.memory_space<vmem>>)
    %add3A_737 = arith.constant 200 : i32
    %add3A_738 = arith.addi %mul3A_32, %add3A_737 : i32
    %dma_start3A_739 = arith.constant 1 : i32
    %dma_start3A_740 = arith.constant 0 : i32
    %dma_start3A_741 = arith.constant 0 : i32
    %dma_start3A_742 = tpu.memref_slice %arg6[%dma_start3A_739, %dma_start3A_740, %dma_start3A_741] : memref<2x16x3072xf32, #tpu.memory_space<vmem>> -> memref<1x16x3072xf32, #tpu.memory_space<vmem>>
    %dma_start3A_743 = tpu.memref_squeeze %dma_start3A_742 : memref<1x16x3072xf32, #tpu.memory_space<vmem>> -> memref<16x3072xf32, #tpu.memory_space<vmem>>
    %dma_start3A_744 = arith.constant 0 : i32
    %dma_start3A_745 = tpu.memref_slice %arg4[%select_n3A, %add3A_738, %dma_start3A_744] : memref<2x4096x3072xf32, #tpu.memory_space<hbm>> -> memref<1x16x3072xf32, #tpu.memory_space<hbm>>
    %dma_start3A_746 = tpu.memref_squeeze %dma_start3A_745 : memref<1x16x3072xf32, #tpu.memory_space<hbm>> -> memref<16x3072xf32, #tpu.memory_space<hbm>>
    %dma_start3A_747 = arith.constant 0 : i32
    %dma_start3A_748 = tpu.memref_slice %arg4[%select_n3A, %add3A_738, %dma_start3A_747] : memref<2x4096x3072xf32, #tpu.memory_space<hbm>> -> memref<1x16x3072xf32, #tpu.memory_space<hbm>>
    %dma_start3A_749 = tpu.memref_squeeze %dma_start3A_748 : memref<1x16x3072xf32, #tpu.memory_space<hbm>> -> memref<16x3072xf32, #tpu.memory_space<hbm>>
    %dma_start3A_750 = arith.constant 0 : i32
    %dma_start3A_751 = arith.constant 0 : i32
    %dma_start3A_752 = tpu.memref_slice %arg6[%dma_start3A_739, %dma_start3A_750, %dma_start3A_751] : memref<2x16x3072xf32, #tpu.memory_space<vmem>> -> memref<1x16x3072xf32, #tpu.memory_space<vmem>>
    %dma_start3A_753 = tpu.memref_squeeze %dma_start3A_752 : memref<1x16x3072xf32, #tpu.memory_space<vmem>> -> memref<16x3072xf32, #tpu.memory_space<vmem>>
    tpu.enqueue_dma source(%dma_start3A_753 : memref<16x3072xf32, #tpu.memory_space<vmem>>) target(%dma_start3A_749 : memref<16x3072xf32, #tpu.memory_space<hbm>>) target_semaphore(%arg10 : memref<!tpu.dma_semaphore, #tpu.memory_space<semaphore_mem>>)
    %dma_wait3A_754 = arith.constant 1 : i32
    %dma_wait3A_755 = arith.constant 0 : i32
    %dma_wait3A_756 = arith.constant 0 : i32
    %dma_wait3A_757 = tpu.memref_slice %arg6[%dma_wait3A_754, %dma_wait3A_755, %dma_wait3A_756] : memref<2x16x3072xf32, #tpu.memory_space<vmem>> -> memref<1x16x3072xf32, #tpu.memory_space<vmem>>
    %dma_wait3A_758 = tpu.memref_squeeze %dma_wait3A_757 : memref<1x16x3072xf32, #tpu.memory_space<vmem>> -> memref<16x3072xf32, #tpu.memory_space<vmem>>
    %dma_wait3A_759 = arith.constant 0 : i32
    %dma_wait3A_760 = tpu.memref_slice %arg4[%select_n3A, %add3A_738, %dma_wait3A_759] : memref<2x4096x3072xf32, #tpu.memory_space<hbm>> -> memref<1x16x3072xf32, #tpu.memory_space<hbm>>
    %dma_wait3A_761 = tpu.memref_squeeze %dma_wait3A_760 : memref<1x16x3072xf32, #tpu.memory_space<hbm>> -> memref<16x3072xf32, #tpu.memory_space<hbm>>
    %dma_wait3A_762 = arith.constant 0 : i32
    %dma_wait3A_763 = tpu.memref_slice %arg4[%select_n3A, %add3A_738, %dma_wait3A_762] : memref<2x4096x3072xf32, #tpu.memory_space<hbm>> -> memref<1x16x3072xf32, #tpu.memory_space<hbm>>
    %dma_wait3A_764 = tpu.memref_squeeze %dma_wait3A_763 : memref<1x16x3072xf32, #tpu.memory_space<hbm>> -> memref<16x3072xf32, #tpu.memory_space<hbm>>
    %dma_wait3A_765 = arith.constant 0 : i32
    %dma_wait3A_766 = arith.constant 0 : i32
    %dma_wait3A_767 = tpu.memref_slice %arg6[%dma_wait3A_754, %dma_wait3A_765, %dma_wait3A_766] : memref<2x16x3072xf32, #tpu.memory_space<vmem>> -> memref<1x16x3072xf32, #tpu.memory_space<vmem>>
    %dma_wait3A_768 = tpu.memref_squeeze %dma_wait3A_767 : memref<1x16x3072xf32, #tpu.memory_space<vmem>> -> memref<16x3072xf32, #tpu.memory_space<vmem>>
    tpu.wait_dma2 semaphore(%arg10 : memref<!tpu.dma_semaphore, #tpu.memory_space<semaphore_mem>>) src(%dma_wait3A_768 : memref<16x3072xf32, #tpu.memory_space<vmem>>) dst(%dma_wait3A_764 : memref<16x3072xf32, #tpu.memory_space<hbm>>)
    %dma_start3A_769 = arith.constant 1 : i32
    %dma_start3A_770 = arith.constant 0 : i32
    %dma_start3A_771 = arith.constant 0 : i32
    %dma_start3A_772 = tpu.memref_slice %arg6[%dma_start3A_769, %dma_start3A_770, %dma_start3A_771] : memref<2x16x3072xf32, #tpu.memory_space<vmem>> -> memref<1x16x3072xf32, #tpu.memory_space<vmem>>
    %dma_start3A_773 = tpu.memref_squeeze %dma_start3A_772 : memref<1x16x3072xf32, #tpu.memory_space<vmem>> -> memref<16x3072xf32, #tpu.memory_space<vmem>>
    %dma_start3A_774 = arith.constant 232 : i32
    %dma_start3A_775 = tpu.memref_slice %arg5[%dma_start3A_774] : memref<256xi32, #tpu.memory_space<vmem>> -> memref<16xi32, #tpu.memory_space<vmem>>
    %dma_start3A_776 = arith.constant 0 : i32
    %dma_start3A_777 = arith.constant 0 : i32
    %dma_start3A_778 = tpu.memref_slice %arg2[%dma_start3A_776, %dma_start3A_777] : memref<32064x3072xf32, #tpu.memory_space<hbm>> -> memref<32064x3072xf32, #tpu.memory_space<hbm>>
    tpu.enqueue_indirect_dma source(%dma_start3A_778 : memref<32064x3072xf32, #tpu.memory_space<hbm>>) target(%dma_start3A_773 : memref<16x3072xf32, #tpu.memory_space<vmem>>) offsets(%dma_start3A_775 : memref<16xi32, #tpu.memory_space<vmem>>) semaphore(%arg8 : memref<!tpu.dma_semaphore, #tpu.memory_space<semaphore_mem>>)
    %dma_wait3A_779 = arith.constant 0 : i32
    %dma_wait3A_780 = arith.constant 0 : i32
    %dma_wait3A_781 = arith.constant 0 : i32
    %dma_wait3A_782 = tpu.memref_slice %arg6[%dma_wait3A_779, %dma_wait3A_780, %dma_wait3A_781] : memref<2x16x3072xf32, #tpu.memory_space<vmem>> -> memref<1x16x3072xf32, #tpu.memory_space<vmem>>
    %dma_wait3A_783 = tpu.memref_squeeze %dma_wait3A_782 : memref<1x16x3072xf32, #tpu.memory_space<vmem>> -> memref<16x3072xf32, #tpu.memory_space<vmem>>
    %dma_wait3A_784 = arith.constant 216 : i32
    %dma_wait3A_785 = tpu.memref_slice %arg5[%dma_wait3A_784] : memref<256xi32, #tpu.memory_space<vmem>> -> memref<16xi32, #tpu.memory_space<vmem>>
    %dma_wait3A_786 = arith.constant 0 : i32
    %dma_wait3A_787 = arith.constant 0 : i32
    %dma_wait3A_788 = tpu.memref_slice %arg2[%dma_wait3A_786, %dma_wait3A_787] : memref<32064x3072xf32, #tpu.memory_space<hbm>> -> memref<32064x3072xf32, #tpu.memory_space<hbm>>
    tpu.wait_indirect_dma semaphore(%arg7 : memref<!tpu.dma_semaphore, #tpu.memory_space<semaphore_mem>>) src(%dma_wait3A_788 : memref<32064x3072xf32, #tpu.memory_space<hbm>>) dst(%dma_wait3A_783 : memref<16x3072xf32, #tpu.memory_space<vmem>>)
    %add3A_789 = arith.constant 216 : i32
    %add3A_790 = arith.addi %mul3A_32, %add3A_789 : i32
    %dma_start3A_791 = arith.constant 0 : i32
    %dma_start3A_792 = arith.constant 0 : i32
    %dma_start3A_793 = arith.constant 0 : i32
    %dma_start3A_794 = tpu.memref_slice %arg6[%dma_start3A_791, %dma_start3A_792, %dma_start3A_793] : memref<2x16x3072xf32, #tpu.memory_space<vmem>> -> memref<1x16x3072xf32, #tpu.memory_space<vmem>>
    %dma_start3A_795 = tpu.memref_squeeze %dma_start3A_794 : memref<1x16x3072xf32, #tpu.memory_space<vmem>> -> memref<16x3072xf32, #tpu.memory_space<vmem>>
    %dma_start3A_796 = arith.constant 0 : i32
    %dma_start3A_797 = tpu.memref_slice %arg4[%select_n3A, %add3A_790, %dma_start3A_796] : memref<2x4096x3072xf32, #tpu.memory_space<hbm>> -> memref<1x16x3072xf32, #tpu.memory_space<hbm>>
    %dma_start3A_798 = tpu.memref_squeeze %dma_start3A_797 : memref<1x16x3072xf32, #tpu.memory_space<hbm>> -> memref<16x3072xf32, #tpu.memory_space<hbm>>
    %dma_start3A_799 = arith.constant 0 : i32
    %dma_start3A_800 = tpu.memref_slice %arg4[%select_n3A, %add3A_790, %dma_start3A_799] : memref<2x4096x3072xf32, #tpu.memory_space<hbm>> -> memref<1x16x3072xf32, #tpu.memory_space<hbm>>
    %dma_start3A_801 = tpu.memref_squeeze %dma_start3A_800 : memref<1x16x3072xf32, #tpu.memory_space<hbm>> -> memref<16x3072xf32, #tpu.memory_space<hbm>>
    %dma_start3A_802 = arith.constant 0 : i32
    %dma_start3A_803 = arith.constant 0 : i32
    %dma_start3A_804 = tpu.memref_slice %arg6[%dma_start3A_791, %dma_start3A_802, %dma_start3A_803] : memref<2x16x3072xf32, #tpu.memory_space<vmem>> -> memref<1x16x3072xf32, #tpu.memory_space<vmem>>
    %dma_start3A_805 = tpu.memref_squeeze %dma_start3A_804 : memref<1x16x3072xf32, #tpu.memory_space<vmem>> -> memref<16x3072xf32, #tpu.memory_space<vmem>>
    tpu.enqueue_dma source(%dma_start3A_805 : memref<16x3072xf32, #tpu.memory_space<vmem>>) target(%dma_start3A_801 : memref<16x3072xf32, #tpu.memory_space<hbm>>) target_semaphore(%arg9 : memref<!tpu.dma_semaphore, #tpu.memory_space<semaphore_mem>>)
    %dma_wait3A_806 = arith.constant 0 : i32
    %dma_wait3A_807 = arith.constant 0 : i32
    %dma_wait3A_808 = arith.constant 0 : i32
    %dma_wait3A_809 = tpu.memref_slice %arg6[%dma_wait3A_806, %dma_wait3A_807, %dma_wait3A_808] : memref<2x16x3072xf32, #tpu.memory_space<vmem>> -> memref<1x16x3072xf32, #tpu.memory_space<vmem>>
    %dma_wait3A_810 = tpu.memref_squeeze %dma_wait3A_809 : memref<1x16x3072xf32, #tpu.memory_space<vmem>> -> memref<16x3072xf32, #tpu.memory_space<vmem>>
    %dma_wait3A_811 = arith.constant 0 : i32
    %dma_wait3A_812 = tpu.memref_slice %arg4[%select_n3A, %add3A_790, %dma_wait3A_811] : memref<2x4096x3072xf32, #tpu.memory_space<hbm>> -> memref<1x16x3072xf32, #tpu.memory_space<hbm>>
    %dma_wait3A_813 = tpu.memref_squeeze %dma_wait3A_812 : memref<1x16x3072xf32, #tpu.memory_space<hbm>> -> memref<16x3072xf32, #tpu.memory_space<hbm>>
    %dma_wait3A_814 = arith.constant 0 : i32
    %dma_wait3A_815 = tpu.memref_slice %arg4[%select_n3A, %add3A_790, %dma_wait3A_814] : memref<2x4096x3072xf32, #tpu.memory_space<hbm>> -> memref<1x16x3072xf32, #tpu.memory_space<hbm>>
    %dma_wait3A_816 = tpu.memref_squeeze %dma_wait3A_815 : memref<1x16x3072xf32, #tpu.memory_space<hbm>> -> memref<16x3072xf32, #tpu.memory_space<hbm>>
    %dma_wait3A_817 = arith.constant 0 : i32
    %dma_wait3A_818 = arith.constant 0 : i32
    %dma_wait3A_819 = tpu.memref_slice %arg6[%dma_wait3A_806, %dma_wait3A_817, %dma_wait3A_818] : memref<2x16x3072xf32, #tpu.memory_space<vmem>> -> memref<1x16x3072xf32, #tpu.memory_space<vmem>>
    %dma_wait3A_820 = tpu.memref_squeeze %dma_wait3A_819 : memref<1x16x3072xf32, #tpu.memory_space<vmem>> -> memref<16x3072xf32, #tpu.memory_space<vmem>>
    tpu.wait_dma2 semaphore(%arg9 : memref<!tpu.dma_semaphore, #tpu.memory_space<semaphore_mem>>) src(%dma_wait3A_820 : memref<16x3072xf32, #tpu.memory_space<vmem>>) dst(%dma_wait3A_816 : memref<16x3072xf32, #tpu.memory_space<hbm>>)
    %dma_start3A_821 = arith.constant 0 : i32
    %dma_start3A_822 = arith.constant 0 : i32
    %dma_start3A_823 = arith.constant 0 : i32
    %dma_start3A_824 = tpu.memref_slice %arg6[%dma_start3A_821, %dma_start3A_822, %dma_start3A_823] : memref<2x16x3072xf32, #tpu.memory_space<vmem>> -> memref<1x8x3072xf32, #tpu.memory_space<vmem>>
    %dma_start3A_825 = tpu.memref_squeeze %dma_start3A_824 : memref<1x8x3072xf32, #tpu.memory_space<vmem>> -> memref<8x3072xf32, #tpu.memory_space<vmem>>
    %dma_start3A_826 = arith.constant 248 : i32
    %dma_start3A_827 = tpu.memref_slice %arg5[%dma_start3A_826] : memref<256xi32, #tpu.memory_space<vmem>> -> memref<8xi32, #tpu.memory_space<vmem>>
    %dma_start3A_828 = arith.constant 0 : i32
    %dma_start3A_829 = arith.constant 0 : i32
    %dma_start3A_830 = tpu.memref_slice %arg2[%dma_start3A_828, %dma_start3A_829] : memref<32064x3072xf32, #tpu.memory_space<hbm>> -> memref<32064x3072xf32, #tpu.memory_space<hbm>>
    tpu.enqueue_indirect_dma source(%dma_start3A_830 : memref<32064x3072xf32, #tpu.memory_space<hbm>>) target(%dma_start3A_825 : memref<8x3072xf32, #tpu.memory_space<vmem>>) offsets(%dma_start3A_827 : memref<8xi32, #tpu.memory_space<vmem>>) semaphore(%arg7 : memref<!tpu.dma_semaphore, #tpu.memory_space<semaphore_mem>>)
    %dma_wait3A_831 = arith.constant 1 : i32
    %dma_wait3A_832 = arith.constant 0 : i32
    %dma_wait3A_833 = arith.constant 0 : i32
    %dma_wait3A_834 = tpu.memref_slice %arg6[%dma_wait3A_831, %dma_wait3A_832, %dma_wait3A_833] : memref<2x16x3072xf32, #tpu.memory_space<vmem>> -> memref<1x16x3072xf32, #tpu.memory_space<vmem>>
    %dma_wait3A_835 = tpu.memref_squeeze %dma_wait3A_834 : memref<1x16x3072xf32, #tpu.memory_space<vmem>> -> memref<16x3072xf32, #tpu.memory_space<vmem>>
    %dma_wait3A_836 = arith.constant 232 : i32
    %dma_wait3A_837 = tpu.memref_slice %arg5[%dma_wait3A_836] : memref<256xi32, #tpu.memory_space<vmem>> -> memref<16xi32, #tpu.memory_space<vmem>>
    %dma_wait3A_838 = arith.constant 0 : i32
    %dma_wait3A_839 = arith.constant 0 : i32
    %dma_wait3A_840 = tpu.memref_slice %arg2[%dma_wait3A_838, %dma_wait3A_839] : memref<32064x3072xf32, #tpu.memory_space<hbm>> -> memref<32064x3072xf32, #tpu.memory_space<hbm>>
    tpu.wait_indirect_dma semaphore(%arg8 : memref<!tpu.dma_semaphore, #tpu.memory_space<semaphore_mem>>) src(%dma_wait3A_840 : memref<32064x3072xf32, #tpu.memory_space<hbm>>) dst(%dma_wait3A_835 : memref<16x3072xf32, #tpu.memory_space<vmem>>)
    %add3A_841 = arith.constant 232 : i32
    %add3A_842 = arith.addi %mul3A_32, %add3A_841 : i32
    %dma_start3A_843 = arith.constant 1 : i32
    %dma_start3A_844 = arith.constant 0 : i32
    %dma_start3A_845 = arith.constant 0 : i32
    %dma_start3A_846 = tpu.memref_slice %arg6[%dma_start3A_843, %dma_start3A_844, %dma_start3A_845] : memref<2x16x3072xf32, #tpu.memory_space<vmem>> -> memref<1x16x3072xf32, #tpu.memory_space<vmem>>
    %dma_start3A_847 = tpu.memref_squeeze %dma_start3A_846 : memref<1x16x3072xf32, #tpu.memory_space<vmem>> -> memref<16x3072xf32, #tpu.memory_space<vmem>>
    %dma_start3A_848 = arith.constant 0 : i32
    %dma_start3A_849 = tpu.memref_slice %arg4[%select_n3A, %add3A_842, %dma_start3A_848] : memref<2x4096x3072xf32, #tpu.memory_space<hbm>> -> memref<1x16x3072xf32, #tpu.memory_space<hbm>>
    %dma_start3A_850 = tpu.memref_squeeze %dma_start3A_849 : memref<1x16x3072xf32, #tpu.memory_space<hbm>> -> memref<16x3072xf32, #tpu.memory_space<hbm>>
    %dma_start3A_851 = arith.constant 0 : i32
    %dma_start3A_852 = tpu.memref_slice %arg4[%select_n3A, %add3A_842, %dma_start3A_851] : memref<2x4096x3072xf32, #tpu.memory_space<hbm>> -> memref<1x16x3072xf32, #tpu.memory_space<hbm>>
    %dma_start3A_853 = tpu.memref_squeeze %dma_start3A_852 : memref<1x16x3072xf32, #tpu.memory_space<hbm>> -> memref<16x3072xf32, #tpu.memory_space<hbm>>
    %dma_start3A_854 = arith.constant 0 : i32
    %dma_start3A_855 = arith.constant 0 : i32
    %dma_start3A_856 = tpu.memref_slice %arg6[%dma_start3A_843, %dma_start3A_854, %dma_start3A_855] : memref<2x16x3072xf32, #tpu.memory_space<vmem>> -> memref<1x16x3072xf32, #tpu.memory_space<vmem>>
    %dma_start3A_857 = tpu.memref_squeeze %dma_start3A_856 : memref<1x16x3072xf32, #tpu.memory_space<vmem>> -> memref<16x3072xf32, #tpu.memory_space<vmem>>
    tpu.enqueue_dma source(%dma_start3A_857 : memref<16x3072xf32, #tpu.memory_space<vmem>>) target(%dma_start3A_853 : memref<16x3072xf32, #tpu.memory_space<hbm>>) target_semaphore(%arg10 : memref<!tpu.dma_semaphore, #tpu.memory_space<semaphore_mem>>)
    %dma_wait3A_858 = arith.constant 0 : i32
    %dma_wait3A_859 = arith.constant 0 : i32
    %dma_wait3A_860 = arith.constant 0 : i32
    %dma_wait3A_861 = tpu.memref_slice %arg6[%dma_wait3A_858, %dma_wait3A_859, %dma_wait3A_860] : memref<2x16x3072xf32, #tpu.memory_space<vmem>> -> memref<1x8x3072xf32, #tpu.memory_space<vmem>>
    %dma_wait3A_862 = tpu.memref_squeeze %dma_wait3A_861 : memref<1x8x3072xf32, #tpu.memory_space<vmem>> -> memref<8x3072xf32, #tpu.memory_space<vmem>>
    %dma_wait3A_863 = arith.constant 248 : i32
    %dma_wait3A_864 = tpu.memref_slice %arg5[%dma_wait3A_863] : memref<256xi32, #tpu.memory_space<vmem>> -> memref<8xi32, #tpu.memory_space<vmem>>
    %dma_wait3A_865 = arith.constant 0 : i32
    %dma_wait3A_866 = arith.constant 0 : i32
    %dma_wait3A_867 = tpu.memref_slice %arg2[%dma_wait3A_865, %dma_wait3A_866] : memref<32064x3072xf32, #tpu.memory_space<hbm>> -> memref<32064x3072xf32, #tpu.memory_space<hbm>>
    tpu.wait_indirect_dma semaphore(%arg7 : memref<!tpu.dma_semaphore, #tpu.memory_space<semaphore_mem>>) src(%dma_wait3A_867 : memref<32064x3072xf32, #tpu.memory_space<hbm>>) dst(%dma_wait3A_862 : memref<8x3072xf32, #tpu.memory_space<vmem>>)
    %add3A_868 = arith.constant 248 : i32
    %add3A_869 = arith.addi %mul3A_32, %add3A_868 : i32
    %dma_start3A_870 = arith.constant 0 : i32
    %dma_start3A_871 = arith.constant 0 : i32
    %dma_start3A_872 = arith.constant 0 : i32
    %dma_start3A_873 = tpu.memref_slice %arg6[%dma_start3A_870, %dma_start3A_871, %dma_start3A_872] : memref<2x16x3072xf32, #tpu.memory_space<vmem>> -> memref<1x8x3072xf32, #tpu.memory_space<vmem>>
    %dma_start3A_874 = tpu.memref_squeeze %dma_start3A_873 : memref<1x8x3072xf32, #tpu.memory_space<vmem>> -> memref<8x3072xf32, #tpu.memory_space<vmem>>
    %dma_start3A_875 = arith.constant 0 : i32
    %dma_start3A_876 = tpu.memref_slice %arg4[%select_n3A, %add3A_869, %dma_start3A_875] : memref<2x4096x3072xf32, #tpu.memory_space<hbm>> -> memref<1x8x3072xf32, #tpu.memory_space<hbm>>
    %dma_start3A_877 = tpu.memref_squeeze %dma_start3A_876 : memref<1x8x3072xf32, #tpu.memory_space<hbm>> -> memref<8x3072xf32, #tpu.memory_space<hbm>>
    %dma_start3A_878 = arith.constant 0 : i32
    %dma_start3A_879 = tpu.memref_slice %arg4[%select_n3A, %add3A_869, %dma_start3A_878] : memref<2x4096x3072xf32, #tpu.memory_space<hbm>> -> memref<1x8x3072xf32, #tpu.memory_space<hbm>>
    %dma_start3A_880 = tpu.memref_squeeze %dma_start3A_879 : memref<1x8x3072xf32, #tpu.memory_space<hbm>> -> memref<8x3072xf32, #tpu.memory_space<hbm>>
    %dma_start3A_881 = arith.constant 0 : i32
    %dma_start3A_882 = arith.constant 0 : i32
    %dma_start3A_883 = tpu.memref_slice %arg6[%dma_start3A_870, %dma_start3A_881, %dma_start3A_882] : memref<2x16x3072xf32, #tpu.memory_space<vmem>> -> memref<1x8x3072xf32, #tpu.memory_space<vmem>>
    %dma_start3A_884 = tpu.memref_squeeze %dma_start3A_883 : memref<1x8x3072xf32, #tpu.memory_space<vmem>> -> memref<8x3072xf32, #tpu.memory_space<vmem>>
    tpu.enqueue_dma source(%dma_start3A_884 : memref<8x3072xf32, #tpu.memory_space<vmem>>) target(%dma_start3A_880 : memref<8x3072xf32, #tpu.memory_space<hbm>>) target_semaphore(%arg9 : memref<!tpu.dma_semaphore, #tpu.memory_space<semaphore_mem>>)
    %dma_wait3A_885 = arith.constant 0 : i32
    %dma_wait3A_886 = arith.constant 0 : i32
    %dma_wait3A_887 = arith.constant 0 : i32
    %dma_wait3A_888 = tpu.memref_slice %arg6[%dma_wait3A_885, %dma_wait3A_886, %dma_wait3A_887] : memref<2x16x3072xf32, #tpu.memory_space<vmem>> -> memref<1x8x3072xf32, #tpu.memory_space<vmem>>
    %dma_wait3A_889 = tpu.memref_squeeze %dma_wait3A_888 : memref<1x8x3072xf32, #tpu.memory_space<vmem>> -> memref<8x3072xf32, #tpu.memory_space<vmem>>
    %dma_wait3A_890 = arith.constant 0 : i32
    %dma_wait3A_891 = tpu.memref_slice %arg4[%select_n3A, %add3A_869, %dma_wait3A_890] : memref<2x4096x3072xf32, #tpu.memory_space<hbm>> -> memref<1x8x3072xf32, #tpu.memory_space<hbm>>
    %dma_wait3A_892 = tpu.memref_squeeze %dma_wait3A_891 : memref<1x8x3072xf32, #tpu.memory_space<hbm>> -> memref<8x3072xf32, #tpu.memory_space<hbm>>
    %dma_wait3A_893 = arith.constant 0 : i32
    %dma_wait3A_894 = tpu.memref_slice %arg4[%select_n3A, %add3A_869, %dma_wait3A_893] : memref<2x4096x3072xf32, #tpu.memory_space<hbm>> -> memref<1x8x3072xf32, #tpu.memory_space<hbm>>
    %dma_wait3A_895 = tpu.memref_squeeze %dma_wait3A_894 : memref<1x8x3072xf32, #tpu.memory_space<hbm>> -> memref<8x3072xf32, #tpu.memory_space<hbm>>
    %dma_wait3A_896 = arith.constant 0 : i32
    %dma_wait3A_897 = arith.constant 0 : i32
    %dma_wait3A_898 = tpu.memref_slice %arg6[%dma_wait3A_885, %dma_wait3A_896, %dma_wait3A_897] : memref<2x16x3072xf32, #tpu.memory_space<vmem>> -> memref<1x8x3072xf32, #tpu.memory_space<vmem>>
    %dma_wait3A_899 = tpu.memref_squeeze %dma_wait3A_898 : memref<1x8x3072xf32, #tpu.memory_space<vmem>> -> memref<8x3072xf32, #tpu.memory_space<vmem>>
    tpu.wait_dma2 semaphore(%arg9 : memref<!tpu.dma_semaphore, #tpu.memory_space<semaphore_mem>>) src(%dma_wait3A_899 : memref<8x3072xf32, #tpu.memory_space<vmem>>) dst(%dma_wait3A_895 : memref<8x3072xf32, #tpu.memory_space<hbm>>)
    %dma_wait3A_900 = arith.constant 1 : i32
    %dma_wait3A_901 = arith.constant 0 : i32
    %dma_wait3A_902 = arith.constant 0 : i32
    %dma_wait3A_903 = tpu.memref_slice %arg6[%dma_wait3A_900, %dma_wait3A_901, %dma_wait3A_902] : memref<2x16x3072xf32, #tpu.memory_space<vmem>> -> memref<1x16x3072xf32, #tpu.memory_space<vmem>>
    %dma_wait3A_904 = tpu.memref_squeeze %dma_wait3A_903 : memref<1x16x3072xf32, #tpu.memory_space<vmem>> -> memref<16x3072xf32, #tpu.memory_space<vmem>>
    %dma_wait3A_905 = arith.constant 0 : i32
    %dma_wait3A_906 = tpu.memref_slice %arg4[%select_n3A, %add3A_842, %dma_wait3A_905] : memref<2x4096x3072xf32, #tpu.memory_space<hbm>> -> memref<1x16x3072xf32, #tpu.memory_space<hbm>>
    %dma_wait3A_907 = tpu.memref_squeeze %dma_wait3A_906 : memref<1x16x3072xf32, #tpu.memory_space<hbm>> -> memref<16x3072xf32, #tpu.memory_space<hbm>>
    %dma_wait3A_908 = arith.constant 0 : i32
    %dma_wait3A_909 = tpu.memref_slice %arg4[%select_n3A, %add3A_842, %dma_wait3A_908] : memref<2x4096x3072xf32, #tpu.memory_space<hbm>> -> memref<1x16x3072xf32, #tpu.memory_space<hbm>>
    %dma_wait3A_910 = tpu.memref_squeeze %dma_wait3A_909 : memref<1x16x3072xf32, #tpu.memory_space<hbm>> -> memref<16x3072xf32, #tpu.memory_space<hbm>>
    %dma_wait3A_911 = arith.constant 0 : i32
    %dma_wait3A_912 = arith.constant 0 : i32
    %dma_wait3A_913 = tpu.memref_slice %arg6[%dma_wait3A_900, %dma_wait3A_911, %dma_wait3A_912] : memref<2x16x3072xf32, #tpu.memory_space<vmem>> -> memref<1x16x3072xf32, #tpu.memory_space<vmem>>
    %dma_wait3A_914 = tpu.memref_squeeze %dma_wait3A_913 : memref<1x16x3072xf32, #tpu.memory_space<vmem>> -> memref<16x3072xf32, #tpu.memory_space<vmem>>
    tpu.wait_dma2 semaphore(%arg10 : memref<!tpu.dma_semaphore, #tpu.memory_space<semaphore_mem>>) src(%dma_wait3A_914 : memref<16x3072xf32, #tpu.memory_space<vmem>>) dst(%dma_wait3A_910 : memref<16x3072xf32, #tpu.memory_space<hbm>>)
    return
  }
}

</mosaic_0001>

<sc_bundles>
// kernel: kernel.3.cloned.1.call-start
scs
__scs_entry_jumppad:
0x0: {  	(pc) =	sbr.rel $0x88, $3  }
0x1: {  	(tag) =	ssettag $0x0;
	lr =	simm.s32 $0x1  }
0x2: {  	[smem:$0x3F9F] =	sst lr;
	_ =	strace $0xD0000000  }
0x3: {  	_ = 	snop  }
0x4: {  	_ = 	snop  }
0x5: {  	_ = 	snop  }
0x6: {  	_ = 	snop  }
0x7: {  	_ = 	snop  }
__scs_overlays_trampoline_lowered:
0x8: {  	[smem:$0x3FAE] =	sst s0  }
0x9: {  	[smem:$0x3FAF] =	sst s1  }
0xa: {  	[smem:$0x3FB0] =	sst s2  }
0xb: {  	[smem:$0x3FB1] =	sst s3  }
0xc: {  	[smem:$0x3FB2] =	sst s4  }
0xd: {  	[smem:$0x3FB3] =	sst s5  }
0xe: {  	[smem:$0x3FB4] =	sst s6  }
0xf: {  	[smem:$0x3FB5] =	sst s7  }
0x10: {  	[smem:$0x3FB6] =	sst s8  }
0x11: {  	[smem:$0x3FB7] =	sst s9;
	s0 =	simm.s32 @!p0 $0x0  }
0x12: {  	s1 =	sld [smem:$0x3F9D];
	s0 =	simm.s32 @p0 $0x1  }
0x13: {  	[smem:$0x3FB8] =	sst s0;
	s0 =	simm.s32 @!p1 $0x0  }
0x14: {  	s2 =	sld [smem:$0x3F9C];
	s0 =	simm.s32 @p1 $0x1  }
0x15: {  	[smem:$0x3FB9] =	sst s0;
	s0 =	simm.s32 @!p2 $0x0  }
0x16: {  	s3 =	sld [smem:$0x3FDB];
	s0 =	simm.s32 @p2 $0x1  }
0x17: {  	s4 =	simm.s32 $0x1BF5;
	[smem:$0x3FBB] =	sst s0  }
0x18: {  	s0 =	sld [smem:$0x3F9E];
	_ =	swait.ge [sflag:s4], $0x0  }
0x19: {  	s7 =	sld [smem:$0x3F9F]  }
0x1a: {  	s8 =	sadd.s32 $0xFFFFE003, lr  }
0x1b: {  	s9 =	sadd.s32 $0xFFFFFEF7, lr;
	s5 =	simm.s32 $0xFFFFFFFF;
	p2 =	slt.u32 s8, $0xFFFFF086  }
0x1c: {  	p1 =	slt.u32 s9, $0xF7A;
	s5 =	simm.s32 @!p2 $0x0  }
0x1d: {  	s5 =	simm.s32 @p1 $0x1;
	p0 =	seq.s32 s7, s2  }
0x1e: {  	s7 =	smul.u32 @!p0 $0xF7A, s2;
	p2 =	seq.s32 @!p0 s5, $0x0  }
0x1f: {  	s9 =	smul.u32 $0xF7A, s1;
	s8 =	simm.s32 @!p0 $0x1BF5;
	p2 =	por !p2, p0  }
0x20: {  	[sflag:s8] =	ssyncset.s32 @!p0 $0xFFFFF086;
	s6 =	sadd.s32 @!p0 s3, s7;
	s7 =	simm.s32 @!p0 $0x108  }
0x21: {  	s3 =	sadd.s32 s3, s9;
	s6 =	sadd.s32 @!p0 $0x88, s6;
	s7 =	simm.s32 @p2 $0x1082  }
0x22: {  	[simem:s7], [sflag:s8] =	dma.local @!p0 [hbm:s6], $0xF7A  }
0x23: {  	s9 =	sor.u32 $0xD0000000, s2;
	s6 =	simm.s32 $0x108;
	_ =	swait.ge @!p0 [sflag:s8], $0x0  }
0x24: {  	s3 =	sadd.s32 $0x88, s3;
	s6 =	simm.s32 @!p1 $0x1082;
	[sflag:s4] =	ssyncset.s32 $0xFFFFF086  }
0x25: {  	[simem:s6], [sflag:s4] =	dma.local [hbm:s3], $0xF7A  }
0x26: {  	[smem:$0x3F9F] =	sst s1;
	(tag) =	ssettag s2;
	_ =	strace s9  }
0x27: {  	s1 =	sld [smem:$0x3FAF]  }
0x28: {  	s2 =	sld [smem:$0x3FB0]  }
0x29: {  	s4 =	sld [smem:$0x3FB2]  }
0x2a: {  	p0 =	seq.s32 s5, $0x0;
	s5 =	sld [smem:$0x3FB3]  }
0x2b: {  	s6 =	sld [smem:$0x3FB4]  }
0x2c: {  	s7 =	sld [smem:$0x3FB5]  }
0x2d: {  	s3 =	simm.s32 $0x108;
	s8 =	sld [smem:$0x3FB6]  }
0x2e: {  	s3 =	simm.s32 @!p0 $0x1082;
	s9 =	sld [smem:$0x3FB7]  }
0x2f: {  	lr =	sadd.s32 s0, s3;
	s0 =	sld [smem:$0x3FAE]  }
0x30: {  	s3 =	sld [smem:$0x3FB1]  }
0x31: {  	[smem:$0x3FBA] =	sst s10  }
0x32: {  	s10 =	sld [smem:$0x3FB8];
	_ =	sdelay $0x3  }
0x33: {  	p0 =	seq.s32 s10, $0x1;
	s10 =	sld [smem:$0x3FBA];
	_ =	sdelay $0x3  }
0x34: {  	[smem:$0x3FBA] =	sst s10  }
0x35: {  	s10 =	sld [smem:$0x3FB9];
	_ =	sdelay $0x3  }
0x36: {  	p1 =	seq.s32 s10, $0x1;
	s10 =	sld [smem:$0x3FBA];
	_ =	sdelay $0x3  }
0x37: {  	[smem:$0x3FBA] =	sst s10  }
0x38: {  	s10 =	sld [smem:$0x3FBB]  }
0x39: {  	_ = 	snop;
	(pc) =	sbr.ind lr, $3  }
0x3a: {  	_ = 	snop  }
0x3b: {  	_ = 	snop  }
0x3c: {  	p2 =	seq.s32 s10, $0x1;
	s10 =	sld [smem:$0x3FBA]  }
0x3d: {  	_ =	shalt  }
0x3e: {  	_ =	shalt  }
0x3f: {  	_ =	shalt  }
0x40: {  	_ =	shalt  }
0x41: {  	_ =	shalt  }
0x42: {  	_ =	shalt  }
0x43: {  	_ =	shalt  }
0x44: {  	_ =	shalt  }
0x45: {  	_ =	shalt  }
0x46: {  	_ =	shalt  }
0x47: {  	_ =	shalt  }
0x48: {  	_ =	shalt  }
0x49: {  	_ =	shalt  }
0x4a: {  	_ =	shalt  }
0x4b: {  	_ =	shalt  }
0x4c: {  	_ =	shalt  }
0x4d: {  	_ =	shalt  }
0x4e: {  	_ =	shalt  }
0x4f: {  	_ =	shalt  }
0x50: {  	_ =	shalt  }
0x51: {  	_ =	shalt  }
0x52: {  	_ =	shalt  }
0x53: {  	_ =	shalt  }
0x54: {  	_ =	shalt  }
0x55: {  	_ =	shalt  }
0x56: {  	_ =	shalt  }
0x57: {  	_ =	shalt  }
0x58: {  	_ =	shalt  }
0x59: {  	_ =	shalt  }
0x5a: {  	_ =	shalt  }
0x5b: {  	_ =	shalt  }
0x5c: {  	_ =	shalt  }
0x5d: {  	_ =	shalt  }
0x5e: {  	_ =	shalt  }
0x5f: {  	_ =	shalt  }
0x60: {  	_ =	shalt  }
0x61: {  	_ =	shalt  }
0x62: {  	_ =	shalt  }
0x63: {  	_ =	shalt  }
0x64: {  	_ =	shalt  }
0x65: {  	_ =	shalt  }
0x66: {  	_ =	shalt  }
0x67: {  	_ =	shalt  }
0x68: {  	_ =	shalt  }
0x69: {  	_ =	shalt  }
0x6a: {  	_ =	shalt  }
0x6b: {  	_ =	shalt  }
0x6c: {  	_ =	shalt  }
0x6d: {  	_ =	shalt  }
0x6e: {  	_ =	shalt  }
0x6f: {  	_ =	shalt  }
0x70: {  	_ =	shalt  }
0x71: {  	_ =	shalt  }
0x72: {  	_ =	shalt  }
0x73: {  	_ =	shalt  }
0x74: {  	_ =	shalt  }
0x75: {  	_ =	shalt  }
0x76: {  	_ =	shalt  }
0x77: {  	_ =	shalt  }
0x78: {  	_ =	shalt  }
0x79: {  	_ =	shalt  }
0x7a: {  	_ =	shalt  }
0x7b: {  	_ =	shalt  }
0x7c: {  	_ =	shalt  }
0x7d: {  	_ =	shalt  }
0x7e: {  	_ =	shalt  }
0x7f: {  	_ =	shalt  }
0x80: {  	_ =	shalt  }
0x81: {  	_ =	shalt  }
0x82: {  	_ =	shalt  }
0x83: {  	_ =	shalt  }
0x84: {  	_ =	shalt  }
0x85: {  	_ =	shalt  }
0x86: {  	_ =	shalt  }
0x87: {  	_ =	shalt  }
.Lfunc_end0:
.L_simem_size_0:
called_computation_lowered:
.L_overlay_start_0:
0x88: {  	s2 =	sld [smem:$0x3FD9]  }
0x89: {  	s3 =	sld [smem:$0x3FFE];
	_ =	sdelay $0x1  }
0x8a: {  	s1 =	srdreg.scid  }
0x8b: {  	s0 =	sand.u32 $0x1, s1  }
0x8c: {  	s18 =	sshll.u32 s0, $0xA;
	s2 =	sadd.s32 s3, s2  }
0x8d: {  	s2 =	sadd.s32 s2, s18  }
0x8e: {  	[smem:$0x3FC6] =	sst s2  }
0x8f: {  	_ = 	snop  }
0x90: {  	s2 =	sld [smem:$0x3FC9]  }
0x91: {  	s19 =	sld [smem:$0x3FC8]  }
0x92: {  	s4 =	sld [smem:$0x3FD0];
	(tm) =	ssettm $0x1  }
0x93: {  	s5 =	sld [smem:$0x3FFB];
	_ =	sdelay $0x3  }
0x94: {  	_ =	strace s5  }
0x95: {  	s5 =	sld [smem:$0x3FFC];
	_ =	sdelay $0x3  }
0x96: {  	_ =	strace s5  }
0x97: {  	s5 =	sld [smem:$0x3FFD];
	_ =	sdelay $0x3  }
0x98: {  	_ =	strace s5  }
0x99: {  	_ =	strace $0x8FFFFFFF  }
0x9a: {  	s20 =	sld [smem:$0x3FDB];
	_ =	sdelay $0x1  }
0x9b: {  	s6 =	simm.s32 $_scs_section_size  }
0x9c: {  	s7 =	simm.s32 $_size__tile_overlayer_lowered;
	s8 =	simm.s32 $_tile_overlayer_lowered  }
0x9d: {  	s23 =	simm.s32 $0x1BFF;
	s22 =	sshll.u32 s8, $0x1;
	s5 =	sadd.s32 s6, s20  }
0x9e: {  	s9 =	simm.s32 $0x0;
	s21 =	sshll.u32 s7, $0x1;
	s7 =	sadd.s32 s22, s5  }
0x9f: {  	[timem:s9], [sflag:s23] =	dma.local [hbm:s7], s21  }
0xa0: {  	_ =	swait.ge [sflag:s23], s21  }
0xa1: {  	s6 =	ssub.s32 $0x0, s21;
	[sflag:s23] =	ssyncset.done $0x0  }
0xa2: {  	[sflag:s23] =	ssyncadd.s32 s6;
	_ =	sdelay $0x1  }
0xa3: {  	s24 =	simm.s32 $0x1B8B  }
0xa4: {  	_ =	swait.ge [sflag:s24], $0x1  }
0xa5: {  	[sflag:s24] =	ssyncset.done $0x0  }
0xa6: {  	s25 =	simm.s32 $0x1B8E;
	[sflag:s24] =	ssyncadd.s32 $0xFFFFFFFF  }
0xa7: {  	s26 =	simm.s32 $execute0_lowered;
	[smem:$0x3FD2] =	sst s25  }
0xa8: {  	s6 =	sshll.u32 s26, $0x1;
	_ =	strace $0x80000046;
	[dreg:$0x1] =	wrdreg $0xFFFFFFFF  }
0xa9: {  	s28 =	simm.s32 $_size_execute0_lowered;
	s5 =	sadd.s32 s5, s6;
	[dreg:$0x0] =	wrdreg $0x0  }
0xaa: {  	s6 =	sshll.u32 s28, $0x1;
	[dreg:$0x2] =	wrdreg s5  }
0xab: {  	[dreg:$0x3] =	wrdreg s6  }
0xac: {  	[dreg:$0x4] =	wrdreg $0xC0  }
0xad: {  	_ =	task [dreg:s9], $0x5FFFF  }
0xae: {  	[dreg:$0x1] =	wrdreg $0xFFFFFFFF  }
0xaf: {  	[dreg:$0x0] =	wrdreg $0x60  }
0xb0: {  	[dreg:$0x2] =	wrdreg s2  }
0xb1: {  	[dreg:$0x3] =	wrdreg s19  }
0xb2: {  	[dreg:$0x4] =	wrdreg s4  }
0xb3: {  	[dreg:$0x5] =	wrdreg $0x9  }
0xb4: {  	_ =	task.clear_ibuf [dreg:s9], $0x6FFFF;
	_ =	strace $0x90000046  }
0xb5: {  	s29 =	simm.s32 $0x9;
	_ =	strace $0x80000048  }
0xb6: {  	_ =	swait.ge [sflag:s29], $0x1  }
0xb7: {  	[sflag:s29] =	ssyncadd.s32 $0xFFFFFFFF  }
0xb8: {  	_ =	strace $0x90000048  }
0xb9: {  	_ =	sfence  }
0xba: {  	s30 =	sld [smem:$0x0];
	_ =	sdelay $0x2  }
0xbb: {  	s31 =	sshll.u32 s1, $0xD;
	s1 =	sshrl.u32 s1, $0x2  }
0xbc: {  	s3 =	sand.u32 $0x4000, s31;
	s1 =	sadd.s32 s1, s30  }
0xbd: {  	s0 =	sor.u32 s3, s0;
	s1 =	sshll.u32 s1, $0x11  }
0xbe: {  	s0 =	sor.u32 s1, s0  }
0xbf: {  	s0 =	sadd.s32 $0x8F2B, s0  }
0xc0: {  	[sflag:s0] =	ssyncadd.remote.s32 $0x1  }
0xc1: {  	_ =	sfence.sel $0xFFFF  }
0xc2: {  	[dreg:$0x0] =	wrdreg $0xFFFFFFFF;
	(pc) =	sbr.abs _section_cstart, $3  }
0xc3: {  	[dreg:$0x1] =	wrdreg $0xFFFFFFFF  }
0xc4: {  	_ =	task.clear_ibuf [dreg:s9], $0x2FFFF;
	_ =	strace $0x9FFFFFFF  }
0xc5: {  	(tm) =	ssettm $0x7FFFFFFF  }
tec
execute0_lowered:
.L_overlay_start_1:
0x0: {  	(tag) =	ssettag $0x1  }
0x1: {  	s3 =	stileid.u32;
	s1 =	rddreg [dreg:$0x0]  }
0x2: {  	s0 =	srdreg.scid;
	s5 =	rddreg [dreg:$0x1];
	s2 =	sshll.u32 s3, $0x1  }
0x3: {  	s0 =	sand.u32 $0x1, s0;
	s4 =	sshrl.u32 s3, $0x3;
	s2 =	sand.u32 $0xE, s2  }
0x4: {  	s7 =	rddreg [dreg:$0x2];
	s6 =	smul.u32 $0xC00000, s4;
	s2 =	sor.u32 s0, s2  }
0x5: {  	s3 =	simm.s32 $0x0;
	s4 =	sshll.u32 s4, $0x4;
	s8 =	smul.u32 $0xC0000, s2  }
0x6: {  	s31 =	simm.s32 $0x80;
	[smem:$0x7FF] =	sst s3;
	s4 =	sadd.s32 s5, s4  }
0x7: {  	_ =	strace $0x80000047;
	s2 =	sshll.u32 s2, $0x6;
	s6 =	sadd.s32 s6, s8  }
0x8: {  	[dreg:$0x15] =	wrdreg s31;
	s2 =	sadd.s32 s2, s4;
	s11 =	sshrl.u32 s6, $0x3  }
0x9: {  	[dreg:$0x4] =	wrdreg s2;
	s16 =	sadd.s32 s7, s11  }
0xa: {  	s12 =	sadd.s32 $0xC00, s16;
	[dreg:$0x16] =	wrdreg s16  }
0xb: {  	s9 =	sadd.s32 $0x500, s1;
	s13 =	sadd.s32 $0x2400, s16;
	[dreg:$0x5] =	wrdreg s12  }
0xc: {  	s10 =	sadd.s32 $0x600, s1;
	s14 =	sadd.s32 $0x3C00, s16;
	[dreg:$0x6] =	wrdreg s13  }
0xd: {  	s0 =	ssub.s32 $0x2, s0;
	s17 =	sadd.s32 $0x5400, s16;
	[dreg:$0x7] =	wrdreg s14  }
0xe: {  	s5 =	sadd.s32 $0x100, s1;
	s18 =	sadd.s32 $0x6C00, s16;
	[dreg:$0x8] =	wrdreg s17  }
0xf: {  	s15 =	sshrl.u32 s0, $0x1;
	s19 =	sadd.s32 $0x8400, s16;
	[dreg:$0x9] =	wrdreg s18  }
0x10: {  	s0 =	ssub.s32 s0, s15;
	s20 =	sadd.s32 $0x9C00, s16;
	[dreg:$0xa] =	wrdreg s19  }
0x11: {  	s15 =	sadd.s32 $0xB00, s1;
	s21 =	sadd.s32 $0xB400, s16;
	[dreg:$0xb] =	wrdreg s20  }
0x12: {  	s4 =	simm.s32 $0x4;
	s22 =	sadd.s32 $0xCC00, s16;
	[dreg:$0xc] =	wrdreg s21  }
0x13: {  	s8 =	sadd.s32 $0x400, s1;
	s23 =	sadd.s32 $0xE400, s16;
	[dreg:$0xd] =	wrdreg s22  }
0x14: {  	s2 =	simm.s32 $0x3;
	s24 =	sadd.s32 $0xFC00, s16;
	[dreg:$0xe] =	wrdreg s23  }
0x15: {  	s6 =	sadd.s32 $0x200, s1;
	s25 =	sadd.s32 $0x11400, s16;
	[dreg:$0xf] =	wrdreg s24  }
0x16: {  	s7 =	sadd.s32 $0x300, s1;
	s26 =	sadd.s32 $0x12C00, s16;
	[dreg:$0x10] =	wrdreg s25  }
0x17: {  	s11 =	sadd.s32 $0x700, s1;
	s28 =	sadd.s32 $0x14400, s16;
	[dreg:$0x11] =	wrdreg s26  }
0x18: {  	s29 =	sadd.s32 $0x15C00, s16;
	s30 =	sadd.s32 $0x17400, s16;
	[dreg:$0x12] =	wrdreg s28  }
0x19: {  	v2 =	vlaneseq.u32;
	s16 =	smax.u32 s0, $0x1;
	s12 =	sadd.s32 $0x800, s1;
	[dreg:$0x13] =	wrdreg s29  }
0x1a: {  	vm0 =	vmmov $0xffff;
	v1 =	vshrl.u32 v2, $0x3;
	s13 =	sadd.s32 $0x900, s1;
	s14 =	sadd.s32 $0xA00, s1;
	[dreg:$0x14] =	wrdreg s30  }
0x1b: {  	v0 =	vand.u32 $0x7, v2;
	v2 =	vor.u32 $0x8, v2;
	v1 =	vmul.u32 $0x8, v1;
	s18 =	simm.s32 $0x1;
	s21 =	simm.s32 $0x2;
	s17 =	simm.s32 $0x100  }
.LBB2_1:
0x1c: {  	s19 =	rddreg [dreg:$0x4]  }
0x1d: {  	s20 =	rddreg [dreg:$0x15];
	s31 =	simm.s32 $0x5  }
0x1e: {  	[tilespmem:s3], [sflag:$0x5] =	stream.strided.gather [hbm4b:s19+s20], $0x100, s17, s20, $0x38;
	[tilespmem:$0x18100] =	vst v63  }
0x1f: {  	_ =	swait.ge [sflag:s31], $0x100  }
0x20: {  	[sflag:s31] =	ssyncset.done $0x0  }
0x21: {  	[sflag:s31] =	ssyncadd.s32 $0xFFFFFF00  }
0x22: {  	v3 =	vld.msk [tilespmem:$0x0], $0xff;
	_ =	sdelay $0x4  }
0x23: {  	v4 =	vshrl.u32 v3, $0x3  }
0x24: {  	v4 =	vmul.u32 $0xC0, v4  }
0x25: {  	v3 =	vand.u32 $0x7, v3  }
0x26: {  	v3 =	vor.u32 v3, v4  }
0x27: {  	v3 =	vperm.xlane v3, v0;
	_ =	sdelay $0x1  }
0x28: {  	v3 =	vadd.s32 v1, v3;
	_ =	sdelay $0x4  }
0x29: {  	[tilespmem:s17], [sflag:$0x1] =	stream.indirect_vreg.gather [hbm4b:s1+s3], $0x80, v3, vm0, $0xb8;
	[tilespmem:$0x18100] =	vst v63  }
0x2a: {  	s0 =	simm.s32 $0x900  }
0x2b: {  	[tilespmem:s0], [sflag:$0x1] =	stream.indirect_vreg.gather [hbm4b:s5+s3], $0x80, v3, vm0, $0xb8;
	[tilespmem:$0x18100] =	vst v63  }
0x2c: {  	s20 =	simm.s32 $0x1100  }
0x2d: {  	[tilespmem:s20], [sflag:$0x1] =	stream.indirect_vreg.gather [hbm4b:s6+s3], $0x80, v3, vm0, $0xb8;
	[tilespmem:$0x18100] =	vst v63  }
0x2e: {  	s22 =	simm.s32 $0x1900  }
0x2f: {  	[tilespmem:s22], [sflag:$0x1] =	stream.indirect_vreg.gather [hbm4b:s7+s3], $0x80, v3, vm0, $0xb8;
	[tilespmem:$0x18100] =	vst v63  }
0x30: {  	s23 =	simm.s32 $0x2100  }
0x31: {  	[tilespmem:s23], [sflag:$0x1] =	stream.indirect_vreg.gather [hbm4b:s8+s3], $0x80, v3, vm0, $0xb8;
	[tilespmem:$0x18100] =	vst v63  }
0x32: {  	s24 =	simm.s32 $0x2900  }
0x33: {  	[tilespmem:s24], [sflag:$0x1] =	stream.indirect_vreg.gather [hbm4b:s9+s3], $0x80, v3, vm0, $0xb8;
	[tilespmem:$0x18100] =	vst v63  }
0x34: {  	s25 =	simm.s32 $0x3100  }
0x35: {  	[tilespmem:s25], [sflag:$0x1] =	stream.indirect_vreg.gather [hbm4b:s10+s3], $0x80, v3, vm0, $0xb8;
	[tilespmem:$0x18100] =	vst v63  }
0x36: {  	s26 =	simm.s32 $0x3900  }
0x37: {  	[tilespmem:s26], [sflag:$0x1] =	stream.indirect_vreg.gather [hbm4b:s11+s3], $0x80, v3, vm0, $0xb8;
	[tilespmem:$0x18100] =	vst v63  }
0x38: {  	s30 =	simm.s32 $0x4100  }
0x39: {  	[tilespmem:s30], [sflag:$0x1] =	stream.indirect_vreg.gather [hbm4b:s12+s3], $0x80, v3, vm0, $0xb8;
	[tilespmem:$0x18100] =	vst v63  }
0x3a: {  	s31 =	simm.s32 $0x4900  }
0x3b: {  	[tilespmem:s31], [sflag:$0x1] =	stream.indirect_vreg.gather [hbm4b:s13+s3], $0x80, v3, vm0, $0xb8;
	[tilespmem:$0x18100] =	vst v63  }
0x3c: {  	s20 =	simm.s32 $0x5100  }
0x3d: {  	[tilespmem:s20], [sflag:$0x1] =	stream.indirect_vreg.gather [hbm4b:s14+s3], $0x80, v3, vm0, $0xb8;
	[tilespmem:$0x18100] =	vst v63  }
0x3e: {  	s30 =	simm.s32 $0x5900  }
0x3f: {  	[tilespmem:s30], [sflag:$0x1] =	stream.indirect_vreg.gather [hbm4b:s15+s3], $0x80, v3, vm0, $0xb8;
	[tilespmem:$0x18100] =	vst v63  }
0x40: {  	v3 =	vld [tilespmem:$0x8];
	_ =	sdelay $0x4  }
0x41: {  	v48 =	vshrl.u32 v3, $0x3  }
0x42: {  	v4 =	vmul.u32 $0xC0, v48  }
0x43: {  	v3 =	vand.u32 $0x7, v3  }
0x44: {  	v3 =	vor.u32 v3, v4  }
0x45: {  	v4 =	vperm.xlane v3, v0;
	_ =	sdelay $0x1  }
0x46: {  	v4 =	vadd.s32 v1, v4;
	_ =	sdelay $0x3  }
0x47: {  	s19 =	simm.s32 $0xC100  }
0x48: {  	[tilespmem:s19], [sflag:$0x2] =	stream.indirect_vreg.gather [hbm4b:s1+s3], $0x80, v4, vm0, $0xb8;
	[tilespmem:$0x18100] =	vst v63  }
0x49: {  	s19 =	simm.s32 $0xC900  }
0x4a: {  	[tilespmem:s19], [sflag:$0x2] =	stream.indirect_vreg.gather [hbm4b:s5+s3], $0x80, v4, vm0, $0xb8;
	[tilespmem:$0x18100] =	vst v63  }
0x4b: {  	s19 =	simm.s32 $0xD100  }
0x4c: {  	[tilespmem:s19], [sflag:$0x2] =	stream.indirect_vreg.gather [hbm4b:s6+s3], $0x80, v4, vm0, $0xb8;
	[tilespmem:$0x18100] =	vst v63  }
0x4d: {  	s19 =	simm.s32 $0xD900  }
0x4e: {  	[tilespmem:s19], [sflag:$0x2] =	stream.indirect_vreg.gather [hbm4b:s7+s3], $0x80, v4, vm0, $0xb8;
	[tilespmem:$0x18100] =	vst v63  }
0x4f: {  	s19 =	simm.s32 $0xE100  }
0x50: {  	[tilespmem:s19], [sflag:$0x2] =	stream.indirect_vreg.gather [hbm4b:s8+s3], $0x80, v4, vm0, $0xb8;
	[tilespmem:$0x18100] =	vst v63  }
0x51: {  	s19 =	simm.s32 $0xE900  }
0x52: {  	[tilespmem:s19], [sflag:$0x2] =	stream.indirect_vreg.gather [hbm4b:s9+s3], $0x80, v4, vm0, $0xb8;
	[tilespmem:$0x18100] =	vst v63  }
0x53: {  	s19 =	simm.s32 $0xF100  }
0x54: {  	[tilespmem:s19], [sflag:$0x2] =	stream.indirect_vreg.gather [hbm4b:s10+s3], $0x80, v4, vm0, $0xb8;
	[tilespmem:$0x18100] =	vst v63  }
0x55: {  	s19 =	simm.s32 $0xF900  }
0x56: {  	[tilespmem:s19], [sflag:$0x2] =	stream.indirect_vreg.gather [hbm4b:s11+s3], $0x80, v4, vm0, $0xb8;
	[tilespmem:$0x18100] =	vst v63  }
0x57: {  	s19 =	simm.s32 $0x10100  }
0x58: {  	[tilespmem:s19], [sflag:$0x2] =	stream.indirect_vreg.gather [hbm4b:s12+s3], $0x80, v4, vm0, $0xb8;
	[tilespmem:$0x18100] =	vst v63  }
0x59: {  	v3 =	vperm.xlane v3, v2;
	s19 =	simm.s32 $0x10900  }
0x5a: {  	[tilespmem:s19], [sflag:$0x2] =	stream.indirect_vreg.gather [hbm4b:s13+s3], $0x80, v4, vm0, $0xb8;
	[tilespmem:$0x18100] =	vst v63  }
0x5b: {  	v3 =	vadd.s32 v1, v3;
	s19 =	simm.s32 $0x11100  }
0x5c: {  	[tilespmem:s19], [sflag:$0x2] =	stream.indirect_vreg.gather [hbm4b:s14+s3], $0x80, v4, vm0, $0xb8;
	[tilespmem:$0x18100] =	vst v63  }
0x5d: {  	s19 =	simm.s32 $0x11900  }
0x5e: {  	[tilespmem:s19], [sflag:$0x2] =	stream.indirect_vreg.gather [hbm4b:s15+s3], $0x80, v4, vm0, $0xb8;
	[tilespmem:$0x18100] =	vst v63  }
0x5f: {  	s19 =	simm.s32 $0x12100  }
0x60: {  	[tilespmem:s19], [sflag:$0x2] =	stream.indirect_vreg.gather [hbm4b:s1+s3], $0x80, v3, vm0, $0xb8;
	[tilespmem:$0x18100] =	vst v63  }
0x61: {  	s19 =	simm.s32 $0x12900  }
0x62: {  	[tilespmem:s19], [sflag:$0x2] =	stream.indirect_vreg.gather [hbm4b:s5+s3], $0x80, v3, vm0, $0xb8;
	[tilespmem:$0x18100] =	vst v63  }
0x63: {  	s19 =	simm.s32 $0x13100  }
0x64: {  	[tilespmem:s19], [sflag:$0x2] =	stream.indirect_vreg.gather [hbm4b:s6+s3], $0x80, v3, vm0, $0xb8;
	[tilespmem:$0x18100] =	vst v63  }
0x65: {  	s19 =	simm.s32 $0x13900  }
0x66: {  	[tilespmem:s19], [sflag:$0x2] =	stream.indirect_vreg.gather [hbm4b:s7+s3], $0x80, v3, vm0, $0xb8;
	[tilespmem:$0x18100] =	vst v63  }
0x67: {  	s19 =	simm.s32 $0x14100  }
0x68: {  	[tilespmem:s19], [sflag:$0x2] =	stream.indirect_vreg.gather [hbm4b:s8+s3], $0x80, v3, vm0, $0xb8;
	[tilespmem:$0x18100] =	vst v63  }
0x69: {  	s19 =	simm.s32 $0x14900  }
0x6a: {  	[tilespmem:s19], [sflag:$0x2] =	stream.indirect_vreg.gather [hbm4b:s9+s3], $0x80, v3, vm0, $0xb8;
	[tilespmem:$0x18100] =	vst v63  }
0x6b: {  	s19 =	simm.s32 $0x15100  }
0x6c: {  	[tilespmem:s19], [sflag:$0x2] =	stream.indirect_vreg.gather [hbm4b:s10+s3], $0x80, v3, vm0, $0xb8;
	[tilespmem:$0x18100] =	vst v63  }
0x6d: {  	s19 =	simm.s32 $0x15900  }
0x6e: {  	[tilespmem:s19], [sflag:$0x2] =	stream.indirect_vreg.gather [hbm4b:s11+s3], $0x80, v3, vm0, $0xb8;
	[tilespmem:$0x18100] =	vst v63  }
0x6f: {  	s19 =	simm.s32 $0x16100  }
0x70: {  	[tilespmem:s19], [sflag:$0x2] =	stream.indirect_vreg.gather [hbm4b:s12+s3], $0x80, v3, vm0, $0xb8;
	[tilespmem:$0x18100] =	vst v63  }
0x71: {  	s19 =	simm.s32 $0x16900  }
0x72: {  	[tilespmem:s19], [sflag:$0x2] =	stream.indirect_vreg.gather [hbm4b:s13+s3], $0x80, v3, vm0, $0xb8;
	[tilespmem:$0x18100] =	vst v63  }
0x73: {  	s19 =	simm.s32 $0x17100  }
0x74: {  	[tilespmem:s19], [sflag:$0x2] =	stream.indirect_vreg.gather [hbm4b:s14+s3], $0x80, v3, vm0, $0xb8;
	[tilespmem:$0x18100] =	vst v63  }
0x75: {  	s19 =	simm.s32 $0x17900  }
0x76: {  	[tilespmem:s19], [sflag:$0x2] =	stream.indirect_vreg.gather [hbm4b:s15+s3], $0x80, v3, vm0, $0xb8;
	[tilespmem:$0x18100] =	vst v63  }
0x77: {  	_ =	swait.ge [sflag:s18], $0x6000  }
0x78: {  	[sflag:s18] =	ssyncset.done $0x0  }
0x79: {  	s19 =	rddreg [dreg:$0x16];
	[sflag:s18] =	ssyncadd.s32 $0xFFFFA000  }
0x7a: {  	[hbm4b:s19+s3] =	stream.linear.scatter [tilespmem:s17], [sflag:$0x3], $0x6000, $0x38;
	[tilespmem:$0x18100] =	vst v63  }
0x7b: {  	_ =	swait.ge [sflag:s2], $0x6000  }
0x7c: {  	[sflag:s2] =	ssyncset.done $0x0  }
0x7d: {  	[sflag:s2] =	ssyncadd.s32 $0xFFFFA000  }
0x7e: {  	v3 =	vld [tilespmem:$0x18];
	_ =	sdelay $0x4  }
0x7f: {  	v49 =	vshrl.u32 v3, $0x3  }
0x80: {  	v4 =	vmul.u32 $0xC0, v49  }
0x81: {  	v3 =	vand.u32 $0x7, v3  }
0x82: {  	v3 =	vor.u32 v3, v4  }
0x83: {  	v4 =	vperm.xlane v3, v0;
	_ =	sdelay $0x1  }
0x84: {  	v4 =	vadd.s32 v1, v4;
	_ =	sdelay $0x4  }
0x85: {  	[tilespmem:s17], [sflag:$0x1] =	stream.indirect_vreg.gather [hbm4b:s1+s3], $0x80, v4, vm0, $0xb8;
	[tilespmem:$0x18100] =	vst v63  }
0x86: {  	s28 =	simm.s32 $0x900  }
0x87: {  	[tilespmem:s28], [sflag:$0x1] =	stream.indirect_vreg.gather [hbm4b:s5+s3], $0x80, v4, vm0, $0xb8;
	[tilespmem:$0x18100] =	vst v63  }
0x88: {  	s29 =	simm.s32 $0x1100  }
0x89: {  	[tilespmem:s29], [sflag:$0x1] =	stream.indirect_vreg.gather [hbm4b:s6+s3], $0x80, v4, vm0, $0xb8;
	[tilespmem:$0x18100] =	vst v63  }
0x8a: {  	s0 =	simm.s32 $0x1900  }
0x8b: {  	[tilespmem:s0], [sflag:$0x1] =	stream.indirect_vreg.gather [hbm4b:s7+s3], $0x80, v4, vm0, $0xb8;
	[tilespmem:$0x18100] =	vst v63  }
0x8c: {  	s22 =	simm.s32 $0x2100  }
0x8d: {  	[tilespmem:s22], [sflag:$0x1] =	stream.indirect_vreg.gather [hbm4b:s8+s3], $0x80, v4, vm0, $0xb8;
	[tilespmem:$0x18100] =	vst v63  }
0x8e: {  	s23 =	simm.s32 $0x2900  }
0x8f: {  	[tilespmem:s23], [sflag:$0x1] =	stream.indirect_vreg.gather [hbm4b:s9+s3], $0x80, v4, vm0, $0xb8;
	[tilespmem:$0x18100] =	vst v63  }
0x90: {  	s24 =	simm.s32 $0x3100  }
0x91: {  	[tilespmem:s24], [sflag:$0x1] =	stream.indirect_vreg.gather [hbm4b:s10+s3], $0x80, v4, vm0, $0xb8;
	[tilespmem:$0x18100] =	vst v63  }
0x92: {  	s25 =	simm.s32 $0x3900  }
0x93: {  	[tilespmem:s25], [sflag:$0x1] =	stream.indirect_vreg.gather [hbm4b:s11+s3], $0x80, v4, vm0, $0xb8;
	[tilespmem:$0x18100] =	vst v63  }
0x94: {  	s26 =	simm.s32 $0x4100  }
0x95: {  	[tilespmem:s26], [sflag:$0x1] =	stream.indirect_vreg.gather [hbm4b:s12+s3], $0x80, v4, vm0, $0xb8;
	[tilespmem:$0x18100] =	vst v63  }
0x96: {  	s31 =	simm.s32 $0x4900;
	v3 =	vperm.xlane v3, v2  }
0x97: {  	[tilespmem:s31], [sflag:$0x1] =	stream.indirect_vreg.gather [hbm4b:s13+s3], $0x80, v4, vm0, $0xb8;
	[tilespmem:$0x18100] =	vst v63  }
0x98: {  	s20 =	simm.s32 $0x5100;
	v3 =	vadd.s32 v1, v3  }
0x99: {  	[tilespmem:s20], [sflag:$0x1] =	stream.indirect_vreg.gather [hbm4b:s14+s3], $0x80, v4, vm0, $0xb8;
	[tilespmem:$0x18100] =	vst v63  }
0x9a: {  	s30 =	simm.s32 $0x5900  }
0x9b: {  	[tilespmem:s30], [sflag:$0x1] =	stream.indirect_vreg.gather [hbm4b:s15+s3], $0x80, v4, vm0, $0xb8;
	[tilespmem:$0x18100] =	vst v63  }
0x9c: {  	s22 =	simm.s32 $0x6100  }
0x9d: {  	[tilespmem:s22], [sflag:$0x1] =	stream.indirect_vreg.gather [hbm4b:s1+s3], $0x80, v3, vm0, $0xb8;
	[tilespmem:$0x18100] =	vst v63  }
0x9e: {  	s23 =	simm.s32 $0x6900  }
0x9f: {  	[tilespmem:s23], [sflag:$0x1] =	stream.indirect_vreg.gather [hbm4b:s5+s3], $0x80, v3, vm0, $0xb8;
	[tilespmem:$0x18100] =	vst v63  }
0xa0: {  	s24 =	simm.s32 $0x7100  }
0xa1: {  	[tilespmem:s24], [sflag:$0x1] =	stream.indirect_vreg.gather [hbm4b:s6+s3], $0x80, v3, vm0, $0xb8;
	[tilespmem:$0x18100] =	vst v63  }
0xa2: {  	s25 =	simm.s32 $0x7900  }
0xa3: {  	[tilespmem:s25], [sflag:$0x1] =	stream.indirect_vreg.gather [hbm4b:s7+s3], $0x80, v3, vm0, $0xb8;
	[tilespmem:$0x18100] =	vst v63  }
0xa4: {  	s26 =	simm.s32 $0x8100  }
0xa5: {  	[tilespmem:s26], [sflag:$0x1] =	stream.indirect_vreg.gather [hbm4b:s8+s3], $0x80, v3, vm0, $0xb8;
	[tilespmem:$0x18100] =	vst v63  }
0xa6: {  	s28 =	simm.s32 $0x8900  }
0xa7: {  	[tilespmem:s28], [sflag:$0x1] =	stream.indirect_vreg.gather [hbm4b:s9+s3], $0x80, v3, vm0, $0xb8;
	[tilespmem:$0x18100] =	vst v63  }
0xa8: {  	s29 =	simm.s32 $0x9100  }
0xa9: {  	[tilespmem:s29], [sflag:$0x1] =	stream.indirect_vreg.gather [hbm4b:s10+s3], $0x80, v3, vm0, $0xb8;
	[tilespmem:$0x18100] =	vst v63  }
0xaa: {  	s30 =	simm.s32 $0x9900  }
0xab: {  	[tilespmem:s30], [sflag:$0x1] =	stream.indirect_vreg.gather [hbm4b:s11+s3], $0x80, v3, vm0, $0xb8;
	[tilespmem:$0x18100] =	vst v63  }
0xac: {  	s31 =	simm.s32 $0xA100  }
0xad: {  	[tilespmem:s31], [sflag:$0x1] =	stream.indirect_vreg.gather [hbm4b:s12+s3], $0x80, v3, vm0, $0xb8;
	[tilespmem:$0x18100] =	vst v63  }
0xae: {  	s19 =	simm.s32 $0xA900  }
0xaf: {  	[tilespmem:s19], [sflag:$0x1] =	stream.indirect_vreg.gather [hbm4b:s13+s3], $0x80, v3, vm0, $0xb8;
	[tilespmem:$0x18100] =	vst v63  }
0xb0: {  	s20 =	simm.s32 $0xB100  }
0xb1: {  	[tilespmem:s20], [sflag:$0x1] =	stream.indirect_vreg.gather [hbm4b:s14+s3], $0x80, v3, vm0, $0xb8;
	[tilespmem:$0x18100] =	vst v63  }
0xb2: {  	s22 =	simm.s32 $0xB900  }
0xb3: {  	[tilespmem:s22], [sflag:$0x1] =	stream.indirect_vreg.gather [hbm4b:s15+s3], $0x80, v3, vm0, $0xb8;
	[tilespmem:$0x18100] =	vst v63  }
0xb4: {  	_ =	swait.ge [sflag:s21], $0xC000  }
0xb5: {  	[sflag:s21] =	ssyncset.done $0x0  }
0xb6: {  	s24 =	simm.s32 $0xC100;
	s23 =	rddreg [dreg:$0x5];
	[sflag:s21] =	ssyncadd.s32 $0xFFFF4000  }
0xb7: {  	[hbm4b:s23+s3] =	stream.linear.scatter [tilespmem:s24], [sflag:$0x4], $0xC000, $0x38;
	[tilespmem:$0x18100] =	vst v63  }
0xb8: {  	_ =	swait.ge [sflag:s4], $0xC000  }
0xb9: {  	[sflag:s4] =	ssyncset.done $0x0  }
0xba: {  	[sflag:s4] =	ssyncadd.s32 $0xFFFF4000  }
0xbb: {  	v3 =	vld [tilespmem:$0x28];
	_ =	sdelay $0x4  }
0xbc: {  	v50 =	vshrl.u32 v3, $0x3  }
0xbd: {  	v4 =	vmul.u32 $0xC0, v50  }
0xbe: {  	v3 =	vand.u32 $0x7, v3  }
0xbf: {  	v3 =	vor.u32 v3, v4  }
0xc0: {  	v4 =	vperm.xlane v3, v0;
	_ =	sdelay $0x1  }
0xc1: {  	v4 =	vadd.s32 v1, v4;
	_ =	sdelay $0x4  }
0xc2: {  	[tilespmem:s24], [sflag:$0x2] =	stream.indirect_vreg.gather [hbm4b:s1+s3], $0x80, v4, vm0, $0xb8;
	[tilespmem:$0x18100] =	vst v63  }
0xc3: {  	s26 =	simm.s32 $0xC900  }
0xc4: {  	[tilespmem:s26], [sflag:$0x2] =	stream.indirect_vreg.gather [hbm4b:s5+s3], $0x80, v4, vm0, $0xb8;
	[tilespmem:$0x18100] =	vst v63  }
0xc5: {  	s28 =	simm.s32 $0xD100  }
0xc6: {  	[tilespmem:s28], [sflag:$0x2] =	stream.indirect_vreg.gather [hbm4b:s6+s3], $0x80, v4, vm0, $0xb8;
	[tilespmem:$0x18100] =	vst v63  }
0xc7: {  	s20 =	simm.s32 $0xD900  }
0xc8: {  	[tilespmem:s20], [sflag:$0x2] =	stream.indirect_vreg.gather [hbm4b:s7+s3], $0x80, v4, vm0, $0xb8;
	[tilespmem:$0x18100] =	vst v63  }
0xc9: {  	s25 =	simm.s32 $0xE100  }
0xca: {  	[tilespmem:s25], [sflag:$0x2] =	stream.indirect_vreg.gather [hbm4b:s8+s3], $0x80, v4, vm0, $0xb8;
	[tilespmem:$0x18100] =	vst v63  }
0xcb: {  	s29 =	simm.s32 $0xE900  }
0xcc: {  	[tilespmem:s29], [sflag:$0x2] =	stream.indirect_vreg.gather [hbm4b:s9+s3], $0x80, v4, vm0, $0xb8;
	[tilespmem:$0x18100] =	vst v63  }
0xcd: {  	s30 =	simm.s32 $0xF100  }
0xce: {  	[tilespmem:s30], [sflag:$0x2] =	stream.indirect_vreg.gather [hbm4b:s10+s3], $0x80, v4, vm0, $0xb8;
	[tilespmem:$0x18100] =	vst v63  }
0xcf: {  	s31 =	simm.s32 $0xF900  }
0xd0: {  	[tilespmem:s31], [sflag:$0x2] =	stream.indirect_vreg.gather [hbm4b:s11+s3], $0x80, v4, vm0, $0xb8;
	[tilespmem:$0x18100] =	vst v63  }
0xd1: {  	s22 =	simm.s32 $0x10100  }
0xd2: {  	[tilespmem:s22], [sflag:$0x2] =	stream.indirect_vreg.gather [hbm4b:s12+s3], $0x80, v4, vm0, $0xb8;
	[tilespmem:$0x18100] =	vst v63  }
0xd3: {  	s23 =	simm.s32 $0x10900;
	v3 =	vperm.xlane v3, v2  }
0xd4: {  	[tilespmem:s23], [sflag:$0x2] =	stream.indirect_vreg.gather [hbm4b:s13+s3], $0x80, v4, vm0, $0xb8;
	[tilespmem:$0x18100] =	vst v63  }
0xd5: {  	v3 =	vadd.s32 v1, v3;
	s24 =	simm.s32 $0x11100  }
0xd6: {  	[tilespmem:s24], [sflag:$0x2] =	stream.indirect_vreg.gather [hbm4b:s14+s3], $0x80, v4, vm0, $0xb8;
	[tilespmem:$0x18100] =	vst v63  }
0xd7: {  	s25 =	simm.s32 $0x11900  }
0xd8: {  	[tilespmem:s25], [sflag:$0x2] =	stream.indirect_vreg.gather [hbm4b:s15+s3], $0x80, v4, vm0, $0xb8;
	[tilespmem:$0x18100] =	vst v63  }
0xd9: {  	s29 =	simm.s32 $0x12100  }
0xda: {  	[tilespmem:s29], [sflag:$0x2] =	stream.indirect_vreg.gather [hbm4b:s1+s3], $0x80, v3, vm0, $0xb8;
	[tilespmem:$0x18100] =	vst v63  }
0xdb: {  	s30 =	simm.s32 $0x12900  }
0xdc: {  	[tilespmem:s30], [sflag:$0x2] =	stream.indirect_vreg.gather [hbm4b:s5+s3], $0x80, v3, vm0, $0xb8;
	[tilespmem:$0x18100] =	vst v63  }
0xdd: {  	s31 =	simm.s32 $0x13100  }
0xde: {  	[tilespmem:s31], [sflag:$0x2] =	stream.indirect_vreg.gather [hbm4b:s6+s3], $0x80, v3, vm0, $0xb8;
	[tilespmem:$0x18100] =	vst v63  }
0xdf: {  	s22 =	simm.s32 $0x13900  }
0xe0: {  	[tilespmem:s22], [sflag:$0x2] =	stream.indirect_vreg.gather [hbm4b:s7+s3], $0x80, v3, vm0, $0xb8;
	[tilespmem:$0x18100] =	vst v63  }
0xe1: {  	s23 =	simm.s32 $0x14100  }
0xe2: {  	[tilespmem:s23], [sflag:$0x2] =	stream.indirect_vreg.gather [hbm4b:s8+s3], $0x80, v3, vm0, $0xb8;
	[tilespmem:$0x18100] =	vst v63  }
0xe3: {  	s24 =	simm.s32 $0x14900  }
0xe4: {  	[tilespmem:s24], [sflag:$0x2] =	stream.indirect_vreg.gather [hbm4b:s9+s3], $0x80, v3, vm0, $0xb8;
	[tilespmem:$0x18100] =	vst v63  }
0xe5: {  	s25 =	simm.s32 $0x15100  }
0xe6: {  	[tilespmem:s25], [sflag:$0x2] =	stream.indirect_vreg.gather [hbm4b:s10+s3], $0x80, v3, vm0, $0xb8;
	[tilespmem:$0x18100] =	vst v63  }
0xe7: {  	s29 =	simm.s32 $0x15900  }
0xe8: {  	[tilespmem:s29], [sflag:$0x2] =	stream.indirect_vreg.gather [hbm4b:s11+s3], $0x80, v3, vm0, $0xb8;
	[tilespmem:$0x18100] =	vst v63  }
0xe9: {  	s30 =	simm.s32 $0x16100  }
0xea: {  	[tilespmem:s30], [sflag:$0x2] =	stream.indirect_vreg.gather [hbm4b:s12+s3], $0x80, v3, vm0, $0xb8;
	[tilespmem:$0x18100] =	vst v63  }
0xeb: {  	s31 =	simm.s32 $0x16900  }
0xec: {  	[tilespmem:s31], [sflag:$0x2] =	stream.indirect_vreg.gather [hbm4b:s13+s3], $0x80, v3, vm0, $0xb8;
	[tilespmem:$0x18100] =	vst v63  }
0xed: {  	s22 =	simm.s32 $0x17100  }
0xee: {  	[tilespmem:s22], [sflag:$0x2] =	stream.indirect_vreg.gather [hbm4b:s14+s3], $0x80, v3, vm0, $0xb8;
	[tilespmem:$0x18100] =	vst v63  }
0xef: {  	s23 =	simm.s32 $0x17900  }
0xf0: {  	[tilespmem:s23], [sflag:$0x2] =	stream.indirect_vreg.gather [hbm4b:s15+s3], $0x80, v3, vm0, $0xb8;
	[tilespmem:$0x18100] =	vst v63  }
0xf1: {  	_ =	swait.ge [sflag:s18], $0xC000  }
0xf2: {  	[sflag:s18] =	ssyncset.done $0x0  }
0xf3: {  	s24 =	rddreg [dreg:$0x6];
	[sflag:s18] =	ssyncadd.s32 $0xFFFF4000  }
0xf4: {  	[hbm4b:s24+s3] =	stream.linear.scatter [tilespmem:s17], [sflag:$0x3], $0xC000, $0x38;
	[tilespmem:$0x18100] =	vst v63  }
0xf5: {  	_ =	swait.ge [sflag:s2], $0xC000  }
0xf6: {  	[sflag:s2] =	ssyncset.done $0x0  }
0xf7: {  	[sflag:s2] =	ssyncadd.s32 $0xFFFF4000  }
0xf8: {  	v3 =	vld [tilespmem:$0x38];
	_ =	sdelay $0x4  }
0xf9: {  	v51 =	vshrl.u32 v3, $0x3  }
0xfa: {  	v4 =	vmul.u32 $0xC0, v51  }
0xfb: {  	v3 =	vand.u32 $0x7, v3  }
0xfc: {  	v3 =	vor.u32 v3, v4  }
0xfd: {  	v4 =	vperm.xlane v3, v0;
	_ =	sdelay $0x1  }
0xfe: {  	v4 =	vadd.s32 v1, v4;
	_ =	sdelay $0x4  }
0xff: {  	[tilespmem:s17], [sflag:$0x1] =	stream.indirect_vreg.gather [hbm4b:s1+s3], $0x80, v4, vm0, $0xb8;
	[tilespmem:$0x18100] =	vst v63  }
0x100: {  	s30 =	simm.s32 $0x900  }
0x101: {  	[tilespmem:s30], [sflag:$0x1] =	stream.indirect_vreg.gather [hbm4b:s5+s3], $0x80, v4, vm0, $0xb8;
	[tilespmem:$0x18100] =	vst v63  }
0x102: {  	s31 =	simm.s32 $0x1100  }
0x103: {  	[tilespmem:s31], [sflag:$0x1] =	stream.indirect_vreg.gather [hbm4b:s6+s3], $0x80, v4, vm0, $0xb8;
	[tilespmem:$0x18100] =	vst v63  }
0x104: {  	s29 =	simm.s32 $0x1900  }
0x105: {  	[tilespmem:s29], [sflag:$0x1] =	stream.indirect_vreg.gather [hbm4b:s7+s3], $0x80, v4, vm0, $0xb8;
	[tilespmem:$0x18100] =	vst v63  }
0x106: {  	s25 =	simm.s32 $0x2100  }
0x107: {  	[tilespmem:s25], [sflag:$0x1] =	stream.indirect_vreg.gather [hbm4b:s8+s3], $0x80, v4, vm0, $0xb8;
	[tilespmem:$0x18100] =	vst v63  }
0x108: {  	s22 =	simm.s32 $0x2900  }
0x109: {  	[tilespmem:s22], [sflag:$0x1] =	stream.indirect_vreg.gather [hbm4b:s9+s3], $0x80, v4, vm0, $0xb8;
	[tilespmem:$0x18100] =	vst v63  }
0x10a: {  	s23 =	simm.s32 $0x3100  }
0x10b: {  	[tilespmem:s23], [sflag:$0x1] =	stream.indirect_vreg.gather [hbm4b:s10+s3], $0x80, v4, vm0, $0xb8;
	[tilespmem:$0x18100] =	vst v63  }
0x10c: {  	s24 =	simm.s32 $0x3900  }
0x10d: {  	[tilespmem:s24], [sflag:$0x1] =	stream.indirect_vreg.gather [hbm4b:s11+s3], $0x80, v4, vm0, $0xb8;
	[tilespmem:$0x18100] =	vst v63  }
0x10e: {  	s25 =	simm.s32 $0x4100  }
0x10f: {  	[tilespmem:s25], [sflag:$0x1] =	stream.indirect_vreg.gather [hbm4b:s12+s3], $0x80, v4, vm0, $0xb8;
	[tilespmem:$0x18100] =	vst v63  }
0x110: {  	s19 =	simm.s32 $0x4900;
	v3 =	vperm.xlane v3, v2  }
0x111: {  	[tilespmem:s19], [sflag:$0x1] =	stream.indirect_vreg.gather [hbm4b:s13+s3], $0x80, v4, vm0, $0xb8;
	[tilespmem:$0x18100] =	vst v63  }
0x112: {  	v3 =	vadd.s32 v1, v3;
	s19 =	simm.s32 $0x5100  }
0x113: {  	[tilespmem:s19], [sflag:$0x1] =	stream.indirect_vreg.gather [hbm4b:s14+s3], $0x80, v4, vm0, $0xb8;
	[tilespmem:$0x18100] =	vst v63  }
0x114: {  	s19 =	simm.s32 $0x5900  }
0x115: {  	[tilespmem:s19], [sflag:$0x1] =	stream.indirect_vreg.gather [hbm4b:s15+s3], $0x80, v4, vm0, $0xb8;
	[tilespmem:$0x18100] =	vst v63  }
0x116: {  	s19 =	simm.s32 $0x6100  }
0x117: {  	[tilespmem:s19], [sflag:$0x1] =	stream.indirect_vreg.gather [hbm4b:s1+s3], $0x80, v3, vm0, $0xb8;
	[tilespmem:$0x18100] =	vst v63  }
0x118: {  	s19 =	simm.s32 $0x6900  }
0x119: {  	[tilespmem:s19], [sflag:$0x1] =	stream.indirect_vreg.gather [hbm4b:s5+s3], $0x80, v3, vm0, $0xb8;
	[tilespmem:$0x18100] =	vst v63  }
0x11a: {  	s19 =	simm.s32 $0x7100  }
0x11b: {  	[tilespmem:s19], [sflag:$0x1] =	stream.indirect_vreg.gather [hbm4b:s6+s3], $0x80, v3, vm0, $0xb8;
	[tilespmem:$0x18100] =	vst v63  }
0x11c: {  	s19 =	simm.s32 $0x7900  }
0x11d: {  	[tilespmem:s19], [sflag:$0x1] =	stream.indirect_vreg.gather [hbm4b:s7+s3], $0x80, v3, vm0, $0xb8;
	[tilespmem:$0x18100] =	vst v63  }
0x11e: {  	s19 =	simm.s32 $0x8100  }
0x11f: {  	[tilespmem:s19], [sflag:$0x1] =	stream.indirect_vreg.gather [hbm4b:s8+s3], $0x80, v3, vm0, $0xb8;
	[tilespmem:$0x18100] =	vst v63  }
0x120: {  	s19 =	simm.s32 $0x8900  }
0x121: {  	[tilespmem:s19], [sflag:$0x1] =	stream.indirect_vreg.gather [hbm4b:s9+s3], $0x80, v3, vm0, $0xb8;
	[tilespmem:$0x18100] =	vst v63  }
0x122: {  	s19 =	simm.s32 $0x9100  }
0x123: {  	[tilespmem:s19], [sflag:$0x1] =	stream.indirect_vreg.gather [hbm4b:s10+s3], $0x80, v3, vm0, $0xb8;
	[tilespmem:$0x18100] =	vst v63  }
0x124: {  	s19 =	simm.s32 $0x9900  }
0x125: {  	[tilespmem:s19], [sflag:$0x1] =	stream.indirect_vreg.gather [hbm4b:s11+s3], $0x80, v3, vm0, $0xb8;
	[tilespmem:$0x18100] =	vst v63  }
0x126: {  	s19 =	simm.s32 $0xA100  }
0x127: {  	[tilespmem:s19], [sflag:$0x1] =	stream.indirect_vreg.gather [hbm4b:s12+s3], $0x80, v3, vm0, $0xb8;
	[tilespmem:$0x18100] =	vst v63  }
0x128: {  	s19 =	simm.s32 $0xA900  }
0x129: {  	[tilespmem:s19], [sflag:$0x1] =	stream.indirect_vreg.gather [hbm4b:s13+s3], $0x80, v3, vm0, $0xb8;
	[tilespmem:$0x18100] =	vst v63  }
0x12a: {  	s19 =	simm.s32 $0xB100  }
0x12b: {  	[tilespmem:s19], [sflag:$0x1] =	stream.indirect_vreg.gather [hbm4b:s14+s3], $0x80, v3, vm0, $0xb8;
	[tilespmem:$0x18100] =	vst v63  }
0x12c: {  	s0 =	simm.s32 $0xB900  }
0x12d: {  	[tilespmem:s0], [sflag:$0x1] =	stream.indirect_vreg.gather [hbm4b:s15+s3], $0x80, v3, vm0, $0xb8;
	[tilespmem:$0x18100] =	vst v63  }
0x12e: {  	_ =	swait.ge [sflag:s21], $0xC000  }
0x12f: {  	[sflag:s21] =	ssyncset.done $0x0  }
0x130: {  	s0 =	simm.s32 $0xC100;
	s19 =	rddreg [dreg:$0x7];
	[sflag:s21] =	ssyncadd.s32 $0xFFFF4000  }
0x131: {  	[hbm4b:s19+s3] =	stream.linear.scatter [tilespmem:s0], [sflag:$0x4], $0xC000, $0x38;
	[tilespmem:$0x18100] =	vst v63  }
0x132: {  	_ =	swait.ge [sflag:s4], $0xC000  }
0x133: {  	[sflag:s4] =	ssyncset.done $0x0  }
0x134: {  	[sflag:s4] =	ssyncadd.s32 $0xFFFF4000  }
0x135: {  	v3 =	vld [tilespmem:$0x48];
	_ =	sdelay $0x4  }
0x136: {  	v52 =	vshrl.u32 v3, $0x3  }
0x137: {  	v4 =	vmul.u32 $0xC0, v52  }
0x138: {  	v3 =	vand.u32 $0x7, v3  }
0x139: {  	v3 =	vor.u32 v3, v4  }
0x13a: {  	v4 =	vperm.xlane v3, v0;
	_ =	sdelay $0x1  }
0x13b: {  	v4 =	vadd.s32 v1, v4;
	_ =	sdelay $0x4  }
0x13c: {  	[tilespmem:s0], [sflag:$0x2] =	stream.indirect_vreg.gather [hbm4b:s1+s3], $0x80, v4, vm0, $0xb8;
	[tilespmem:$0x18100] =	vst v63  }
0x13d: {  	_ = 	snop  }
0x13e: {  	[tilespmem:s26], [sflag:$0x2] =	stream.indirect_vreg.gather [hbm4b:s5+s3], $0x80, v4, vm0, $0xb8;
	[tilespmem:$0x18100] =	vst v63  }
0x13f: {  	_ = 	snop  }
0x140: {  	[tilespmem:s28], [sflag:$0x2] =	stream.indirect_vreg.gather [hbm4b:s6+s3], $0x80, v4, vm0, $0xb8;
	[tilespmem:$0x18100] =	vst v63  }
0x141: {  	_ = 	snop  }
0x142: {  	[tilespmem:s20], [sflag:$0x2] =	stream.indirect_vreg.gather [hbm4b:s7+s3], $0x80, v4, vm0, $0xb8;
	[tilespmem:$0x18100] =	vst v63  }
0x143: {  	s19 =	simm.s32 $0xE100  }
0x144: {  	[tilespmem:s19], [sflag:$0x2] =	stream.indirect_vreg.gather [hbm4b:s8+s3], $0x80, v4, vm0, $0xb8;
	[tilespmem:$0x18100] =	vst v63  }
0x145: {  	s20 =	simm.s32 $0xE900  }
0x146: {  	[tilespmem:s20], [sflag:$0x2] =	stream.indirect_vreg.gather [hbm4b:s9+s3], $0x80, v4, vm0, $0xb8;
	[tilespmem:$0x18100] =	vst v63  }
0x147: {  	s19 =	simm.s32 $0xF100  }
0x148: {  	[tilespmem:s19], [sflag:$0x2] =	stream.indirect_vreg.gather [hbm4b:s10+s3], $0x80, v4, vm0, $0xb8;
	[tilespmem:$0x18100] =	vst v63  }
0x149: {  	s20 =	simm.s32 $0xF900  }
0x14a: {  	[tilespmem:s20], [sflag:$0x2] =	stream.indirect_vreg.gather [hbm4b:s11+s3], $0x80, v4, vm0, $0xb8;
	[tilespmem:$0x18100] =	vst v63  }
0x14b: {  	s19 =	simm.s32 $0x10100  }
0x14c: {  	[tilespmem:s19], [sflag:$0x2] =	stream.indirect_vreg.gather [hbm4b:s12+s3], $0x80, v4, vm0, $0xb8;
	[tilespmem:$0x18100] =	vst v63  }
0x14d: {  	v3 =	vperm.xlane v3, v2;
	s20 =	simm.s32 $0x10900  }
0x14e: {  	[tilespmem:s20], [sflag:$0x2] =	stream.indirect_vreg.gather [hbm4b:s13+s3], $0x80, v4, vm0, $0xb8;
	[tilespmem:$0x18100] =	vst v63  }
0x14f: {  	v3 =	vadd.s32 v1, v3;
	s19 =	simm.s32 $0x11100  }
0x150: {  	[tilespmem:s19], [sflag:$0x2] =	stream.indirect_vreg.gather [hbm4b:s14+s3], $0x80, v4, vm0, $0xb8;
	[tilespmem:$0x18100] =	vst v63  }
0x151: {  	s20 =	simm.s32 $0x11900  }
0x152: {  	[tilespmem:s20], [sflag:$0x2] =	stream.indirect_vreg.gather [hbm4b:s15+s3], $0x80, v4, vm0, $0xb8;
	[tilespmem:$0x18100] =	vst v63  }
0x153: {  	s19 =	simm.s32 $0x12100  }
0x154: {  	[tilespmem:s19], [sflag:$0x2] =	stream.indirect_vreg.gather [hbm4b:s1+s3], $0x80, v3, vm0, $0xb8;
	[tilespmem:$0x18100] =	vst v63  }
0x155: {  	s20 =	simm.s32 $0x12900  }
0x156: {  	[tilespmem:s20], [sflag:$0x2] =	stream.indirect_vreg.gather [hbm4b:s5+s3], $0x80, v3, vm0, $0xb8;
	[tilespmem:$0x18100] =	vst v63  }
0x157: {  	s19 =	simm.s32 $0x13100  }
0x158: {  	[tilespmem:s19], [sflag:$0x2] =	stream.indirect_vreg.gather [hbm4b:s6+s3], $0x80, v3, vm0, $0xb8;
	[tilespmem:$0x18100] =	vst v63  }
0x159: {  	s20 =	simm.s32 $0x13900  }
0x15a: {  	[tilespmem:s20], [sflag:$0x2] =	stream.indirect_vreg.gather [hbm4b:s7+s3], $0x80, v3, vm0, $0xb8;
	[tilespmem:$0x18100] =	vst v63  }
0x15b: {  	s19 =	simm.s32 $0x14100  }
0x15c: {  	[tilespmem:s19], [sflag:$0x2] =	stream.indirect_vreg.gather [hbm4b:s8+s3], $0x80, v3, vm0, $0xb8;
	[tilespmem:$0x18100] =	vst v63  }
0x15d: {  	s20 =	simm.s32 $0x14900  }
0x15e: {  	[tilespmem:s20], [sflag:$0x2] =	stream.indirect_vreg.gather [hbm4b:s9+s3], $0x80, v3, vm0, $0xb8;
	[tilespmem:$0x18100] =	vst v63  }
0x15f: {  	s19 =	simm.s32 $0x15100  }
0x160: {  	[tilespmem:s19], [sflag:$0x2] =	stream.indirect_vreg.gather [hbm4b:s10+s3], $0x80, v3, vm0, $0xb8;
	[tilespmem:$0x18100] =	vst v63  }
0x161: {  	s20 =	simm.s32 $0x15900  }
0x162: {  	[tilespmem:s20], [sflag:$0x2] =	stream.indirect_vreg.gather [hbm4b:s11+s3], $0x80, v3, vm0, $0xb8;
	[tilespmem:$0x18100] =	vst v63  }
0x163: {  	s19 =	simm.s32 $0x16100  }
0x164: {  	[tilespmem:s19], [sflag:$0x2] =	stream.indirect_vreg.gather [hbm4b:s12+s3], $0x80, v3, vm0, $0xb8;
	[tilespmem:$0x18100] =	vst v63  }
0x165: {  	s20 =	simm.s32 $0x16900  }
0x166: {  	[tilespmem:s20], [sflag:$0x2] =	stream.indirect_vreg.gather [hbm4b:s13+s3], $0x80, v3, vm0, $0xb8;
	[tilespmem:$0x18100] =	vst v63  }
0x167: {  	s19 =	simm.s32 $0x17100  }
0x168: {  	[tilespmem:s19], [sflag:$0x2] =	stream.indirect_vreg.gather [hbm4b:s14+s3], $0x80, v3, vm0, $0xb8;
	[tilespmem:$0x18100] =	vst v63  }
0x169: {  	s20 =	simm.s32 $0x17900  }
0x16a: {  	[tilespmem:s20], [sflag:$0x2] =	stream.indirect_vreg.gather [hbm4b:s15+s3], $0x80, v3, vm0, $0xb8;
	[tilespmem:$0x18100] =	vst v63  }
0x16b: {  	_ =	swait.ge [sflag:s18], $0xC000  }
0x16c: {  	[sflag:s18] =	ssyncset.done $0x0  }
0x16d: {  	s0 =	rddreg [dreg:$0x8];
	[sflag:s18] =	ssyncadd.s32 $0xFFFF4000  }
0x16e: {  	[hbm4b:s0+s3] =	stream.linear.scatter [tilespmem:s17], [sflag:$0x3], $0xC000, $0x38;
	[tilespmem:$0x18100] =	vst v63  }
0x16f: {  	_ =	swait.ge [sflag:s2], $0xC000  }
0x170: {  	[sflag:s2] =	ssyncset.done $0x0  }
0x171: {  	[sflag:s2] =	ssyncadd.s32 $0xFFFF4000  }
0x172: {  	v3 =	vld [tilespmem:$0x58];
	_ =	sdelay $0x4  }
0x173: {  	v53 =	vshrl.u32 v3, $0x3  }
0x174: {  	v4 =	vmul.u32 $0xC0, v53  }
0x175: {  	v3 =	vand.u32 $0x7, v3  }
0x176: {  	v3 =	vor.u32 v3, v4  }
0x177: {  	v4 =	vperm.xlane v3, v0;
	_ =	sdelay $0x1  }
0x178: {  	v4 =	vadd.s32 v1, v4;
	_ =	sdelay $0x4  }
0x179: {  	[tilespmem:s17], [sflag:$0x1] =	stream.indirect_vreg.gather [hbm4b:s1+s3], $0x80, v4, vm0, $0xb8;
	[tilespmem:$0x18100] =	vst v63  }
0x17a: {  	_ = 	snop  }
0x17b: {  	[tilespmem:s30], [sflag:$0x1] =	stream.indirect_vreg.gather [hbm4b:s5+s3], $0x80, v4, vm0, $0xb8;
	[tilespmem:$0x18100] =	vst v63  }
0x17c: {  	_ = 	snop  }
0x17d: {  	[tilespmem:s31], [sflag:$0x1] =	stream.indirect_vreg.gather [hbm4b:s6+s3], $0x80, v4, vm0, $0xb8;
	[tilespmem:$0x18100] =	vst v63  }
0x17e: {  	_ = 	snop  }
0x17f: {  	[tilespmem:s29], [sflag:$0x1] =	stream.indirect_vreg.gather [hbm4b:s7+s3], $0x80, v4, vm0, $0xb8;
	[tilespmem:$0x18100] =	vst v63  }
0x180: {  	s20 =	simm.s32 $0x2100  }
0x181: {  	[tilespmem:s20], [sflag:$0x1] =	stream.indirect_vreg.gather [hbm4b:s8+s3], $0x80, v4, vm0, $0xb8;
	[tilespmem:$0x18100] =	vst v63  }
0x182: {  	_ = 	snop  }
0x183: {  	[tilespmem:s22], [sflag:$0x1] =	stream.indirect_vreg.gather [hbm4b:s9+s3], $0x80, v4, vm0, $0xb8;
	[tilespmem:$0x18100] =	vst v63  }
0x184: {  	_ = 	snop  }
0x185: {  	[tilespmem:s23], [sflag:$0x1] =	stream.indirect_vreg.gather [hbm4b:s10+s3], $0x80, v4, vm0, $0xb8;
	[tilespmem:$0x18100] =	vst v63  }
0x186: {  	_ = 	snop  }
0x187: {  	[tilespmem:s24], [sflag:$0x1] =	stream.indirect_vreg.gather [hbm4b:s11+s3], $0x80, v4, vm0, $0xb8;
	[tilespmem:$0x18100] =	vst v63  }
0x188: {  	_ = 	snop  }
0x189: {  	[tilespmem:s25], [sflag:$0x1] =	stream.indirect_vreg.gather [hbm4b:s12+s3], $0x80, v4, vm0, $0xb8;
	[tilespmem:$0x18100] =	vst v63  }
0x18a: {  	v3 =	vperm.xlane v3, v2;
	s24 =	simm.s32 $0x4900  }
0x18b: {  	[tilespmem:s24], [sflag:$0x1] =	stream.indirect_vreg.gather [hbm4b:s13+s3], $0x80, v4, vm0, $0xb8;
	[tilespmem:$0x18100] =	vst v63  }
0x18c: {  	v3 =	vadd.s32 v1, v3;
	s25 =	simm.s32 $0x5100  }
0x18d: {  	[tilespmem:s25], [sflag:$0x1] =	stream.indirect_vreg.gather [hbm4b:s14+s3], $0x80, v4, vm0, $0xb8;
	[tilespmem:$0x18100] =	vst v63  }
0x18e: {  	s29 =	simm.s32 $0x5900  }
0x18f: {  	[tilespmem:s29], [sflag:$0x1] =	stream.indirect_vreg.gather [hbm4b:s15+s3], $0x80, v4, vm0, $0xb8;
	[tilespmem:$0x18100] =	vst v63  }
0x190: {  	s30 =	simm.s32 $0x6100  }
0x191: {  	[tilespmem:s30], [sflag:$0x1] =	stream.indirect_vreg.gather [hbm4b:s1+s3], $0x80, v3, vm0, $0xb8;
	[tilespmem:$0x18100] =	vst v63  }
0x192: {  	s31 =	simm.s32 $0x6900  }
0x193: {  	[tilespmem:s31], [sflag:$0x1] =	stream.indirect_vreg.gather [hbm4b:s5+s3], $0x80, v3, vm0, $0xb8;
	[tilespmem:$0x18100] =	vst v63  }
0x194: {  	s19 =	simm.s32 $0x7100  }
0x195: {  	[tilespmem:s19], [sflag:$0x1] =	stream.indirect_vreg.gather [hbm4b:s6+s3], $0x80, v3, vm0, $0xb8;
	[tilespmem:$0x18100] =	vst v63  }
0x196: {  	s20 =	simm.s32 $0x7900  }
0x197: {  	[tilespmem:s20], [sflag:$0x1] =	stream.indirect_vreg.gather [hbm4b:s7+s3], $0x80, v3, vm0, $0xb8;
	[tilespmem:$0x18100] =	vst v63  }
0x198: {  	s22 =	simm.s32 $0x8100  }
0x199: {  	[tilespmem:s22], [sflag:$0x1] =	stream.indirect_vreg.gather [hbm4b:s8+s3], $0x80, v3, vm0, $0xb8;
	[tilespmem:$0x18100] =	vst v63  }
0x19a: {  	s23 =	simm.s32 $0x8900  }
0x19b: {  	[tilespmem:s23], [sflag:$0x1] =	stream.indirect_vreg.gather [hbm4b:s9+s3], $0x80, v3, vm0, $0xb8;
	[tilespmem:$0x18100] =	vst v63  }
0x19c: {  	s24 =	simm.s32 $0x9100  }
0x19d: {  	[tilespmem:s24], [sflag:$0x1] =	stream.indirect_vreg.gather [hbm4b:s10+s3], $0x80, v3, vm0, $0xb8;
	[tilespmem:$0x18100] =	vst v63  }
0x19e: {  	s25 =	simm.s32 $0x9900  }
0x19f: {  	[tilespmem:s25], [sflag:$0x1] =	stream.indirect_vreg.gather [hbm4b:s11+s3], $0x80, v3, vm0, $0xb8;
	[tilespmem:$0x18100] =	vst v63  }
0x1a0: {  	s29 =	simm.s32 $0xA100  }
0x1a1: {  	[tilespmem:s29], [sflag:$0x1] =	stream.indirect_vreg.gather [hbm4b:s12+s3], $0x80, v3, vm0, $0xb8;
	[tilespmem:$0x18100] =	vst v63  }
0x1a2: {  	s30 =	simm.s32 $0xA900  }
0x1a3: {  	[tilespmem:s30], [sflag:$0x1] =	stream.indirect_vreg.gather [hbm4b:s13+s3], $0x80, v3, vm0, $0xb8;
	[tilespmem:$0x18100] =	vst v63  }
0x1a4: {  	s0 =	simm.s32 $0xB100  }
0x1a5: {  	[tilespmem:s0], [sflag:$0x1] =	stream.indirect_vreg.gather [hbm4b:s14+s3], $0x80, v3, vm0, $0xb8;
	[tilespmem:$0x18100] =	vst v63  }
0x1a6: {  	s31 =	simm.s32 $0xB900  }
0x1a7: {  	[tilespmem:s31], [sflag:$0x1] =	stream.indirect_vreg.gather [hbm4b:s15+s3], $0x80, v3, vm0, $0xb8;
	[tilespmem:$0x18100] =	vst v63  }
0x1a8: {  	_ =	swait.ge [sflag:s21], $0xC000  }
0x1a9: {  	[sflag:s21] =	ssyncset.done $0x0  }
0x1aa: {  	s23 =	simm.s32 $0xC100;
	s20 =	rddreg [dreg:$0x9];
	[sflag:s21] =	ssyncadd.s32 $0xFFFF4000  }
0x1ab: {  	[hbm4b:s20+s3] =	stream.linear.scatter [tilespmem:s23], [sflag:$0x4], $0xC000, $0x38;
	[tilespmem:$0x18100] =	vst v63  }
0x1ac: {  	_ =	swait.ge [sflag:s4], $0xC000  }
0x1ad: {  	[sflag:s4] =	ssyncset.done $0x0  }
0x1ae: {  	[sflag:s4] =	ssyncadd.s32 $0xFFFF4000  }
0x1af: {  	v3 =	vld [tilespmem:$0x68];
	_ =	sdelay $0x4  }
0x1b0: {  	v54 =	vshrl.u32 v3, $0x3  }
0x1b1: {  	v4 =	vmul.u32 $0xC0, v54  }
0x1b2: {  	v3 =	vand.u32 $0x7, v3  }
0x1b3: {  	v3 =	vor.u32 v3, v4  }
0x1b4: {  	v4 =	vperm.xlane v3, v0;
	_ =	sdelay $0x1  }
0x1b5: {  	v4 =	vadd.s32 v1, v4;
	_ =	sdelay $0x4  }
0x1b6: {  	[tilespmem:s23], [sflag:$0x2] =	stream.indirect_vreg.gather [hbm4b:s1+s3], $0x80, v4, vm0, $0xb8;
	[tilespmem:$0x18100] =	vst v63  }
0x1b7: {  	s26 =	simm.s32 $0xC900  }
0x1b8: {  	[tilespmem:s26], [sflag:$0x2] =	stream.indirect_vreg.gather [hbm4b:s5+s3], $0x80, v4, vm0, $0xb8;
	[tilespmem:$0x18100] =	vst v63  }
0x1b9: {  	s28 =	simm.s32 $0xD100  }
0x1ba: {  	[tilespmem:s28], [sflag:$0x2] =	stream.indirect_vreg.gather [hbm4b:s6+s3], $0x80, v4, vm0, $0xb8;
	[tilespmem:$0x18100] =	vst v63  }
0x1bb: {  	s31 =	simm.s32 $0xD900  }
0x1bc: {  	[tilespmem:s31], [sflag:$0x2] =	stream.indirect_vreg.gather [hbm4b:s7+s3], $0x80, v4, vm0, $0xb8;
	[tilespmem:$0x18100] =	vst v63  }
0x1bd: {  	s24 =	simm.s32 $0xE100  }
0x1be: {  	[tilespmem:s24], [sflag:$0x2] =	stream.indirect_vreg.gather [hbm4b:s8+s3], $0x80, v4, vm0, $0xb8;
	[tilespmem:$0x18100] =	vst v63  }
0x1bf: {  	s25 =	simm.s32 $0xE900  }
0x1c0: {  	[tilespmem:s25], [sflag:$0x2] =	stream.indirect_vreg.gather [hbm4b:s9+s3], $0x80, v4, vm0, $0xb8;
	[tilespmem:$0x18100] =	vst v63  }
0x1c1: {  	s26 =	simm.s32 $0xF100  }
0x1c2: {  	[tilespmem:s26], [sflag:$0x2] =	stream.indirect_vreg.gather [hbm4b:s10+s3], $0x80, v4, vm0, $0xb8;
	[tilespmem:$0x18100] =	vst v63  }
0x1c3: {  	s28 =	simm.s32 $0xF900  }
0x1c4: {  	[tilespmem:s28], [sflag:$0x2] =	stream.indirect_vreg.gather [hbm4b:s11+s3], $0x80, v4, vm0, $0xb8;
	[tilespmem:$0x18100] =	vst v63  }
0x1c5: {  	s29 =	simm.s32 $0x10100  }
0x1c6: {  	[tilespmem:s29], [sflag:$0x2] =	stream.indirect_vreg.gather [hbm4b:s12+s3], $0x80, v4, vm0, $0xb8;
	[tilespmem:$0x18100] =	vst v63  }
0x1c7: {  	s30 =	simm.s32 $0x10900;
	v3 =	vperm.xlane v3, v2  }
0x1c8: {  	[tilespmem:s30], [sflag:$0x2] =	stream.indirect_vreg.gather [hbm4b:s13+s3], $0x80, v4, vm0, $0xb8;
	[tilespmem:$0x18100] =	vst v63  }
0x1c9: {  	s20 =	simm.s32 $0x11100;
	v3 =	vadd.s32 v1, v3  }
0x1ca: {  	[tilespmem:s20], [sflag:$0x2] =	stream.indirect_vreg.gather [hbm4b:s14+s3], $0x80, v4, vm0, $0xb8;
	[tilespmem:$0x18100] =	vst v63  }
0x1cb: {  	s23 =	simm.s32 $0x11900  }
0x1cc: {  	[tilespmem:s23], [sflag:$0x2] =	stream.indirect_vreg.gather [hbm4b:s15+s3], $0x80, v4, vm0, $0xb8;
	[tilespmem:$0x18100] =	vst v63  }
0x1cd: {  	s24 =	simm.s32 $0x12100  }
0x1ce: {  	[tilespmem:s24], [sflag:$0x2] =	stream.indirect_vreg.gather [hbm4b:s1+s3], $0x80, v3, vm0, $0xb8;
	[tilespmem:$0x18100] =	vst v63  }
0x1cf: {  	s25 =	simm.s32 $0x12900  }
0x1d0: {  	[tilespmem:s25], [sflag:$0x2] =	stream.indirect_vreg.gather [hbm4b:s5+s3], $0x80, v3, vm0, $0xb8;
	[tilespmem:$0x18100] =	vst v63  }
0x1d1: {  	s26 =	simm.s32 $0x13100  }
0x1d2: {  	[tilespmem:s26], [sflag:$0x2] =	stream.indirect_vreg.gather [hbm4b:s6+s3], $0x80, v3, vm0, $0xb8;
	[tilespmem:$0x18100] =	vst v63  }
0x1d3: {  	s28 =	simm.s32 $0x13900  }
0x1d4: {  	[tilespmem:s28], [sflag:$0x2] =	stream.indirect_vreg.gather [hbm4b:s7+s3], $0x80, v3, vm0, $0xb8;
	[tilespmem:$0x18100] =	vst v63  }
0x1d5: {  	s29 =	simm.s32 $0x14100  }
0x1d6: {  	[tilespmem:s29], [sflag:$0x2] =	stream.indirect_vreg.gather [hbm4b:s8+s3], $0x80, v3, vm0, $0xb8;
	[tilespmem:$0x18100] =	vst v63  }
0x1d7: {  	s30 =	simm.s32 $0x14900  }
0x1d8: {  	[tilespmem:s30], [sflag:$0x2] =	stream.indirect_vreg.gather [hbm4b:s9+s3], $0x80, v3, vm0, $0xb8;
	[tilespmem:$0x18100] =	vst v63  }
0x1d9: {  	s20 =	simm.s32 $0x15100  }
0x1da: {  	[tilespmem:s20], [sflag:$0x2] =	stream.indirect_vreg.gather [hbm4b:s10+s3], $0x80, v3, vm0, $0xb8;
	[tilespmem:$0x18100] =	vst v63  }
0x1db: {  	s23 =	simm.s32 $0x15900  }
0x1dc: {  	[tilespmem:s23], [sflag:$0x2] =	stream.indirect_vreg.gather [hbm4b:s11+s3], $0x80, v3, vm0, $0xb8;
	[tilespmem:$0x18100] =	vst v63  }
0x1dd: {  	s24 =	simm.s32 $0x16100  }
0x1de: {  	[tilespmem:s24], [sflag:$0x2] =	stream.indirect_vreg.gather [hbm4b:s12+s3], $0x80, v3, vm0, $0xb8;
	[tilespmem:$0x18100] =	vst v63  }
0x1df: {  	s25 =	simm.s32 $0x16900  }
0x1e0: {  	[tilespmem:s25], [sflag:$0x2] =	stream.indirect_vreg.gather [hbm4b:s13+s3], $0x80, v3, vm0, $0xb8;
	[tilespmem:$0x18100] =	vst v63  }
0x1e1: {  	s26 =	simm.s32 $0x17100  }
0x1e2: {  	[tilespmem:s26], [sflag:$0x2] =	stream.indirect_vreg.gather [hbm4b:s14+s3], $0x80, v3, vm0, $0xb8;
	[tilespmem:$0x18100] =	vst v63  }
0x1e3: {  	s28 =	simm.s32 $0x17900  }
0x1e4: {  	[tilespmem:s28], [sflag:$0x2] =	stream.indirect_vreg.gather [hbm4b:s15+s3], $0x80, v3, vm0, $0xb8;
	[tilespmem:$0x18100] =	vst v63  }
0x1e5: {  	_ =	swait.ge [sflag:s18], $0xC000  }
0x1e6: {  	[sflag:s18] =	ssyncset.done $0x0  }
0x1e7: {  	s29 =	rddreg [dreg:$0xa];
	[sflag:s18] =	ssyncadd.s32 $0xFFFF4000  }
0x1e8: {  	[hbm4b:s29+s3] =	stream.linear.scatter [tilespmem:s17], [sflag:$0x3], $0xC000, $0x38;
	[tilespmem:$0x18100] =	vst v63  }
0x1e9: {  	_ =	swait.ge [sflag:s2], $0xC000  }
0x1ea: {  	[sflag:s2] =	ssyncset.done $0x0  }
0x1eb: {  	[sflag:s2] =	ssyncadd.s32 $0xFFFF4000  }
0x1ec: {  	v3 =	vld [tilespmem:$0x78];
	_ =	sdelay $0x4  }
0x1ed: {  	v55 =	vshrl.u32 v3, $0x3  }
0x1ee: {  	v4 =	vmul.u32 $0xC0, v55  }
0x1ef: {  	v3 =	vand.u32 $0x7, v3  }
0x1f0: {  	v3 =	vor.u32 v3, v4  }
0x1f1: {  	v4 =	vperm.xlane v3, v0;
	_ =	sdelay $0x1  }
0x1f2: {  	v4 =	vadd.s32 v1, v4;
	_ =	sdelay $0x4  }
0x1f3: {  	[tilespmem:s17], [sflag:$0x1] =	stream.indirect_vreg.gather [hbm4b:s1+s3], $0x80, v4, vm0, $0xb8;
	[tilespmem:$0x18100] =	vst v63  }
0x1f4: {  	s30 =	simm.s32 $0x900  }
0x1f5: {  	[tilespmem:s30], [sflag:$0x1] =	stream.indirect_vreg.gather [hbm4b:s5+s3], $0x80, v4, vm0, $0xb8;
	[tilespmem:$0x18100] =	vst v63  }
0x1f6: {  	s23 =	simm.s32 $0x1100  }
0x1f7: {  	[tilespmem:s23], [sflag:$0x1] =	stream.indirect_vreg.gather [hbm4b:s6+s3], $0x80, v4, vm0, $0xb8;
	[tilespmem:$0x18100] =	vst v63  }
0x1f8: {  	s24 =	simm.s32 $0x1900  }
0x1f9: {  	[tilespmem:s24], [sflag:$0x1] =	stream.indirect_vreg.gather [hbm4b:s7+s3], $0x80, v4, vm0, $0xb8;
	[tilespmem:$0x18100] =	vst v63  }
0x1fa: {  	s25 =	simm.s32 $0x2100  }
0x1fb: {  	[tilespmem:s25], [sflag:$0x1] =	stream.indirect_vreg.gather [hbm4b:s8+s3], $0x80, v4, vm0, $0xb8;
	[tilespmem:$0x18100] =	vst v63  }
0x1fc: {  	s26 =	simm.s32 $0x2900  }
0x1fd: {  	[tilespmem:s26], [sflag:$0x1] =	stream.indirect_vreg.gather [hbm4b:s9+s3], $0x80, v4, vm0, $0xb8;
	[tilespmem:$0x18100] =	vst v63  }
0x1fe: {  	s28 =	simm.s32 $0x3100  }
0x1ff: {  	[tilespmem:s28], [sflag:$0x1] =	stream.indirect_vreg.gather [hbm4b:s10+s3], $0x80, v4, vm0, $0xb8;
	[tilespmem:$0x18100] =	vst v63  }
0x200: {  	s29 =	simm.s32 $0x3900  }
0x201: {  	[tilespmem:s29], [sflag:$0x1] =	stream.indirect_vreg.gather [hbm4b:s11+s3], $0x80, v4, vm0, $0xb8;
	[tilespmem:$0x18100] =	vst v63  }
0x202: {  	s30 =	simm.s32 $0x4100  }
0x203: {  	[tilespmem:s30], [sflag:$0x1] =	stream.indirect_vreg.gather [hbm4b:s12+s3], $0x80, v4, vm0, $0xb8;
	[tilespmem:$0x18100] =	vst v63  }
0x204: {  	s20 =	simm.s32 $0x4900;
	v3 =	vperm.xlane v3, v2  }
0x205: {  	[tilespmem:s20], [sflag:$0x1] =	stream.indirect_vreg.gather [hbm4b:s13+s3], $0x80, v4, vm0, $0xb8;
	[tilespmem:$0x18100] =	vst v63  }
0x206: {  	v3 =	vadd.s32 v1, v3;
	s20 =	simm.s32 $0x5100  }
0x207: {  	[tilespmem:s20], [sflag:$0x1] =	stream.indirect_vreg.gather [hbm4b:s14+s3], $0x80, v4, vm0, $0xb8;
	[tilespmem:$0x18100] =	vst v63  }
0x208: {  	s20 =	simm.s32 $0x5900  }
0x209: {  	[tilespmem:s20], [sflag:$0x1] =	stream.indirect_vreg.gather [hbm4b:s15+s3], $0x80, v4, vm0, $0xb8;
	[tilespmem:$0x18100] =	vst v63  }
0x20a: {  	s20 =	simm.s32 $0x6100  }
0x20b: {  	[tilespmem:s20], [sflag:$0x1] =	stream.indirect_vreg.gather [hbm4b:s1+s3], $0x80, v3, vm0, $0xb8;
	[tilespmem:$0x18100] =	vst v63  }
0x20c: {  	s20 =	simm.s32 $0x6900  }
0x20d: {  	[tilespmem:s20], [sflag:$0x1] =	stream.indirect_vreg.gather [hbm4b:s5+s3], $0x80, v3, vm0, $0xb8;
	[tilespmem:$0x18100] =	vst v63  }
0x20e: {  	s20 =	simm.s32 $0x7100  }
0x20f: {  	[tilespmem:s20], [sflag:$0x1] =	stream.indirect_vreg.gather [hbm4b:s6+s3], $0x80, v3, vm0, $0xb8;
	[tilespmem:$0x18100] =	vst v63  }
0x210: {  	s20 =	simm.s32 $0x7900  }
0x211: {  	[tilespmem:s20], [sflag:$0x1] =	stream.indirect_vreg.gather [hbm4b:s7+s3], $0x80, v3, vm0, $0xb8;
	[tilespmem:$0x18100] =	vst v63  }
0x212: {  	s20 =	simm.s32 $0x8100  }
0x213: {  	[tilespmem:s20], [sflag:$0x1] =	stream.indirect_vreg.gather [hbm4b:s8+s3], $0x80, v3, vm0, $0xb8;
	[tilespmem:$0x18100] =	vst v63  }
0x214: {  	s20 =	simm.s32 $0x8900  }
0x215: {  	[tilespmem:s20], [sflag:$0x1] =	stream.indirect_vreg.gather [hbm4b:s9+s3], $0x80, v3, vm0, $0xb8;
	[tilespmem:$0x18100] =	vst v63  }
0x216: {  	s20 =	simm.s32 $0x9100  }
0x217: {  	[tilespmem:s20], [sflag:$0x1] =	stream.indirect_vreg.gather [hbm4b:s10+s3], $0x80, v3, vm0, $0xb8;
	[tilespmem:$0x18100] =	vst v63  }
0x218: {  	s20 =	simm.s32 $0x9900  }
0x219: {  	[tilespmem:s20], [sflag:$0x1] =	stream.indirect_vreg.gather [hbm4b:s11+s3], $0x80, v3, vm0, $0xb8;
	[tilespmem:$0x18100] =	vst v63  }
0x21a: {  	s20 =	simm.s32 $0xA100  }
0x21b: {  	[tilespmem:s20], [sflag:$0x1] =	stream.indirect_vreg.gather [hbm4b:s12+s3], $0x80, v3, vm0, $0xb8;
	[tilespmem:$0x18100] =	vst v63  }
0x21c: {  	s22 =	simm.s32 $0xA900  }
0x21d: {  	[tilespmem:s22], [sflag:$0x1] =	stream.indirect_vreg.gather [hbm4b:s13+s3], $0x80, v3, vm0, $0xb8;
	[tilespmem:$0x18100] =	vst v63  }
0x21e: {  	_ = 	snop  }
0x21f: {  	[tilespmem:s0], [sflag:$0x1] =	stream.indirect_vreg.gather [hbm4b:s14+s3], $0x80, v3, vm0, $0xb8;
	[tilespmem:$0x18100] =	vst v63  }
0x220: {  	s20 =	simm.s32 $0xB900  }
0x221: {  	[tilespmem:s20], [sflag:$0x1] =	stream.indirect_vreg.gather [hbm4b:s15+s3], $0x80, v3, vm0, $0xb8;
	[tilespmem:$0x18100] =	vst v63  }
0x222: {  	_ =	swait.ge [sflag:s21], $0xC000  }
0x223: {  	[sflag:s21] =	ssyncset.done $0x0  }
0x224: {  	s22 =	simm.s32 $0xC100;
	s0 =	rddreg [dreg:$0xb];
	[sflag:s21] =	ssyncadd.s32 $0xFFFF4000  }
0x225: {  	[hbm4b:s0+s3] =	stream.linear.scatter [tilespmem:s22], [sflag:$0x4], $0xC000, $0x38;
	[tilespmem:$0x18100] =	vst v63  }
0x226: {  	_ =	swait.ge [sflag:s4], $0xC000  }
0x227: {  	[sflag:s4] =	ssyncset.done $0x0  }
0x228: {  	[sflag:s4] =	ssyncadd.s32 $0xFFFF4000  }
0x229: {  	v3 =	vld [tilespmem:$0x88];
	_ =	sdelay $0x4  }
0x22a: {  	v56 =	vshrl.u32 v3, $0x3  }
0x22b: {  	v4 =	vmul.u32 $0xC0, v56  }
0x22c: {  	v3 =	vand.u32 $0x7, v3  }
0x22d: {  	v3 =	vor.u32 v3, v4  }
0x22e: {  	v4 =	vperm.xlane v3, v0;
	_ =	sdelay $0x1  }
0x22f: {  	v4 =	vadd.s32 v1, v4;
	_ =	sdelay $0x4  }
0x230: {  	[tilespmem:s22], [sflag:$0x2] =	stream.indirect_vreg.gather [hbm4b:s1+s3], $0x80, v4, vm0, $0xb8;
	[tilespmem:$0x18100] =	vst v63  }
0x231: {  	s22 =	simm.s32 $0xC900  }
0x232: {  	[tilespmem:s22], [sflag:$0x2] =	stream.indirect_vreg.gather [hbm4b:s5+s3], $0x80, v4, vm0, $0xb8;
	[tilespmem:$0x18100] =	vst v63  }
0x233: {  	s19 =	simm.s32 $0xD100  }
0x234: {  	[tilespmem:s19], [sflag:$0x2] =	stream.indirect_vreg.gather [hbm4b:s6+s3], $0x80, v4, vm0, $0xb8;
	[tilespmem:$0x18100] =	vst v63  }
0x235: {  	_ = 	snop  }
0x236: {  	[tilespmem:s31], [sflag:$0x2] =	stream.indirect_vreg.gather [hbm4b:s7+s3], $0x80, v4, vm0, $0xb8;
	[tilespmem:$0x18100] =	vst v63  }
0x237: {  	s19 =	simm.s32 $0xE100  }
0x238: {  	[tilespmem:s19], [sflag:$0x2] =	stream.indirect_vreg.gather [hbm4b:s8+s3], $0x80, v4, vm0, $0xb8;
	[tilespmem:$0x18100] =	vst v63  }
0x239: {  	s31 =	simm.s32 $0xE900  }
0x23a: {  	[tilespmem:s31], [sflag:$0x2] =	stream.indirect_vreg.gather [hbm4b:s9+s3], $0x80, v4, vm0, $0xb8;
	[tilespmem:$0x18100] =	vst v63  }
0x23b: {  	s19 =	simm.s32 $0xF100  }
0x23c: {  	[tilespmem:s19], [sflag:$0x2] =	stream.indirect_vreg.gather [hbm4b:s10+s3], $0x80, v4, vm0, $0xb8;
	[tilespmem:$0x18100] =	vst v63  }
0x23d: {  	s31 =	simm.s32 $0xF900  }
0x23e: {  	[tilespmem:s31], [sflag:$0x2] =	stream.indirect_vreg.gather [hbm4b:s11+s3], $0x80, v4, vm0, $0xb8;
	[tilespmem:$0x18100] =	vst v63  }
0x23f: {  	s19 =	simm.s32 $0x10100  }
0x240: {  	[tilespmem:s19], [sflag:$0x2] =	stream.indirect_vreg.gather [hbm4b:s12+s3], $0x80, v4, vm0, $0xb8;
	[tilespmem:$0x18100] =	vst v63  }
0x241: {  	v3 =	vperm.xlane v3, v2;
	s31 =	simm.s32 $0x10900  }
0x242: {  	[tilespmem:s31], [sflag:$0x2] =	stream.indirect_vreg.gather [hbm4b:s13+s3], $0x80, v4, vm0, $0xb8;
	[tilespmem:$0x18100] =	vst v63  }
0x243: {  	v3 =	vadd.s32 v1, v3;
	s19 =	simm.s32 $0x11100  }
0x244: {  	[tilespmem:s19], [sflag:$0x2] =	stream.indirect_vreg.gather [hbm4b:s14+s3], $0x80, v4, vm0, $0xb8;
	[tilespmem:$0x18100] =	vst v63  }
0x245: {  	s31 =	simm.s32 $0x11900  }
0x246: {  	[tilespmem:s31], [sflag:$0x2] =	stream.indirect_vreg.gather [hbm4b:s15+s3], $0x80, v4, vm0, $0xb8;
	[tilespmem:$0x18100] =	vst v63  }
0x247: {  	s19 =	simm.s32 $0x12100  }
0x248: {  	[tilespmem:s19], [sflag:$0x2] =	stream.indirect_vreg.gather [hbm4b:s1+s3], $0x80, v3, vm0, $0xb8;
	[tilespmem:$0x18100] =	vst v63  }
0x249: {  	s31 =	simm.s32 $0x12900  }
0x24a: {  	[tilespmem:s31], [sflag:$0x2] =	stream.indirect_vreg.gather [hbm4b:s5+s3], $0x80, v3, vm0, $0xb8;
	[tilespmem:$0x18100] =	vst v63  }
0x24b: {  	s19 =	simm.s32 $0x13100  }
0x24c: {  	[tilespmem:s19], [sflag:$0x2] =	stream.indirect_vreg.gather [hbm4b:s6+s3], $0x80, v3, vm0, $0xb8;
	[tilespmem:$0x18100] =	vst v63  }
0x24d: {  	s31 =	simm.s32 $0x13900  }
0x24e: {  	[tilespmem:s31], [sflag:$0x2] =	stream.indirect_vreg.gather [hbm4b:s7+s3], $0x80, v3, vm0, $0xb8;
	[tilespmem:$0x18100] =	vst v63  }
0x24f: {  	s19 =	simm.s32 $0x14100  }
0x250: {  	[tilespmem:s19], [sflag:$0x2] =	stream.indirect_vreg.gather [hbm4b:s8+s3], $0x80, v3, vm0, $0xb8;
	[tilespmem:$0x18100] =	vst v63  }
0x251: {  	s31 =	simm.s32 $0x14900  }
0x252: {  	[tilespmem:s31], [sflag:$0x2] =	stream.indirect_vreg.gather [hbm4b:s9+s3], $0x80, v3, vm0, $0xb8;
	[tilespmem:$0x18100] =	vst v63  }
0x253: {  	s19 =	simm.s32 $0x15100  }
0x254: {  	[tilespmem:s19], [sflag:$0x2] =	stream.indirect_vreg.gather [hbm4b:s10+s3], $0x80, v3, vm0, $0xb8;
	[tilespmem:$0x18100] =	vst v63  }
0x255: {  	s31 =	simm.s32 $0x15900  }
0x256: {  	[tilespmem:s31], [sflag:$0x2] =	stream.indirect_vreg.gather [hbm4b:s11+s3], $0x80, v3, vm0, $0xb8;
	[tilespmem:$0x18100] =	vst v63  }
0x257: {  	s19 =	simm.s32 $0x16100  }
0x258: {  	[tilespmem:s19], [sflag:$0x2] =	stream.indirect_vreg.gather [hbm4b:s12+s3], $0x80, v3, vm0, $0xb8;
	[tilespmem:$0x18100] =	vst v63  }
0x259: {  	s31 =	simm.s32 $0x16900  }
0x25a: {  	[tilespmem:s31], [sflag:$0x2] =	stream.indirect_vreg.gather [hbm4b:s13+s3], $0x80, v3, vm0, $0xb8;
	[tilespmem:$0x18100] =	vst v63  }
0x25b: {  	s19 =	simm.s32 $0x17100  }
0x25c: {  	[tilespmem:s19], [sflag:$0x2] =	stream.indirect_vreg.gather [hbm4b:s14+s3], $0x80, v3, vm0, $0xb8;
	[tilespmem:$0x18100] =	vst v63  }
0x25d: {  	s31 =	simm.s32 $0x17900  }
0x25e: {  	[tilespmem:s31], [sflag:$0x2] =	stream.indirect_vreg.gather [hbm4b:s15+s3], $0x80, v3, vm0, $0xb8;
	[tilespmem:$0x18100] =	vst v63  }
0x25f: {  	_ =	swait.ge [sflag:s18], $0xC000  }
0x260: {  	[sflag:s18] =	ssyncset.done $0x0  }
0x261: {  	s0 =	rddreg [dreg:$0xc];
	[sflag:s18] =	ssyncadd.s32 $0xFFFF4000  }
0x262: {  	[hbm4b:s0+s3] =	stream.linear.scatter [tilespmem:s17], [sflag:$0x3], $0xC000, $0x38;
	[tilespmem:$0x18100] =	vst v63  }
0x263: {  	_ =	swait.ge [sflag:s2], $0xC000  }
0x264: {  	[sflag:s2] =	ssyncset.done $0x0  }
0x265: {  	[sflag:s2] =	ssyncadd.s32 $0xFFFF4000  }
0x266: {  	v3 =	vld [tilespmem:$0x98];
	_ =	sdelay $0x4  }
0x267: {  	v57 =	vshrl.u32 v3, $0x3  }
0x268: {  	v4 =	vmul.u32 $0xC0, v57  }
0x269: {  	v3 =	vand.u32 $0x7, v3  }
0x26a: {  	v3 =	vor.u32 v3, v4  }
0x26b: {  	v4 =	vperm.xlane v3, v0;
	_ =	sdelay $0x1  }
0x26c: {  	v4 =	vadd.s32 v1, v4;
	_ =	sdelay $0x4  }
0x26d: {  	[tilespmem:s17], [sflag:$0x1] =	stream.indirect_vreg.gather [hbm4b:s1+s3], $0x80, v4, vm0, $0xb8;
	[tilespmem:$0x18100] =	vst v63  }
0x26e: {  	s19 =	simm.s32 $0x900  }
0x26f: {  	[tilespmem:s19], [sflag:$0x1] =	stream.indirect_vreg.gather [hbm4b:s5+s3], $0x80, v4, vm0, $0xb8;
	[tilespmem:$0x18100] =	vst v63  }
0x270: {  	_ = 	snop  }
0x271: {  	[tilespmem:s23], [sflag:$0x1] =	stream.indirect_vreg.gather [hbm4b:s6+s3], $0x80, v4, vm0, $0xb8;
	[tilespmem:$0x18100] =	vst v63  }
0x272: {  	_ = 	snop  }
0x273: {  	[tilespmem:s24], [sflag:$0x1] =	stream.indirect_vreg.gather [hbm4b:s7+s3], $0x80, v4, vm0, $0xb8;
	[tilespmem:$0x18100] =	vst v63  }
0x274: {  	_ = 	snop  }
0x275: {  	[tilespmem:s25], [sflag:$0x1] =	stream.indirect_vreg.gather [hbm4b:s8+s3], $0x80, v4, vm0, $0xb8;
	[tilespmem:$0x18100] =	vst v63  }
0x276: {  	_ = 	snop  }
0x277: {  	[tilespmem:s26], [sflag:$0x1] =	stream.indirect_vreg.gather [hbm4b:s9+s3], $0x80, v4, vm0, $0xb8;
	[tilespmem:$0x18100] =	vst v63  }
0x278: {  	_ = 	snop  }
0x279: {  	[tilespmem:s28], [sflag:$0x1] =	stream.indirect_vreg.gather [hbm4b:s10+s3], $0x80, v4, vm0, $0xb8;
	[tilespmem:$0x18100] =	vst v63  }
0x27a: {  	_ = 	snop  }
0x27b: {  	[tilespmem:s29], [sflag:$0x1] =	stream.indirect_vreg.gather [hbm4b:s11+s3], $0x80, v4, vm0, $0xb8;
	[tilespmem:$0x18100] =	vst v63  }
0x27c: {  	_ = 	snop  }
0x27d: {  	[tilespmem:s30], [sflag:$0x1] =	stream.indirect_vreg.gather [hbm4b:s12+s3], $0x80, v4, vm0, $0xb8;
	[tilespmem:$0x18100] =	vst v63  }
0x27e: {  	v3 =	vperm.xlane v3, v2;
	s26 =	simm.s32 $0x4900  }
0x27f: {  	[tilespmem:s26], [sflag:$0x1] =	stream.indirect_vreg.gather [hbm4b:s13+s3], $0x80, v4, vm0, $0xb8;
	[tilespmem:$0x18100] =	vst v63  }
0x280: {  	v3 =	vadd.s32 v1, v3;
	s28 =	simm.s32 $0x5100  }
0x281: {  	[tilespmem:s28], [sflag:$0x1] =	stream.indirect_vreg.gather [hbm4b:s14+s3], $0x80, v4, vm0, $0xb8;
	[tilespmem:$0x18100] =	vst v63  }
0x282: {  	s29 =	simm.s32 $0x5900  }
0x283: {  	[tilespmem:s29], [sflag:$0x1] =	stream.indirect_vreg.gather [hbm4b:s15+s3], $0x80, v4, vm0, $0xb8;
	[tilespmem:$0x18100] =	vst v63  }
0x284: {  	s30 =	simm.s32 $0x6100  }
0x285: {  	[tilespmem:s30], [sflag:$0x1] =	stream.indirect_vreg.gather [hbm4b:s1+s3], $0x80, v3, vm0, $0xb8;
	[tilespmem:$0x18100] =	vst v63  }
0x286: {  	s31 =	simm.s32 $0x6900  }
0x287: {  	[tilespmem:s31], [sflag:$0x1] =	stream.indirect_vreg.gather [hbm4b:s5+s3], $0x80, v3, vm0, $0xb8;
	[tilespmem:$0x18100] =	vst v63  }
0x288: {  	s19 =	simm.s32 $0x7100  }
0x289: {  	[tilespmem:s19], [sflag:$0x1] =	stream.indirect_vreg.gather [hbm4b:s6+s3], $0x80, v3, vm0, $0xb8;
	[tilespmem:$0x18100] =	vst v63  }
0x28a: {  	s23 =	simm.s32 $0x7900  }
0x28b: {  	[tilespmem:s23], [sflag:$0x1] =	stream.indirect_vreg.gather [hbm4b:s7+s3], $0x80, v3, vm0, $0xb8;
	[tilespmem:$0x18100] =	vst v63  }
0x28c: {  	s24 =	simm.s32 $0x8100  }
0x28d: {  	[tilespmem:s24], [sflag:$0x1] =	stream.indirect_vreg.gather [hbm4b:s8+s3], $0x80, v3, vm0, $0xb8;
	[tilespmem:$0x18100] =	vst v63  }
0x28e: {  	s25 =	simm.s32 $0x8900  }
0x28f: {  	[tilespmem:s25], [sflag:$0x1] =	stream.indirect_vreg.gather [hbm4b:s9+s3], $0x80, v3, vm0, $0xb8;
	[tilespmem:$0x18100] =	vst v63  }
0x290: {  	s26 =	simm.s32 $0x9100  }
0x291: {  	[tilespmem:s26], [sflag:$0x1] =	stream.indirect_vreg.gather [hbm4b:s10+s3], $0x80, v3, vm0, $0xb8;
	[tilespmem:$0x18100] =	vst v63  }
0x292: {  	s28 =	simm.s32 $0x9900  }
0x293: {  	[tilespmem:s28], [sflag:$0x1] =	stream.indirect_vreg.gather [hbm4b:s11+s3], $0x80, v3, vm0, $0xb8;
	[tilespmem:$0x18100] =	vst v63  }
0x294: {  	s29 =	simm.s32 $0xA100  }
0x295: {  	[tilespmem:s29], [sflag:$0x1] =	stream.indirect_vreg.gather [hbm4b:s12+s3], $0x80, v3, vm0, $0xb8;
	[tilespmem:$0x18100] =	vst v63  }
0x296: {  	s30 =	simm.s32 $0xA900  }
0x297: {  	[tilespmem:s30], [sflag:$0x1] =	stream.indirect_vreg.gather [hbm4b:s13+s3], $0x80, v3, vm0, $0xb8;
	[tilespmem:$0x18100] =	vst v63  }
0x298: {  	s23 =	simm.s32 $0xB100  }
0x299: {  	[tilespmem:s23], [sflag:$0x1] =	stream.indirect_vreg.gather [hbm4b:s14+s3], $0x80, v3, vm0, $0xb8;
	[tilespmem:$0x18100] =	vst v63  }
0x29a: {  	_ = 	snop  }
0x29b: {  	[tilespmem:s20], [sflag:$0x1] =	stream.indirect_vreg.gather [hbm4b:s15+s3], $0x80, v3, vm0, $0xb8;
	[tilespmem:$0x18100] =	vst v63  }
0x29c: {  	_ =	swait.ge [sflag:s21], $0xC000  }
0x29d: {  	[sflag:s21] =	ssyncset.done $0x0  }
0x29e: {  	s0 =	simm.s32 $0xC100;
	s31 =	rddreg [dreg:$0xd];
	[sflag:s21] =	ssyncadd.s32 $0xFFFF4000  }
0x29f: {  	[hbm4b:s31+s3] =	stream.linear.scatter [tilespmem:s0], [sflag:$0x4], $0xC000, $0x38;
	[tilespmem:$0x18100] =	vst v63  }
0x2a0: {  	_ =	swait.ge [sflag:s4], $0xC000  }
0x2a1: {  	[sflag:s4] =	ssyncset.done $0x0  }
0x2a2: {  	[sflag:s4] =	ssyncadd.s32 $0xFFFF4000  }
0x2a3: {  	v3 =	vld [tilespmem:$0xA8];
	_ =	sdelay $0x4  }
0x2a4: {  	v58 =	vshrl.u32 v3, $0x3  }
0x2a5: {  	v4 =	vmul.u32 $0xC0, v58  }
0x2a6: {  	v3 =	vand.u32 $0x7, v3  }
0x2a7: {  	v3 =	vor.u32 v3, v4  }
0x2a8: {  	v4 =	vperm.xlane v3, v0;
	_ =	sdelay $0x1  }
0x2a9: {  	v4 =	vadd.s32 v1, v4;
	_ =	sdelay $0x4  }
0x2aa: {  	[tilespmem:s0], [sflag:$0x2] =	stream.indirect_vreg.gather [hbm4b:s1+s3], $0x80, v4, vm0, $0xb8;
	[tilespmem:$0x18100] =	vst v63  }
0x2ab: {  	_ = 	snop  }
0x2ac: {  	[tilespmem:s22], [sflag:$0x2] =	stream.indirect_vreg.gather [hbm4b:s5+s3], $0x80, v4, vm0, $0xb8;
	[tilespmem:$0x18100] =	vst v63  }
0x2ad: {  	s24 =	simm.s32 $0xD100  }
0x2ae: {  	[tilespmem:s24], [sflag:$0x2] =	stream.indirect_vreg.gather [hbm4b:s6+s3], $0x80, v4, vm0, $0xb8;
	[tilespmem:$0x18100] =	vst v63  }
0x2af: {  	s20 =	simm.s32 $0xD900  }
0x2b0: {  	[tilespmem:s20], [sflag:$0x2] =	stream.indirect_vreg.gather [hbm4b:s7+s3], $0x80, v4, vm0, $0xb8;
	[tilespmem:$0x18100] =	vst v63  }
0x2b1: {  	s31 =	simm.s32 $0xE100  }
0x2b2: {  	[tilespmem:s31], [sflag:$0x2] =	stream.indirect_vreg.gather [hbm4b:s8+s3], $0x80, v4, vm0, $0xb8;
	[tilespmem:$0x18100] =	vst v63  }
0x2b3: {  	s25 =	simm.s32 $0xE900  }
0x2b4: {  	[tilespmem:s25], [sflag:$0x2] =	stream.indirect_vreg.gather [hbm4b:s9+s3], $0x80, v4, vm0, $0xb8;
	[tilespmem:$0x18100] =	vst v63  }
0x2b5: {  	s26 =	simm.s32 $0xF100  }
0x2b6: {  	[tilespmem:s26], [sflag:$0x2] =	stream.indirect_vreg.gather [hbm4b:s10+s3], $0x80, v4, vm0, $0xb8;
	[tilespmem:$0x18100] =	vst v63  }
0x2b7: {  	s28 =	simm.s32 $0xF900  }
0x2b8: {  	[tilespmem:s28], [sflag:$0x2] =	stream.indirect_vreg.gather [hbm4b:s11+s3], $0x80, v4, vm0, $0xb8;
	[tilespmem:$0x18100] =	vst v63  }
0x2b9: {  	s29 =	simm.s32 $0x10100  }
0x2ba: {  	[tilespmem:s29], [sflag:$0x2] =	stream.indirect_vreg.gather [hbm4b:s12+s3], $0x80, v4, vm0, $0xb8;
	[tilespmem:$0x18100] =	vst v63  }
0x2bb: {  	s30 =	simm.s32 $0x10900;
	v3 =	vperm.xlane v3, v2  }
0x2bc: {  	[tilespmem:s30], [sflag:$0x2] =	stream.indirect_vreg.gather [hbm4b:s13+s3], $0x80, v4, vm0, $0xb8;
	[tilespmem:$0x18100] =	vst v63  }
0x2bd: {  	v3 =	vadd.s32 v1, v3;
	s22 =	simm.s32 $0x11100  }
0x2be: {  	[tilespmem:s22], [sflag:$0x2] =	stream.indirect_vreg.gather [hbm4b:s14+s3], $0x80, v4, vm0, $0xb8;
	[tilespmem:$0x18100] =	vst v63  }
0x2bf: {  	s24 =	simm.s32 $0x11900  }
0x2c0: {  	[tilespmem:s24], [sflag:$0x2] =	stream.indirect_vreg.gather [hbm4b:s15+s3], $0x80, v4, vm0, $0xb8;
	[tilespmem:$0x18100] =	vst v63  }
0x2c1: {  	s25 =	simm.s32 $0x12100  }
0x2c2: {  	[tilespmem:s25], [sflag:$0x2] =	stream.indirect_vreg.gather [hbm4b:s1+s3], $0x80, v3, vm0, $0xb8;
	[tilespmem:$0x18100] =	vst v63  }
0x2c3: {  	s26 =	simm.s32 $0x12900  }
0x2c4: {  	[tilespmem:s26], [sflag:$0x2] =	stream.indirect_vreg.gather [hbm4b:s5+s3], $0x80, v3, vm0, $0xb8;
	[tilespmem:$0x18100] =	vst v63  }
0x2c5: {  	s28 =	simm.s32 $0x13100  }
0x2c6: {  	[tilespmem:s28], [sflag:$0x2] =	stream.indirect_vreg.gather [hbm4b:s6+s3], $0x80, v3, vm0, $0xb8;
	[tilespmem:$0x18100] =	vst v63  }
0x2c7: {  	s29 =	simm.s32 $0x13900  }
0x2c8: {  	[tilespmem:s29], [sflag:$0x2] =	stream.indirect_vreg.gather [hbm4b:s7+s3], $0x80, v3, vm0, $0xb8;
	[tilespmem:$0x18100] =	vst v63  }
0x2c9: {  	s30 =	simm.s32 $0x14100  }
0x2ca: {  	[tilespmem:s30], [sflag:$0x2] =	stream.indirect_vreg.gather [hbm4b:s8+s3], $0x80, v3, vm0, $0xb8;
	[tilespmem:$0x18100] =	vst v63  }
0x2cb: {  	s22 =	simm.s32 $0x14900  }
0x2cc: {  	[tilespmem:s22], [sflag:$0x2] =	stream.indirect_vreg.gather [hbm4b:s9+s3], $0x80, v3, vm0, $0xb8;
	[tilespmem:$0x18100] =	vst v63  }
0x2cd: {  	s24 =	simm.s32 $0x15100  }
0x2ce: {  	[tilespmem:s24], [sflag:$0x2] =	stream.indirect_vreg.gather [hbm4b:s10+s3], $0x80, v3, vm0, $0xb8;
	[tilespmem:$0x18100] =	vst v63  }
0x2cf: {  	s25 =	simm.s32 $0x15900  }
0x2d0: {  	[tilespmem:s25], [sflag:$0x2] =	stream.indirect_vreg.gather [hbm4b:s11+s3], $0x80, v3, vm0, $0xb8;
	[tilespmem:$0x18100] =	vst v63  }
0x2d1: {  	s26 =	simm.s32 $0x16100  }
0x2d2: {  	[tilespmem:s26], [sflag:$0x2] =	stream.indirect_vreg.gather [hbm4b:s12+s3], $0x80, v3, vm0, $0xb8;
	[tilespmem:$0x18100] =	vst v63  }
0x2d3: {  	s28 =	simm.s32 $0x16900  }
0x2d4: {  	[tilespmem:s28], [sflag:$0x2] =	stream.indirect_vreg.gather [hbm4b:s13+s3], $0x80, v3, vm0, $0xb8;
	[tilespmem:$0x18100] =	vst v63  }
0x2d5: {  	s29 =	simm.s32 $0x17100  }
0x2d6: {  	[tilespmem:s29], [sflag:$0x2] =	stream.indirect_vreg.gather [hbm4b:s14+s3], $0x80, v3, vm0, $0xb8;
	[tilespmem:$0x18100] =	vst v63  }
0x2d7: {  	s30 =	simm.s32 $0x17900  }
0x2d8: {  	[tilespmem:s30], [sflag:$0x2] =	stream.indirect_vreg.gather [hbm4b:s15+s3], $0x80, v3, vm0, $0xb8;
	[tilespmem:$0x18100] =	vst v63  }
0x2d9: {  	_ =	swait.ge [sflag:s18], $0xC000  }
0x2da: {  	[sflag:s18] =	ssyncset.done $0x0  }
0x2db: {  	s22 =	rddreg [dreg:$0xe];
	[sflag:s18] =	ssyncadd.s32 $0xFFFF4000  }
0x2dc: {  	[hbm4b:s22+s3] =	stream.linear.scatter [tilespmem:s17], [sflag:$0x3], $0xC000, $0x38;
	[tilespmem:$0x18100] =	vst v63  }
0x2dd: {  	_ =	swait.ge [sflag:s2], $0xC000  }
0x2de: {  	[sflag:s2] =	ssyncset.done $0x0  }
0x2df: {  	[sflag:s2] =	ssyncadd.s32 $0xFFFF4000  }
0x2e0: {  	v3 =	vld [tilespmem:$0xB8];
	_ =	sdelay $0x4  }
0x2e1: {  	v59 =	vshrl.u32 v3, $0x3  }
0x2e2: {  	v4 =	vmul.u32 $0xC0, v59  }
0x2e3: {  	v3 =	vand.u32 $0x7, v3  }
0x2e4: {  	v3 =	vor.u32 v3, v4  }
0x2e5: {  	v4 =	vperm.xlane v3, v0;
	_ =	sdelay $0x1  }
0x2e6: {  	v4 =	vadd.s32 v1, v4;
	_ =	sdelay $0x4  }
0x2e7: {  	[tilespmem:s17], [sflag:$0x1] =	stream.indirect_vreg.gather [hbm4b:s1+s3], $0x80, v4, vm0, $0xb8;
	[tilespmem:$0x18100] =	vst v63  }
0x2e8: {  	s30 =	simm.s32 $0x900  }
0x2e9: {  	[tilespmem:s30], [sflag:$0x1] =	stream.indirect_vreg.gather [hbm4b:s5+s3], $0x80, v4, vm0, $0xb8;
	[tilespmem:$0x18100] =	vst v63  }
0x2ea: {  	s22 =	simm.s32 $0x1100  }
0x2eb: {  	[tilespmem:s22], [sflag:$0x1] =	stream.indirect_vreg.gather [hbm4b:s6+s3], $0x80, v4, vm0, $0xb8;
	[tilespmem:$0x18100] =	vst v63  }
0x2ec: {  	s24 =	simm.s32 $0x1900  }
0x2ed: {  	[tilespmem:s24], [sflag:$0x1] =	stream.indirect_vreg.gather [hbm4b:s7+s3], $0x80, v4, vm0, $0xb8;
	[tilespmem:$0x18100] =	vst v63  }
0x2ee: {  	s25 =	simm.s32 $0x2100  }
0x2ef: {  	[tilespmem:s25], [sflag:$0x1] =	stream.indirect_vreg.gather [hbm4b:s8+s3], $0x80, v4, vm0, $0xb8;
	[tilespmem:$0x18100] =	vst v63  }
0x2f0: {  	s26 =	simm.s32 $0x2900  }
0x2f1: {  	[tilespmem:s26], [sflag:$0x1] =	stream.indirect_vreg.gather [hbm4b:s9+s3], $0x80, v4, vm0, $0xb8;
	[tilespmem:$0x18100] =	vst v63  }
0x2f2: {  	s28 =	simm.s32 $0x3100  }
0x2f3: {  	[tilespmem:s28], [sflag:$0x1] =	stream.indirect_vreg.gather [hbm4b:s10+s3], $0x80, v4, vm0, $0xb8;
	[tilespmem:$0x18100] =	vst v63  }
0x2f4: {  	s29 =	simm.s32 $0x3900  }
0x2f5: {  	[tilespmem:s29], [sflag:$0x1] =	stream.indirect_vreg.gather [hbm4b:s11+s3], $0x80, v4, vm0, $0xb8;
	[tilespmem:$0x18100] =	vst v63  }
0x2f6: {  	s19 =	simm.s32 $0x4100  }
0x2f7: {  	[tilespmem:s19], [sflag:$0x1] =	stream.indirect_vreg.gather [hbm4b:s12+s3], $0x80, v4, vm0, $0xb8;
	[tilespmem:$0x18100] =	vst v63  }
0x2f8: {  	v3 =	vperm.xlane v3, v2;
	s19 =	simm.s32 $0x4900  }
0x2f9: {  	[tilespmem:s19], [sflag:$0x1] =	stream.indirect_vreg.gather [hbm4b:s13+s3], $0x80, v4, vm0, $0xb8;
	[tilespmem:$0x18100] =	vst v63  }
0x2fa: {  	v3 =	vadd.s32 v1, v3;
	s19 =	simm.s32 $0x5100  }
0x2fb: {  	[tilespmem:s19], [sflag:$0x1] =	stream.indirect_vreg.gather [hbm4b:s14+s3], $0x80, v4, vm0, $0xb8;
	[tilespmem:$0x18100] =	vst v63  }
0x2fc: {  	s19 =	simm.s32 $0x5900  }
0x2fd: {  	[tilespmem:s19], [sflag:$0x1] =	stream.indirect_vreg.gather [hbm4b:s15+s3], $0x80, v4, vm0, $0xb8;
	[tilespmem:$0x18100] =	vst v63  }
0x2fe: {  	s19 =	simm.s32 $0x6100  }
0x2ff: {  	[tilespmem:s19], [sflag:$0x1] =	stream.indirect_vreg.gather [hbm4b:s1+s3], $0x80, v3, vm0, $0xb8;
	[tilespmem:$0x18100] =	vst v63  }
0x300: {  	s19 =	simm.s32 $0x6900  }
0x301: {  	[tilespmem:s19], [sflag:$0x1] =	stream.indirect_vreg.gather [hbm4b:s5+s3], $0x80, v3, vm0, $0xb8;
	[tilespmem:$0x18100] =	vst v63  }
0x302: {  	s19 =	simm.s32 $0x7100  }
0x303: {  	[tilespmem:s19], [sflag:$0x1] =	stream.indirect_vreg.gather [hbm4b:s6+s3], $0x80, v3, vm0, $0xb8;
	[tilespmem:$0x18100] =	vst v63  }
0x304: {  	s19 =	simm.s32 $0x7900  }
0x305: {  	[tilespmem:s19], [sflag:$0x1] =	stream.indirect_vreg.gather [hbm4b:s7+s3], $0x80, v3, vm0, $0xb8;
	[tilespmem:$0x18100] =	vst v63  }
0x306: {  	s19 =	simm.s32 $0x8100  }
0x307: {  	[tilespmem:s19], [sflag:$0x1] =	stream.indirect_vreg.gather [hbm4b:s8+s3], $0x80, v3, vm0, $0xb8;
	[tilespmem:$0x18100] =	vst v63  }
0x308: {  	s19 =	simm.s32 $0x8900  }
0x309: {  	[tilespmem:s19], [sflag:$0x1] =	stream.indirect_vreg.gather [hbm4b:s9+s3], $0x80, v3, vm0, $0xb8;
	[tilespmem:$0x18100] =	vst v63  }
0x30a: {  	s19 =	simm.s32 $0x9100  }
0x30b: {  	[tilespmem:s19], [sflag:$0x1] =	stream.indirect_vreg.gather [hbm4b:s10+s3], $0x80, v3, vm0, $0xb8;
	[tilespmem:$0x18100] =	vst v63  }
0x30c: {  	s19 =	simm.s32 $0x9900  }
0x30d: {  	[tilespmem:s19], [sflag:$0x1] =	stream.indirect_vreg.gather [hbm4b:s11+s3], $0x80, v3, vm0, $0xb8;
	[tilespmem:$0x18100] =	vst v63  }
0x30e: {  	s19 =	simm.s32 $0xA100  }
0x30f: {  	[tilespmem:s19], [sflag:$0x1] =	stream.indirect_vreg.gather [hbm4b:s12+s3], $0x80, v3, vm0, $0xb8;
	[tilespmem:$0x18100] =	vst v63  }
0x310: {  	s19 =	simm.s32 $0xA900  }
0x311: {  	[tilespmem:s19], [sflag:$0x1] =	stream.indirect_vreg.gather [hbm4b:s13+s3], $0x80, v3, vm0, $0xb8;
	[tilespmem:$0x18100] =	vst v63  }
0x312: {  	_ = 	snop  }
0x313: {  	[tilespmem:s23], [sflag:$0x1] =	stream.indirect_vreg.gather [hbm4b:s14+s3], $0x80, v3, vm0, $0xb8;
	[tilespmem:$0x18100] =	vst v63  }
0x314: {  	s23 =	simm.s32 $0xB900  }
0x315: {  	[tilespmem:s23], [sflag:$0x1] =	stream.indirect_vreg.gather [hbm4b:s15+s3], $0x80, v3, vm0, $0xb8;
	[tilespmem:$0x18100] =	vst v63  }
0x316: {  	_ =	swait.ge [sflag:s21], $0xC000  }
0x317: {  	[sflag:s21] =	ssyncset.done $0x0  }
0x318: {  	s0 =	simm.s32 $0xC100;
	s23 =	rddreg [dreg:$0xf];
	[sflag:s21] =	ssyncadd.s32 $0xFFFF4000  }
0x319: {  	[hbm4b:s23+s3] =	stream.linear.scatter [tilespmem:s0], [sflag:$0x4], $0xC000, $0x38;
	[tilespmem:$0x18100] =	vst v63  }
0x31a: {  	_ =	swait.ge [sflag:s4], $0xC000  }
0x31b: {  	[sflag:s4] =	ssyncset.done $0x0  }
0x31c: {  	[sflag:s4] =	ssyncadd.s32 $0xFFFF4000  }
0x31d: {  	v3 =	vld [tilespmem:$0xC8];
	_ =	sdelay $0x4  }
0x31e: {  	v60 =	vshrl.u32 v3, $0x3  }
0x31f: {  	v4 =	vmul.u32 $0xC0, v60  }
0x320: {  	v3 =	vand.u32 $0x7, v3  }
0x321: {  	v3 =	vor.u32 v3, v4  }
0x322: {  	v4 =	vperm.xlane v3, v0;
	_ =	sdelay $0x1  }
0x323: {  	v4 =	vadd.s32 v1, v4;
	_ =	sdelay $0x4  }
0x324: {  	[tilespmem:s0], [sflag:$0x2] =	stream.indirect_vreg.gather [hbm4b:s1+s3], $0x80, v4, vm0, $0xb8;
	[tilespmem:$0x18100] =	vst v63  }
0x325: {  	s23 =	simm.s32 $0xC900  }
0x326: {  	[tilespmem:s23], [sflag:$0x2] =	stream.indirect_vreg.gather [hbm4b:s5+s3], $0x80, v4, vm0, $0xb8;
	[tilespmem:$0x18100] =	vst v63  }
0x327: {  	s19 =	simm.s32 $0xD100  }
0x328: {  	[tilespmem:s19], [sflag:$0x2] =	stream.indirect_vreg.gather [hbm4b:s6+s3], $0x80, v4, vm0, $0xb8;
	[tilespmem:$0x18100] =	vst v63  }
0x329: {  	_ = 	snop  }
0x32a: {  	[tilespmem:s20], [sflag:$0x2] =	stream.indirect_vreg.gather [hbm4b:s7+s3], $0x80, v4, vm0, $0xb8;
	[tilespmem:$0x18100] =	vst v63  }
0x32b: {  	_ = 	snop  }
0x32c: {  	[tilespmem:s31], [sflag:$0x2] =	stream.indirect_vreg.gather [hbm4b:s8+s3], $0x80, v4, vm0, $0xb8;
	[tilespmem:$0x18100] =	vst v63  }
0x32d: {  	s20 =	simm.s32 $0xE900  }
0x32e: {  	[tilespmem:s20], [sflag:$0x2] =	stream.indirect_vreg.gather [hbm4b:s9+s3], $0x80, v4, vm0, $0xb8;
	[tilespmem:$0x18100] =	vst v63  }
0x32f: {  	s23 =	simm.s32 $0xF100  }
0x330: {  	[tilespmem:s23], [sflag:$0x2] =	stream.indirect_vreg.gather [hbm4b:s10+s3], $0x80, v4, vm0, $0xb8;
	[tilespmem:$0x18100] =	vst v63  }
0x331: {  	s19 =	simm.s32 $0xF900  }
0x332: {  	[tilespmem:s19], [sflag:$0x2] =	stream.indirect_vreg.gather [hbm4b:s11+s3], $0x80, v4, vm0, $0xb8;
	[tilespmem:$0x18100] =	vst v63  }
0x333: {  	s20 =	simm.s32 $0x10100  }
0x334: {  	[tilespmem:s20], [sflag:$0x2] =	stream.indirect_vreg.gather [hbm4b:s12+s3], $0x80, v4, vm0, $0xb8;
	[tilespmem:$0x18100] =	vst v63  }
0x335: {  	v3 =	vperm.xlane v3, v2;
	s23 =	simm.s32 $0x10900  }
0x336: {  	[tilespmem:s23], [sflag:$0x2] =	stream.indirect_vreg.gather [hbm4b:s13+s3], $0x80, v4, vm0, $0xb8;
	[tilespmem:$0x18100] =	vst v63  }
0x337: {  	v3 =	vadd.s32 v1, v3;
	s19 =	simm.s32 $0x11100  }
0x338: {  	[tilespmem:s19], [sflag:$0x2] =	stream.indirect_vreg.gather [hbm4b:s14+s3], $0x80, v4, vm0, $0xb8;
	[tilespmem:$0x18100] =	vst v63  }
0x339: {  	s20 =	simm.s32 $0x11900  }
0x33a: {  	[tilespmem:s20], [sflag:$0x2] =	stream.indirect_vreg.gather [hbm4b:s15+s3], $0x80, v4, vm0, $0xb8;
	[tilespmem:$0x18100] =	vst v63  }
0x33b: {  	s23 =	simm.s32 $0x12100  }
0x33c: {  	[tilespmem:s23], [sflag:$0x2] =	stream.indirect_vreg.gather [hbm4b:s1+s3], $0x80, v3, vm0, $0xb8;
	[tilespmem:$0x18100] =	vst v63  }
0x33d: {  	s19 =	simm.s32 $0x12900  }
0x33e: {  	[tilespmem:s19], [sflag:$0x2] =	stream.indirect_vreg.gather [hbm4b:s5+s3], $0x80, v3, vm0, $0xb8;
	[tilespmem:$0x18100] =	vst v63  }
0x33f: {  	s20 =	simm.s32 $0x13100  }
0x340: {  	[tilespmem:s20], [sflag:$0x2] =	stream.indirect_vreg.gather [hbm4b:s6+s3], $0x80, v3, vm0, $0xb8;
	[tilespmem:$0x18100] =	vst v63  }
0x341: {  	s23 =	simm.s32 $0x13900  }
0x342: {  	[tilespmem:s23], [sflag:$0x2] =	stream.indirect_vreg.gather [hbm4b:s7+s3], $0x80, v3, vm0, $0xb8;
	[tilespmem:$0x18100] =	vst v63  }
0x343: {  	s19 =	simm.s32 $0x14100  }
0x344: {  	[tilespmem:s19], [sflag:$0x2] =	stream.indirect_vreg.gather [hbm4b:s8+s3], $0x80, v3, vm0, $0xb8;
	[tilespmem:$0x18100] =	vst v63  }
0x345: {  	s20 =	simm.s32 $0x14900  }
0x346: {  	[tilespmem:s20], [sflag:$0x2] =	stream.indirect_vreg.gather [hbm4b:s9+s3], $0x80, v3, vm0, $0xb8;
	[tilespmem:$0x18100] =	vst v63  }
0x347: {  	s23 =	simm.s32 $0x15100  }
0x348: {  	[tilespmem:s23], [sflag:$0x2] =	stream.indirect_vreg.gather [hbm4b:s10+s3], $0x80, v3, vm0, $0xb8;
	[tilespmem:$0x18100] =	vst v63  }
0x349: {  	s19 =	simm.s32 $0x15900  }
0x34a: {  	[tilespmem:s19], [sflag:$0x2] =	stream.indirect_vreg.gather [hbm4b:s11+s3], $0x80, v3, vm0, $0xb8;
	[tilespmem:$0x18100] =	vst v63  }
0x34b: {  	s20 =	simm.s32 $0x16100  }
0x34c: {  	[tilespmem:s20], [sflag:$0x2] =	stream.indirect_vreg.gather [hbm4b:s12+s3], $0x80, v3, vm0, $0xb8;
	[tilespmem:$0x18100] =	vst v63  }
0x34d: {  	s23 =	simm.s32 $0x16900  }
0x34e: {  	[tilespmem:s23], [sflag:$0x2] =	stream.indirect_vreg.gather [hbm4b:s13+s3], $0x80, v3, vm0, $0xb8;
	[tilespmem:$0x18100] =	vst v63  }
0x34f: {  	s19 =	simm.s32 $0x17100  }
0x350: {  	[tilespmem:s19], [sflag:$0x2] =	stream.indirect_vreg.gather [hbm4b:s14+s3], $0x80, v3, vm0, $0xb8;
	[tilespmem:$0x18100] =	vst v63  }
0x351: {  	s20 =	simm.s32 $0x17900  }
0x352: {  	[tilespmem:s20], [sflag:$0x2] =	stream.indirect_vreg.gather [hbm4b:s15+s3], $0x80, v3, vm0, $0xb8;
	[tilespmem:$0x18100] =	vst v63  }
0x353: {  	_ =	swait.ge [sflag:s18], $0xC000  }
0x354: {  	[sflag:s18] =	ssyncset.done $0x0  }
0x355: {  	s23 =	rddreg [dreg:$0x10];
	[sflag:s18] =	ssyncadd.s32 $0xFFFF4000  }
0x356: {  	[hbm4b:s23+s3] =	stream.linear.scatter [tilespmem:s17], [sflag:$0x3], $0xC000, $0x38;
	[tilespmem:$0x18100] =	vst v63  }
0x357: {  	_ =	swait.ge [sflag:s2], $0xC000  }
0x358: {  	[sflag:s2] =	ssyncset.done $0x0  }
0x359: {  	[sflag:s2] =	ssyncadd.s32 $0xFFFF4000  }
0x35a: {  	v3 =	vld [tilespmem:$0xD8];
	_ =	sdelay $0x4  }
0x35b: {  	v61 =	vshrl.u32 v3, $0x3  }
0x35c: {  	v4 =	vmul.u32 $0xC0, v61  }
0x35d: {  	v3 =	vand.u32 $0x7, v3  }
0x35e: {  	v3 =	vor.u32 v3, v4  }
0x35f: {  	v4 =	vperm.xlane v3, v0;
	_ =	sdelay $0x1  }
0x360: {  	v4 =	vadd.s32 v1, v4;
	_ =	sdelay $0x4  }
0x361: {  	[tilespmem:s17], [sflag:$0x1] =	stream.indirect_vreg.gather [hbm4b:s1+s3], $0x80, v4, vm0, $0xb8;
	[tilespmem:$0x18100] =	vst v63  }
0x362: {  	_ = 	snop  }
0x363: {  	[tilespmem:s30], [sflag:$0x1] =	stream.indirect_vreg.gather [hbm4b:s5+s3], $0x80, v4, vm0, $0xb8;
	[tilespmem:$0x18100] =	vst v63  }
0x364: {  	_ = 	snop  }
0x365: {  	[tilespmem:s22], [sflag:$0x1] =	stream.indirect_vreg.gather [hbm4b:s6+s3], $0x80, v4, vm0, $0xb8;
	[tilespmem:$0x18100] =	vst v63  }
0x366: {  	_ = 	snop  }
0x367: {  	[tilespmem:s24], [sflag:$0x1] =	stream.indirect_vreg.gather [hbm4b:s7+s3], $0x80, v4, vm0, $0xb8;
	[tilespmem:$0x18100] =	vst v63  }
0x368: {  	_ = 	snop  }
0x369: {  	[tilespmem:s25], [sflag:$0x1] =	stream.indirect_vreg.gather [hbm4b:s8+s3], $0x80, v4, vm0, $0xb8;
	[tilespmem:$0x18100] =	vst v63  }
0x36a: {  	_ = 	snop  }
0x36b: {  	[tilespmem:s26], [sflag:$0x1] =	stream.indirect_vreg.gather [hbm4b:s9+s3], $0x80, v4, vm0, $0xb8;
	[tilespmem:$0x18100] =	vst v63  }
0x36c: {  	_ = 	snop  }
0x36d: {  	[tilespmem:s28], [sflag:$0x1] =	stream.indirect_vreg.gather [hbm4b:s10+s3], $0x80, v4, vm0, $0xb8;
	[tilespmem:$0x18100] =	vst v63  }
0x36e: {  	_ = 	snop  }
0x36f: {  	[tilespmem:s29], [sflag:$0x1] =	stream.indirect_vreg.gather [hbm4b:s11+s3], $0x80, v4, vm0, $0xb8;
	[tilespmem:$0x18100] =	vst v63  }
0x370: {  	s30 =	simm.s32 $0x4100  }
0x371: {  	[tilespmem:s30], [sflag:$0x1] =	stream.indirect_vreg.gather [hbm4b:s12+s3], $0x80, v4, vm0, $0xb8;
	[tilespmem:$0x18100] =	vst v63  }
0x372: {  	s0 =	simm.s32 $0x4900;
	v3 =	vperm.xlane v3, v2  }
0x373: {  	[tilespmem:s0], [sflag:$0x1] =	stream.indirect_vreg.gather [hbm4b:s13+s3], $0x80, v4, vm0, $0xb8;
	[tilespmem:$0x18100] =	vst v63  }
0x374: {  	v3 =	vadd.s32 v1, v3;
	s22 =	simm.s32 $0x5100  }
0x375: {  	[tilespmem:s22], [sflag:$0x1] =	stream.indirect_vreg.gather [hbm4b:s14+s3], $0x80, v4, vm0, $0xb8;
	[tilespmem:$0x18100] =	vst v63  }
0x376: {  	s30 =	simm.s32 $0x5900  }
0x377: {  	[tilespmem:s30], [sflag:$0x1] =	stream.indirect_vreg.gather [hbm4b:s15+s3], $0x80, v4, vm0, $0xb8;
	[tilespmem:$0x18100] =	vst v63  }
0x378: {  	s22 =	simm.s32 $0x6100  }
0x379: {  	[tilespmem:s22], [sflag:$0x1] =	stream.indirect_vreg.gather [hbm4b:s1+s3], $0x80, v3, vm0, $0xb8;
	[tilespmem:$0x18100] =	vst v63  }
0x37a: {  	s22 =	simm.s32 $0x6900  }
0x37b: {  	[tilespmem:s22], [sflag:$0x1] =	stream.indirect_vreg.gather [hbm4b:s5+s3], $0x80, v3, vm0, $0xb8;
	[tilespmem:$0x18100] =	vst v63  }
0x37c: {  	s22 =	simm.s32 $0x7100  }
0x37d: {  	[tilespmem:s22], [sflag:$0x1] =	stream.indirect_vreg.gather [hbm4b:s6+s3], $0x80, v3, vm0, $0xb8;
	[tilespmem:$0x18100] =	vst v63  }
0x37e: {  	s22 =	simm.s32 $0x7900  }
0x37f: {  	[tilespmem:s22], [sflag:$0x1] =	stream.indirect_vreg.gather [hbm4b:s7+s3], $0x80, v3, vm0, $0xb8;
	[tilespmem:$0x18100] =	vst v63  }
0x380: {  	s22 =	simm.s32 $0x8100  }
0x381: {  	[tilespmem:s22], [sflag:$0x1] =	stream.indirect_vreg.gather [hbm4b:s8+s3], $0x80, v3, vm0, $0xb8;
	[tilespmem:$0x18100] =	vst v63  }
0x382: {  	s22 =	simm.s32 $0x8900  }
0x383: {  	[tilespmem:s22], [sflag:$0x1] =	stream.indirect_vreg.gather [hbm4b:s9+s3], $0x80, v3, vm0, $0xb8;
	[tilespmem:$0x18100] =	vst v63  }
0x384: {  	s22 =	simm.s32 $0x9100  }
0x385: {  	[tilespmem:s22], [sflag:$0x1] =	stream.indirect_vreg.gather [hbm4b:s10+s3], $0x80, v3, vm0, $0xb8;
	[tilespmem:$0x18100] =	vst v63  }
0x386: {  	s22 =	simm.s32 $0x9900  }
0x387: {  	[tilespmem:s22], [sflag:$0x1] =	stream.indirect_vreg.gather [hbm4b:s11+s3], $0x80, v3, vm0, $0xb8;
	[tilespmem:$0x18100] =	vst v63  }
0x388: {  	s22 =	simm.s32 $0xA100  }
0x389: {  	[tilespmem:s22], [sflag:$0x1] =	stream.indirect_vreg.gather [hbm4b:s12+s3], $0x80, v3, vm0, $0xb8;
	[tilespmem:$0x18100] =	vst v63  }
0x38a: {  	s22 =	simm.s32 $0xA900  }
0x38b: {  	[tilespmem:s22], [sflag:$0x1] =	stream.indirect_vreg.gather [hbm4b:s13+s3], $0x80, v3, vm0, $0xb8;
	[tilespmem:$0x18100] =	vst v63  }
0x38c: {  	s22 =	simm.s32 $0xB100  }
0x38d: {  	[tilespmem:s22], [sflag:$0x1] =	stream.indirect_vreg.gather [hbm4b:s14+s3], $0x80, v3, vm0, $0xb8;
	[tilespmem:$0x18100] =	vst v63  }
0x38e: {  	s22 =	simm.s32 $0xB900  }
0x38f: {  	[tilespmem:s22], [sflag:$0x1] =	stream.indirect_vreg.gather [hbm4b:s15+s3], $0x80, v3, vm0, $0xb8;
	[tilespmem:$0x18100] =	vst v63  }
0x390: {  	_ =	swait.ge [sflag:s21], $0xC000  }
0x391: {  	[sflag:s21] =	ssyncset.done $0x0  }
0x392: {  	s22 =	simm.s32 $0xC100;
	s19 =	rddreg [dreg:$0x11];
	[sflag:s21] =	ssyncadd.s32 $0xFFFF4000  }
0x393: {  	[hbm4b:s19+s3] =	stream.linear.scatter [tilespmem:s22], [sflag:$0x4], $0xC000, $0x38;
	[tilespmem:$0x18100] =	vst v63  }
0x394: {  	_ =	swait.ge [sflag:s4], $0xC000  }
0x395: {  	[sflag:s4] =	ssyncset.done $0x0  }
0x396: {  	[sflag:s4] =	ssyncadd.s32 $0xFFFF4000  }
0x397: {  	v3 =	vld [tilespmem:$0xE8];
	_ =	sdelay $0x4  }
0x398: {  	v62 =	vshrl.u32 v3, $0x3  }
0x399: {  	v4 =	vmul.u32 $0xC0, v62  }
0x39a: {  	v3 =	vand.u32 $0x7, v3  }
0x39b: {  	v3 =	vor.u32 v3, v4  }
0x39c: {  	v4 =	vperm.xlane v3, v0;
	_ =	sdelay $0x1  }
0x39d: {  	v4 =	vadd.s32 v1, v4;
	_ =	sdelay $0x4  }
0x39e: {  	[tilespmem:s22], [sflag:$0x2] =	stream.indirect_vreg.gather [hbm4b:s1+s3], $0x80, v4, vm0, $0xb8;
	[tilespmem:$0x18100] =	vst v63  }
0x39f: {  	s19 =	simm.s32 $0xC900  }
0x3a0: {  	[tilespmem:s19], [sflag:$0x2] =	stream.indirect_vreg.gather [hbm4b:s5+s3], $0x80, v4, vm0, $0xb8;
	[tilespmem:$0x18100] =	vst v63  }
0x3a1: {  	s19 =	simm.s32 $0xD100  }
0x3a2: {  	[tilespmem:s19], [sflag:$0x2] =	stream.indirect_vreg.gather [hbm4b:s6+s3], $0x80, v4, vm0, $0xb8;
	[tilespmem:$0x18100] =	vst v63  }
0x3a3: {  	s19 =	simm.s32 $0xD900  }
0x3a4: {  	[tilespmem:s19], [sflag:$0x2] =	stream.indirect_vreg.gather [hbm4b:s7+s3], $0x80, v4, vm0, $0xb8;
	[tilespmem:$0x18100] =	vst v63  }
0x3a5: {  	s31 =	simm.s32 $0xE100  }
0x3a6: {  	[tilespmem:s31], [sflag:$0x2] =	stream.indirect_vreg.gather [hbm4b:s8+s3], $0x80, v4, vm0, $0xb8;
	[tilespmem:$0x18100] =	vst v63  }
0x3a7: {  	s31 =	simm.s32 $0xE900  }
0x3a8: {  	[tilespmem:s31], [sflag:$0x2] =	stream.indirect_vreg.gather [hbm4b:s9+s3], $0x80, v4, vm0, $0xb8;
	[tilespmem:$0x18100] =	vst v63  }
0x3a9: {  	s31 =	simm.s32 $0xF100  }
0x3aa: {  	[tilespmem:s31], [sflag:$0x2] =	stream.indirect_vreg.gather [hbm4b:s10+s3], $0x80, v4, vm0, $0xb8;
	[tilespmem:$0x18100] =	vst v63  }
0x3ab: {  	s31 =	simm.s32 $0xF900  }
0x3ac: {  	[tilespmem:s31], [sflag:$0x2] =	stream.indirect_vreg.gather [hbm4b:s11+s3], $0x80, v4, vm0, $0xb8;
	[tilespmem:$0x18100] =	vst v63  }
0x3ad: {  	s31 =	simm.s32 $0x10100  }
0x3ae: {  	[tilespmem:s31], [sflag:$0x2] =	stream.indirect_vreg.gather [hbm4b:s12+s3], $0x80, v4, vm0, $0xb8;
	[tilespmem:$0x18100] =	vst v63  }
0x3af: {  	v3 =	vperm.xlane v3, v2;
	s31 =	simm.s32 $0x10900  }
0x3b0: {  	[tilespmem:s31], [sflag:$0x2] =	stream.indirect_vreg.gather [hbm4b:s13+s3], $0x80, v4, vm0, $0xb8;
	[tilespmem:$0x18100] =	vst v63  }
0x3b1: {  	v3 =	vadd.s32 v1, v3;
	s31 =	simm.s32 $0x11100  }
0x3b2: {  	[tilespmem:s31], [sflag:$0x2] =	stream.indirect_vreg.gather [hbm4b:s14+s3], $0x80, v4, vm0, $0xb8;
	[tilespmem:$0x18100] =	vst v63  }
0x3b3: {  	s31 =	simm.s32 $0x11900  }
0x3b4: {  	[tilespmem:s31], [sflag:$0x2] =	stream.indirect_vreg.gather [hbm4b:s15+s3], $0x80, v4, vm0, $0xb8;
	[tilespmem:$0x18100] =	vst v63  }
0x3b5: {  	s31 =	simm.s32 $0x12100  }
0x3b6: {  	[tilespmem:s31], [sflag:$0x2] =	stream.indirect_vreg.gather [hbm4b:s1+s3], $0x80, v3, vm0, $0xb8;
	[tilespmem:$0x18100] =	vst v63  }
0x3b7: {  	s31 =	simm.s32 $0x12900  }
0x3b8: {  	[tilespmem:s31], [sflag:$0x2] =	stream.indirect_vreg.gather [hbm4b:s5+s3], $0x80, v3, vm0, $0xb8;
	[tilespmem:$0x18100] =	vst v63  }
0x3b9: {  	s31 =	simm.s32 $0x13100  }
0x3ba: {  	[tilespmem:s31], [sflag:$0x2] =	stream.indirect_vreg.gather [hbm4b:s6+s3], $0x80, v3, vm0, $0xb8;
	[tilespmem:$0x18100] =	vst v63  }
0x3bb: {  	s31 =	simm.s32 $0x13900  }
0x3bc: {  	[tilespmem:s31], [sflag:$0x2] =	stream.indirect_vreg.gather [hbm4b:s7+s3], $0x80, v3, vm0, $0xb8;
	[tilespmem:$0x18100] =	vst v63  }
0x3bd: {  	s31 =	simm.s32 $0x14100  }
0x3be: {  	[tilespmem:s31], [sflag:$0x2] =	stream.indirect_vreg.gather [hbm4b:s8+s3], $0x80, v3, vm0, $0xb8;
	[tilespmem:$0x18100] =	vst v63  }
0x3bf: {  	s31 =	simm.s32 $0x14900  }
0x3c0: {  	[tilespmem:s31], [sflag:$0x2] =	stream.indirect_vreg.gather [hbm4b:s9+s3], $0x80, v3, vm0, $0xb8;
	[tilespmem:$0x18100] =	vst v63  }
0x3c1: {  	s31 =	simm.s32 $0x15100  }
0x3c2: {  	[tilespmem:s31], [sflag:$0x2] =	stream.indirect_vreg.gather [hbm4b:s10+s3], $0x80, v3, vm0, $0xb8;
	[tilespmem:$0x18100] =	vst v63  }
0x3c3: {  	s31 =	simm.s32 $0x15900  }
0x3c4: {  	[tilespmem:s31], [sflag:$0x2] =	stream.indirect_vreg.gather [hbm4b:s11+s3], $0x80, v3, vm0, $0xb8;
	[tilespmem:$0x18100] =	vst v63  }
0x3c5: {  	s31 =	simm.s32 $0x16100  }
0x3c6: {  	[tilespmem:s31], [sflag:$0x2] =	stream.indirect_vreg.gather [hbm4b:s12+s3], $0x80, v3, vm0, $0xb8;
	[tilespmem:$0x18100] =	vst v63  }
0x3c7: {  	s31 =	simm.s32 $0x16900  }
0x3c8: {  	[tilespmem:s31], [sflag:$0x2] =	stream.indirect_vreg.gather [hbm4b:s13+s3], $0x80, v3, vm0, $0xb8;
	[tilespmem:$0x18100] =	vst v63  }
0x3c9: {  	s31 =	simm.s32 $0x17100  }
0x3ca: {  	[tilespmem:s31], [sflag:$0x2] =	stream.indirect_vreg.gather [hbm4b:s14+s3], $0x80, v3, vm0, $0xb8;
	[tilespmem:$0x18100] =	vst v63  }
0x3cb: {  	s31 =	simm.s32 $0x17900  }
0x3cc: {  	[tilespmem:s31], [sflag:$0x2] =	stream.indirect_vreg.gather [hbm4b:s15+s3], $0x80, v3, vm0, $0xb8;
	[tilespmem:$0x18100] =	vst v63  }
0x3cd: {  	_ =	swait.ge [sflag:s18], $0xC000  }
0x3ce: {  	[sflag:s18] =	ssyncset.done $0x0  }
0x3cf: {  	s31 =	rddreg [dreg:$0x12];
	[sflag:s18] =	ssyncadd.s32 $0xFFFF4000  }
0x3d0: {  	[hbm4b:s31+s3] =	stream.linear.scatter [tilespmem:s17], [sflag:$0x3], $0xC000, $0x38;
	[tilespmem:$0x18100] =	vst v63  }
0x3d1: {  	_ =	swait.ge [sflag:s2], $0xC000  }
0x3d2: {  	[sflag:s2] =	ssyncset.done $0x0  }
0x3d3: {  	[sflag:s2] =	ssyncadd.s32 $0xFFFF4000  }
0x3d4: {  	v3 =	vld.msk [tilespmem:$0xF8], $0xff;
	_ =	sdelay $0x4  }
0x3d5: {  	v63 =	vshrl.u32 v3, $0x3  }
0x3d6: {  	v4 =	vmul.u32 $0xC0, v63  }
0x3d7: {  	v3 =	vand.u32 $0x7, v3  }
0x3d8: {  	v3 =	vor.u32 v3, v4  }
0x3d9: {  	v3 =	vperm.xlane v3, v0;
	_ =	sdelay $0x1  }
0x3da: {  	v3 =	vadd.s32 v1, v3;
	_ =	sdelay $0x4  }
0x3db: {  	[tilespmem:s17], [sflag:$0x1] =	stream.indirect_vreg.gather [hbm4b:s1+s3], $0x80, v3, vm0, $0xb8;
	[tilespmem:$0x18100] =	vst v63  }
0x3dc: {  	s31 =	simm.s32 $0x900  }
0x3dd: {  	[tilespmem:s31], [sflag:$0x1] =	stream.indirect_vreg.gather [hbm4b:s5+s3], $0x80, v3, vm0, $0xb8;
	[tilespmem:$0x18100] =	vst v63  }
0x3de: {  	s20 =	simm.s32 $0x1100  }
0x3df: {  	[tilespmem:s20], [sflag:$0x1] =	stream.indirect_vreg.gather [hbm4b:s6+s3], $0x80, v3, vm0, $0xb8;
	[tilespmem:$0x18100] =	vst v63  }
0x3e0: {  	s23 =	simm.s32 $0x1900  }
0x3e1: {  	[tilespmem:s23], [sflag:$0x1] =	stream.indirect_vreg.gather [hbm4b:s7+s3], $0x80, v3, vm0, $0xb8;
	[tilespmem:$0x18100] =	vst v63  }
0x3e2: {  	s24 =	simm.s32 $0x2100  }
0x3e3: {  	[tilespmem:s24], [sflag:$0x1] =	stream.indirect_vreg.gather [hbm4b:s8+s3], $0x80, v3, vm0, $0xb8;
	[tilespmem:$0x18100] =	vst v63  }
0x3e4: {  	s25 =	simm.s32 $0x2900  }
0x3e5: {  	[tilespmem:s25], [sflag:$0x1] =	stream.indirect_vreg.gather [hbm4b:s9+s3], $0x80, v3, vm0, $0xb8;
	[tilespmem:$0x18100] =	vst v63  }
0x3e6: {  	s26 =	simm.s32 $0x3100  }
0x3e7: {  	[tilespmem:s26], [sflag:$0x1] =	stream.indirect_vreg.gather [hbm4b:s10+s3], $0x80, v3, vm0, $0xb8;
	[tilespmem:$0x18100] =	vst v63  }
0x3e8: {  	s28 =	simm.s32 $0x3900  }
0x3e9: {  	[tilespmem:s28], [sflag:$0x1] =	stream.indirect_vreg.gather [hbm4b:s11+s3], $0x80, v3, vm0, $0xb8;
	[tilespmem:$0x18100] =	vst v63  }
0x3ea: {  	s28 =	simm.s32 $0x4100  }
0x3eb: {  	[tilespmem:s28], [sflag:$0x1] =	stream.indirect_vreg.gather [hbm4b:s12+s3], $0x80, v3, vm0, $0xb8;
	[tilespmem:$0x18100] =	vst v63  }
0x3ec: {  	s29 =	simm.s32 $0x4900  }
0x3ed: {  	[tilespmem:s29], [sflag:$0x1] =	stream.indirect_vreg.gather [hbm4b:s13+s3], $0x80, v3, vm0, $0xb8;
	[tilespmem:$0x18100] =	vst v63  }
0x3ee: {  	s0 =	simm.s32 $0x5100  }
0x3ef: {  	[tilespmem:s0], [sflag:$0x1] =	stream.indirect_vreg.gather [hbm4b:s14+s3], $0x80, v3, vm0, $0xb8;
	[tilespmem:$0x18100] =	vst v63  }
0x3f0: {  	s30 =	simm.s32 $0x5900  }
0x3f1: {  	[tilespmem:s30], [sflag:$0x1] =	stream.indirect_vreg.gather [hbm4b:s15+s3], $0x80, v3, vm0, $0xb8;
	[tilespmem:$0x18100] =	vst v63  }
0x3f2: {  	_ =	swait.ge [sflag:s21], $0xC000  }
0x3f3: {  	[sflag:s21] =	ssyncset.done $0x0  }
0x3f4: {  	s22 =	simm.s32 $0xC100;
	s30 =	rddreg [dreg:$0x13];
	[sflag:s21] =	ssyncadd.s32 $0xFFFF4000  }
0x3f5: {  	[hbm4b:s30+s3] =	stream.linear.scatter [tilespmem:s22], [sflag:$0x4], $0xC000, $0x38;
	[tilespmem:$0x18100] =	vst v63  }
0x3f6: {  	_ =	swait.ge [sflag:s18], $0x6000  }
0x3f7: {  	[sflag:s18] =	ssyncset.done $0x0  }
0x3f8: {  	s31 =	rddreg [dreg:$0x14];
	[sflag:s18] =	ssyncadd.s32 $0xFFFFA000  }
0x3f9: {  	[hbm4b:s31+s3] =	stream.linear.scatter [tilespmem:s17], [sflag:$0x3], $0x6000, $0x38;
	[tilespmem:$0x18100] =	vst v63  }
0x3fa: {  	p0 =	sne.s32 s16, $0x1;
	_ =	swait.ge [sflag:s2], $0x6000  }
.Ltmp0:
0x3fb: {  	[sflag:s2] =	ssyncset.done $0x0;
	(pc) =	sbr.rel @p0 .LBB2_1-.Ltmp0, $4  }
0x3fc: {  	[sflag:s2] =	ssyncadd.s32 $0xFFFFA000  }
0x3fd: {  	_ =	swait.ge [sflag:s4], $0xC000  }
0x3fe: {  	[sflag:s4] =	ssyncset.done $0x0  }
0x3ff: {  	s16 =	sadd.s32 $0xFFFFFFFF, s16;
	[sflag:s4] =	ssyncadd.s32 $0xFFFF4000  }
0x400: {  	_ =	sfence.sel $0x180000  }
0x401: {  	[bflag:$0x0] =	sbarrier.arrive $0xFFFF  }
0x402: {  	_ =	strace $0x90000047  }
0x403: {  	s0 =	stileid.u32;
	[bflag:$0x2] =	sbarrier.arrive $0xFFFF  }
0x404: {  	p0 =	sne.s32 s0, $0x0;
	s0 =	rddreg [dreg:$0x3]  }
0x405: {  	s0 =	sadd.s32 @!p0 $0x100000, s0  }
0x406: {  	[sflag:s0] =	ssyncadd.tile.s32 @!p0 $0x1;
	_ =	shalt  }
.Lfunc_end2:
_tile_overlayer_lowered:
.L_overlay_start_2:
0x407: {  	(tag) =	ssettag $0x2  }
0x408: {  	s0 =	rddreg [dreg:$0x0];
	s2 =	stileid.u32  }
0x409: {  	s1 =	rddreg [dreg:$0x1];
	p0 =	sne.s32 s2, $0x0  }
0x40a: {  	s3 =	rddreg [dreg:$0x2];
	[bflag:$0x3] =	sbarrier.arrive $0xFFFF;
	s2 =	simm.s32 @!p0 $0x1C05  }
0x40b: {  	[timem:s3], [sflag:s2] =	dma.local @!p0 [hbm:s0], s1  }
0x40c: {  	s0 =	simm.s32 @!p0 $0x5  }
0x40d: {  	_ =	swait.ge @!p0 [sflag:s0], s1  }
0x40e: {  	s1 =	ssub.s32 @!p0 $0x0, s1;
	[sflag:s0] =	ssyncset.done @!p0 $0x0  }
0x40f: {  	[sflag:s0] =	ssyncadd.s32 @!p0 s1  }
0x410: {  	[bflag:$0x3] =	sbarrier.arrive $0xFFFF  }
0x411: {  	_ =	shalt  }

</sc_bundles>
